<compile_context>
chip_gen: v7x
topology: tpu7x:2x2x1
jax: 0.10.2.dev20260603
libtpu: 0.0.44.dev20260713+nightly
codegen_flags: <defaults>
</compile_context>

<pallas_src>
import functools

import jax
import jax.numpy as jnp
from jax import lax
from jax.experimental import pallas as pl
from jax.experimental.pallas import tpu as pltpu
from jax.experimental.pallas import tpu_sc as plsc

N = 10000
D = 128
E = 320000

NC = 2
NS = 16
NW = NC * NS
EPT = E // NW
K = 100
SB = 25
NB = EPT // (SB * K)
NPAD = 10240
DEG_RPT = NPAD // NS
ACC_RPT = NPAD // NS
ZR = 64

_MESH = plsc.VectorSubcoreMesh(core_axis_name="c", subcore_axis_name="s",
                               num_cores=NC, num_subcores=NS)


DEG_UNROLL = 25


def _sc_degrees(src_hbm, dst_hbm, z1_hbm, dega_hbm, degb_hbm,
                src_v, dst_v, hist_a, hist_b):
  c = lax.axis_index("c")
  s = lax.axis_index("s")
  w = c * NS + s

  pltpu.sync_copy(z1_hbm, hist_a)
  pltpu.sync_copy(z1_hbm, hist_b)
  pltpu.sync_copy(src_hbm.at[pl.ds(w * EPT, EPT)], src_v)
  pltpu.sync_copy(dst_hbm.at[pl.ds(w * EPT, EPT)], dst_v)

  ones16 = jnp.full((16,), 1.0, jnp.float32)

  @pl.loop(0, EPT // 16, step=DEG_UNROLL)
  def _(j):
    for i in range(DEG_UNROLL):
      nida = src_v[pl.ds((j + i) * 16, 16)]
      plsc.addupdate_scatter(hist_a, [nida], ones16)
      nidb = dst_v[pl.ds((j + i) * 16, 16)]
      plsc.addupdate_scatter(hist_b, [nidb], ones16)

  pltpu.sync_copy(hist_a, dega_hbm.at[pl.ds(w * NPAD, NPAD)])
  pltpu.sync_copy(hist_b, degb_hbm.at[pl.ds(w * NPAD, NPAD)])


_sc_degrees_call = functools.partial(
    pl.kernel,
    out_type=[jax.ShapeDtypeStruct((NW * NPAD,), jnp.float32),
              jax.ShapeDtypeStruct((NW * NPAD,), jnp.float32)],
    mesh=_MESH,
    scratch_types=[
        pltpu.VMEM((EPT,), jnp.int32),
        pltpu.VMEM((EPT,), jnp.int32),
        pltpu.VMEM((NPAD,), jnp.float32),
        pltpu.VMEM((NPAD,), jnp.float32),
    ],
    compiler_params=pltpu.CompilerParams(needs_layout_passes=False),
)(_sc_degrees)


def _sc_scatter(scaled_hbm, src_hbm, dst_hbm, z2_hbm, part_hbm,
                src_v, dst_v, rows0, rows1, rows2,
                gs0, gs1, gs2, ss0, ss1, ss2, acc_sp):
  c = lax.axis_index("c")
  s = lax.axis_index("s")
  w = c * NS + s
  rows = [rows0, rows1, rows2]
  gsem = [gs0, gs1, gs2]
  ssem = [ss0, ss1, ss2]

  zd = [pltpu.async_copy(z2_hbm,
                         acc_sp.at[pl.ds(s * ACC_RPT + i * ZR, ZR), :],
                         gs0)
        for i in range(ACC_RPT // ZR)]
  for d in zd:
    d.wait()

  plsc.subcore_barrier()

  @pl.loop(0, NB)
  def _(t):
    pltpu.sync_copy(src_hbm.at[w, t], src_v)
    pltpu.sync_copy(dst_hbm.at[w, t], dst_v)
    gd = {}
    sd = {}

    def scat(r):
      gd[r].wait()
      b = r % 3
      sd[r] = pltpu.async_copy(rows[b], acc_sp.at[dst_v.at[r]], ssem[b],
                               add=True)

    for r in range(SB):
      b = r % 3
      if r >= 3:
        sd[r - 3].wait()
      gd[r] = pltpu.async_copy(scaled_hbm.at[src_v.at[r]], rows[b], gsem[b])
      if r >= 2:
        scat(r - 2)
    scat(SB - 2)
    scat(SB - 1)
    for r in range(SB - 3, SB):
      sd[r].wait()

  plsc.subcore_barrier()

  sl = pl.ds(s * ACC_RPT, ACC_RPT)
  pltpu.sync_copy(acc_sp.at[sl, :], part_hbm.at[c, sl, :])


_sc_scatter_call = functools.partial(
    pl.kernel,
    out_type=jax.ShapeDtypeStruct((NC, NPAD, D), jnp.float32),
    mesh=_MESH,
    scratch_types=[
        pltpu.VMEM((SB, K), jnp.int32),
        pltpu.VMEM((SB, K), jnp.int32),
        pltpu.VMEM((K, D), jnp.float32),
        pltpu.VMEM((K, D), jnp.float32),
        pltpu.VMEM((K, D), jnp.float32),
        pltpu.SemaphoreType.DMA,
        pltpu.SemaphoreType.DMA,
        pltpu.SemaphoreType.DMA,
        pltpu.SemaphoreType.DMA,
        pltpu.SemaphoreType.DMA,
        pltpu.SemaphoreType.DMA,
        pltpu.VMEM_SHARED((NPAD, D), jnp.float32),
    ],
)(_sc_scatter)


def _tc_prep(dega_ref, degb_ref, feats_ref, scaled_ref, norm_in_ref):
  deg_out = jnp.sum(dega_ref[...], axis=0)
  deg_in = jnp.sum(degb_ref[...], axis=0)
  norm_out = jnp.where(deg_out > 0.0,
                       lax.rsqrt(jnp.maximum(deg_out, 1.0)), 0.0)
  norm_in = jnp.where(deg_in > 0.0,
                      lax.rsqrt(jnp.maximum(deg_in, 1.0)), 0.0)
  scaled_ref[...] = feats_ref[...] * norm_out[:N][:, None]
  norm_in_ref[...] = norm_in[:N][:, None]


def _tc_prep_call(dega, degb, feats):
  return pl.pallas_call(
      _tc_prep,
      out_shape=[jax.ShapeDtypeStruct((N, D), jnp.float32),
                 jax.ShapeDtypeStruct((N, 1), jnp.float32)],
      compiler_params=pltpu.CompilerParams(
          vmem_limit_bytes=60 * 1024 * 1024),
  )(dega, degb, feats)


BR = 2000


def _tc_dense(part_ref, norm_ref, feats_ref, w_ref, wr_ref, bb_ref,
              gamma_ref, beta_ref, out_ref, y_scr, stat_scr):
  p = pl.program_id(0)
  j = pl.program_id(1)

  @pl.when(p == 0)
  def _():
    agg = (part_ref[0] + part_ref[1]) * norm_ref[...]
    y = (jnp.dot(agg, w_ref[...], preferred_element_type=jnp.float32,
                 precision=lax.Precision.HIGHEST)
         + jnp.dot(feats_ref[...], wr_ref[...],
                   preferred_element_type=jnp.float32,
                   precision=lax.Precision.HIGHEST)
         + bb_ref[...])
    y_scr[pl.ds(j * BR, BR), :] = y
    blk = jnp.concatenate([jnp.sum(y, axis=0, keepdims=True),
                           jnp.sum(y * y, axis=0, keepdims=True)], axis=0)

    @pl.when(j == 0)
    def _():
      stat_scr[...] = blk

    @pl.when(j > 0)
    def _():
      stat_scr[...] += blk

  @pl.when(p == 1)
  def _():
    mean = stat_scr[0:1, :] * (1.0 / N)
    var = stat_scr[1:2, :] * (1.0 / N) - mean * mean
    y = y_scr[pl.ds(j * BR, BR), :]
    out_ref[...] = ((y - mean) * lax.rsqrt(var + 1e-5) * gamma_ref[...]
                    + beta_ref[...])


def _tc_dense_call(part, norm_in, feats, W, W_res, bb, gamma, beta):
  first = lambda p, j: (0, jnp.where(p == 0, j, 0), 0)
  first2 = lambda p, j: (jnp.where(p == 0, j, 0), 0)
  whole = lambda p, j: (0, 0)
  return pl.pallas_call(
      _tc_dense,
      grid=(2, N // BR),
      in_specs=[
          pl.BlockSpec((NC, BR, D), first),
          pl.BlockSpec((BR, 1), first2),
          pl.BlockSpec((BR, D), first2),
          pl.BlockSpec((D, D), whole),
          pl.BlockSpec((D, D), whole),
          pl.BlockSpec((1, D), whole),
          pl.BlockSpec((1, D), whole),
          pl.BlockSpec((1, D), whole),
      ],
      out_specs=pl.BlockSpec((BR, D), lambda p, j: (j, 0)),
      out_shape=jax.ShapeDtypeStruct((N, D), jnp.float32),
      scratch_shapes=[pltpu.VMEM((N, D), jnp.float32),
                      pltpu.VMEM((2, D), jnp.float32)],
      compiler_params=pltpu.CompilerParams(
          vmem_limit_bytes=58 * 1024 * 1024,
          dimension_semantics=("arbitrary", "arbitrary")),
  )(part, norm_in, feats, W, W_res, bb, gamma, beta)


def kernel(feats, edge_index, W, b, W_res, b_res, gamma, beta):
  src4 = edge_index[0].reshape(NW, NB, SB, K)
  dst4 = edge_index[1].reshape(NW, NB, SB, K)
  z1 = jnp.zeros((NPAD,), jnp.float32)
  z2 = jnp.zeros((ZR, D), jnp.float32)

  dega, degb = _sc_degrees_call(edge_index[0], edge_index[1], z1)
  scaled, norm_in = _tc_prep_call(dega.reshape(NW, NPAD),
                                  degb.reshape(NW, NPAD), feats)
  part = _sc_scatter_call(scaled, src4, dst4, z2)

  bb = (b + b_res).reshape(1, D)
  return _tc_dense_call(part, norm_in, feats, W, W_res, bb,
                        gamma.reshape(1, D), beta.reshape(1, D))

# --- scband reference (transcript-rebuilt; emitter-appended) ---
"""Pipeline reference for scband-gcnlayer-80161269613387 (READ-ONLY COPY).

The authoritative reference and input builder live on the scoring server;
editing this copy changes nothing except your own understanding.
"""

import jax, jax.numpy as jnp
import numpy as np

N = 10000
E = 320000
D = 128


def setup_inputs(seed: int = 0) -> dict:
    key = jax.random.key(seed)
    ks = jax.random.split(key, 8)
    feats = jax.random.normal(ks[0], (N, D), dtype=jnp.float32)
    edge_index = jax.random.randint(ks[1], (2, E), 0, N, dtype=jnp.int32)
    # learned parameters (GraphConv weight/bias, residual linear, batchnorm affine)
    W = jax.random.normal(ks[2], (D, D), dtype=jnp.float32) * (1.0 / np.sqrt(D))
    b = jnp.zeros((D,), dtype=jnp.float32)
    W_res = jax.random.normal(ks[3], (D, D), dtype=jnp.float32) * (1.0 / np.sqrt(D))
    b_res = jnp.zeros((D,), dtype=jnp.float32)
    gamma = jnp.ones((D,), dtype=jnp.float32)
    beta = jnp.zeros((D,), dtype=jnp.float32)
    return {"feats": feats, "edge_index": edge_index, "W": W, "b": b,
            "W_res": W_res, "b_res": b_res, "gamma": gamma, "beta": beta}


def reference(feats, edge_index, W, b, W_res, b_res, gamma, beta):
    src = edge_index[0]
    dst = edge_index[1]
    ones = jnp.ones((src.shape[0],), dtype=feats.dtype)
    # DGL GraphConv norm='both': D_out^{-1/2} on source side, D_in^{-1/2} on dest side
    deg_out = jax.ops.segment_sum(ones, src, num_segments=N)
    deg_in = jax.ops.segment_sum(ones, dst, num_segments=N)
    norm_src = jnp.where(deg_out > 0, jax.lax.rsqrt(jnp.where(deg_out > 0, deg_out, 1.0)), 0.0)
    norm_dst = jnp.where(deg_in > 0, jax.lax.rsqrt(jnp.where(deg_in > 0, deg_in, 1.0)), 0.0)
    # message passing: gather source feats, scale, scatter-add to dst
    msg = feats[src] * norm_src[src][:, None]
    agg = jax.ops.segment_sum(msg, dst, num_segments=N)
    agg = agg * norm_dst[:, None]
    new_feats = agg @ W + b
    # residual connection (activation=None so no relu)
    res_feats = feats @ W_res + b_res
    y = new_feats + res_feats
    # dropout in eval mode = identity
    # BatchNorm1d (training-style batch statistics, eps=1e-5)
    mean = jnp.mean(y, axis=0)
    var = jnp.var(y, axis=0)
    y = (y - mean) * jax.lax.rsqrt(var + 1e-5) * gamma + beta
    return y

if __name__ == "__main__":
    import jax
    _d = setup_inputs()
    print(jax.jit(kernel)(*tuple(_d.values())))

</pallas_src>

<mosaic_0001>
#map = affine_map<(d0, d1) -> (0)>
module attributes {stable_mosaic.version = 14 : i64} {
  func.func @_sc_degrees(%arg0: i32, %arg1: i32, %arg2: memref<320000xi32, #tpu.memory_space<hbm>>, %arg3: memref<320000xi32, #tpu.memory_space<hbm>>, %arg4: memref<10240xf32, #tpu.memory_space<hbm>>, %arg5: memref<327680xf32, #tpu.memory_space<hbm>>, %arg6: memref<327680xf32, #tpu.memory_space<hbm>>, %arg7: memref<10000xi32, #tpu.memory_space<vmem>>, %arg8: memref<10000xi32, #tpu.memory_space<vmem>>, %arg9: memref<10240xf32, #tpu.memory_space<vmem>>, %arg10: memref<10240xf32, #tpu.memory_space<vmem>>) attributes {dimension_semantics = [#tpu.dimension_semantics<core_parallel>, #tpu.dimension_semantics<subcore_parallel>], iteration_bounds = array<i64: 2, 16>, scalar_prefetch = 0 : i64, scratch_operands = 4 : i64, tpu.core_type = #tpu.core_type<sc_vector_subcore>, window_params = [{transform_indices = #map}, {transform_indices = #map}, {transform_indices = #map}, {transform_indices = #map}, {transform_indices = #map}]} {
    %mul3A = arith.constant 16 : i32
    %mul3A_0 = arith.muli %arg0, %mul3A : i32
    %add3A = arith.addi %mul3A_0, %arg1 : i32
    "tpu.region"() ({
      %run_scoped3A = tpu.sem_alloc : memref<!tpu.dma_semaphore, #tpu.memory_space<semaphore_mem>>
      tpu.enqueue_dma source(%arg4 : memref<10240xf32, #tpu.memory_space<hbm>>) target(%arg9 : memref<10240xf32, #tpu.memory_space<vmem>>) target_semaphore(%run_scoped3A : memref<!tpu.dma_semaphore, #tpu.memory_space<semaphore_mem>>)
      tpu.wait_dma2 semaphore(%run_scoped3A : memref<!tpu.dma_semaphore, #tpu.memory_space<semaphore_mem>>) src(%arg4 : memref<10240xf32, #tpu.memory_space<hbm>>) dst(%arg9 : memref<10240xf32, #tpu.memory_space<vmem>>)
      tpu.yield
    }) : () -> ()
    "tpu.region"() ({
      %run_scoped3A = tpu.sem_alloc : memref<!tpu.dma_semaphore, #tpu.memory_space<semaphore_mem>>
      tpu.enqueue_dma source(%arg4 : memref<10240xf32, #tpu.memory_space<hbm>>) target(%arg10 : memref<10240xf32, #tpu.memory_space<vmem>>) target_semaphore(%run_scoped3A : memref<!tpu.dma_semaphore, #tpu.memory_space<semaphore_mem>>)
      tpu.wait_dma2 semaphore(%run_scoped3A : memref<!tpu.dma_semaphore, #tpu.memory_space<semaphore_mem>>) src(%arg4 : memref<10240xf32, #tpu.memory_space<hbm>>) dst(%arg10 : memref<10240xf32, #tpu.memory_space<vmem>>)
      tpu.yield
    }) : () -> ()
    %mul3A_1 = arith.constant 10000 : i32
    %mul3A_2 = arith.muli %add3A, %mul3A_1 : i32
    "tpu.region"() ({
      %run_scoped3A = tpu.sem_alloc : memref<!tpu.dma_semaphore, #tpu.memory_space<semaphore_mem>>
      %dma_start3A = tpu.memref_slice %arg2[%mul3A_2] : memref<320000xi32, #tpu.memory_space<hbm>> -> memref<10000xi32, #tpu.memory_space<hbm>>
      %dma_start3A_14 = tpu.memref_slice %arg2[%mul3A_2] : memref<320000xi32, #tpu.memory_space<hbm>> -> memref<10000xi32, #tpu.memory_space<hbm>>
      tpu.enqueue_dma source(%dma_start3A_14 : memref<10000xi32, #tpu.memory_space<hbm>>) target(%arg7 : memref<10000xi32, #tpu.memory_space<vmem>>) target_semaphore(%run_scoped3A : memref<!tpu.dma_semaphore, #tpu.memory_space<semaphore_mem>>)
      %dma_wait3A = tpu.memref_slice %arg2[%mul3A_2] : memref<320000xi32, #tpu.memory_space<hbm>> -> memref<10000xi32, #tpu.memory_space<hbm>>
      %dma_wait3A_15 = tpu.memref_slice %arg2[%mul3A_2] : memref<320000xi32, #tpu.memory_space<hbm>> -> memref<10000xi32, #tpu.memory_space<hbm>>
      tpu.wait_dma2 semaphore(%run_scoped3A : memref<!tpu.dma_semaphore, #tpu.memory_space<semaphore_mem>>) src(%dma_wait3A_15 : memref<10000xi32, #tpu.memory_space<hbm>>) dst(%arg7 : memref<10000xi32, #tpu.memory_space<vmem>>)
      tpu.yield
    }) : () -> ()
    %mul3A_3 = arith.constant 10000 : i32
    %mul3A_4 = arith.muli %add3A, %mul3A_3 : i32
    "tpu.region"() ({
      %run_scoped3A = tpu.sem_alloc : memref<!tpu.dma_semaphore, #tpu.memory_space<semaphore_mem>>
      %dma_start3A = tpu.memref_slice %arg3[%mul3A_4] : memref<320000xi32, #tpu.memory_space<hbm>> -> memref<10000xi32, #tpu.memory_space<hbm>>
      %dma_start3A_14 = tpu.memref_slice %arg3[%mul3A_4] : memref<320000xi32, #tpu.memory_space<hbm>> -> memref<10000xi32, #tpu.memory_space<hbm>>
      tpu.enqueue_dma source(%dma_start3A_14 : memref<10000xi32, #tpu.memory_space<hbm>>) target(%arg8 : memref<10000xi32, #tpu.memory_space<vmem>>) target_semaphore(%run_scoped3A : memref<!tpu.dma_semaphore, #tpu.memory_space<semaphore_mem>>)
      %dma_wait3A = tpu.memref_slice %arg3[%mul3A_4] : memref<320000xi32, #tpu.memory_space<hbm>> -> memref<10000xi32, #tpu.memory_space<hbm>>
      %dma_wait3A_15 = tpu.memref_slice %arg3[%mul3A_4] : memref<320000xi32, #tpu.memory_space<hbm>> -> memref<10000xi32, #tpu.memory_space<hbm>>
      tpu.wait_dma2 semaphore(%run_scoped3A : memref<!tpu.dma_semaphore, #tpu.memory_space<semaphore_mem>>) src(%dma_wait3A_15 : memref<10000xi32, #tpu.memory_space<hbm>>) dst(%arg8 : memref<10000xi32, #tpu.memory_space<vmem>>)
      tpu.yield
    }) : () -> ()
    %broadcast_in_dim3A = arith.constant 1.000000e+00 : f32
    %broadcast_in_dim3A_5 = vector.broadcast %broadcast_in_dim3A : f32 to vector<16xf32>
    %scan3A = arith.constant 0 : i32
    %scan3A_6 = arith.constant 25 : i32
    %scan3A_7 = arith.addi %scan3A, %scan3A_6 : i32
    %scan3A_8 = arith.constant 1 : i32
    scf.for %scan3A_14 = %scan3A to %scan3A_7 step %scan3A_8  : i32 {
      %mul3A_15 = arith.constant 25 : i32
      %mul3A_16 = arith.muli %scan3A_14, %mul3A_15 : i32
      %add3A_17 = arith.constant 0 : i32
      %add3A_18 = arith.addi %add3A_17, %mul3A_16 : i32
      %add3A_19 = arith.constant 0 : i32
      %add3A_20 = arith.addi %add3A_18, %add3A_19 : i32
      %mul3A_21 = arith.constant 16 : i32
      %mul3A_22 = arith.muli %add3A_20, %mul3A_21 : i32
      %get3A = arith.index_cast %mul3A_22 : i32 to index
      %get3A_23 = tpu.vector_load %arg7[%get3A] {strides = array<i32>} : memref<10000xi32, #tpu.memory_space<vmem>>, vector<16xi32>,
      tpu.vector_store_idx %arg9[%get3A_23], %broadcast_in_dim3A_5 {add = true} : memref<10240xf32, #tpu.memory_space<vmem>>[vector<16xi32>], vector<16xf32>,
      %add3A_24 = arith.constant 0 : i32
      %add3A_25 = arith.addi %add3A_18, %add3A_24 : i32
      %mul3A_26 = arith.constant 16 : i32
      %mul3A_27 = arith.muli %add3A_25, %mul3A_26 : i32
      %get3A_28 = arith.index_cast %mul3A_27 : i32 to index
      %get3A_29 = tpu.vector_load %arg8[%get3A_28] {strides = array<i32>} : memref<10000xi32, #tpu.memory_space<vmem>>, vector<16xi32>,
      tpu.vector_store_idx %arg10[%get3A_29], %broadcast_in_dim3A_5 {add = true} : memref<10240xf32, #tpu.memory_space<vmem>>[vector<16xi32>], vector<16xf32>,
      %add3A_30 = arith.constant 1 : i32
      %add3A_31 = arith.addi %add3A_18, %add3A_30 : i32
      %mul3A_32 = arith.constant 16 : i32
      %mul3A_33 = arith.muli %add3A_31, %mul3A_32 : i32
      %get3A_34 = arith.index_cast %mul3A_33 : i32 to index
      %get3A_35 = tpu.vector_load %arg7[%get3A_34] {strides = array<i32>} : memref<10000xi32, #tpu.memory_space<vmem>>, vector<16xi32>,
      tpu.vector_store_idx %arg9[%get3A_35], %broadcast_in_dim3A_5 {add = true} : memref<10240xf32, #tpu.memory_space<vmem>>[vector<16xi32>], vector<16xf32>,
      %add3A_36 = arith.constant 1 : i32
      %add3A_37 = arith.addi %add3A_18, %add3A_36 : i32
      %mul3A_38 = arith.constant 16 : i32
      %mul3A_39 = arith.muli %add3A_37, %mul3A_38 : i32
      %get3A_40 = arith.index_cast %mul3A_39 : i32 to index
      %get3A_41 = tpu.vector_load %arg8[%get3A_40] {strides = array<i32>} : memref<10000xi32, #tpu.memory_space<vmem>>, vector<16xi32>,
      tpu.vector_store_idx %arg10[%get3A_41], %broadcast_in_dim3A_5 {add = true} : memref<10240xf32, #tpu.memory_space<vmem>>[vector<16xi32>], vector<16xf32>,
      %add3A_42 = arith.constant 2 : i32
      %add3A_43 = arith.addi %add3A_18, %add3A_42 : i32
      %mul3A_44 = arith.constant 16 : i32
      %mul3A_45 = arith.muli %add3A_43, %mul3A_44 : i32
      %get3A_46 = arith.index_cast %mul3A_45 : i32 to index
      %get3A_47 = tpu.vector_load %arg7[%get3A_46] {strides = array<i32>} : memref<10000xi32, #tpu.memory_space<vmem>>, vector<16xi32>,
      tpu.vector_store_idx %arg9[%get3A_47], %broadcast_in_dim3A_5 {add = true} : memref<10240xf32, #tpu.memory_space<vmem>>[vector<16xi32>], vector<16xf32>,
      %add3A_48 = arith.constant 2 : i32
      %add3A_49 = arith.addi %add3A_18, %add3A_48 : i32
      %mul3A_50 = arith.constant 16 : i32
      %mul3A_51 = arith.muli %add3A_49, %mul3A_50 : i32
      %get3A_52 = arith.index_cast %mul3A_51 : i32 to index
      %get3A_53 = tpu.vector_load %arg8[%get3A_52] {strides = array<i32>} : memref<10000xi32, #tpu.memory_space<vmem>>, vector<16xi32>,
      tpu.vector_store_idx %arg10[%get3A_53], %broadcast_in_dim3A_5 {add = true} : memref<10240xf32, #tpu.memory_space<vmem>>[vector<16xi32>], vector<16xf32>,
      %add3A_54 = arith.constant 3 : i32
      %add3A_55 = arith.addi %add3A_18, %add3A_54 : i32
      %mul3A_56 = arith.constant 16 : i32
      %mul3A_57 = arith.muli %add3A_55, %mul3A_56 : i32
      %get3A_58 = arith.index_cast %mul3A_57 : i32 to index
      %get3A_59 = tpu.vector_load %arg7[%get3A_58] {strides = array<i32>} : memref<10000xi32, #tpu.memory_space<vmem>>, vector<16xi32>,
      tpu.vector_store_idx %arg9[%get3A_59], %broadcast_in_dim3A_5 {add = true} : memref<10240xf32, #tpu.memory_space<vmem>>[vector<16xi32>], vector<16xf32>,
      %add3A_60 = arith.constant 3 : i32
      %add3A_61 = arith.addi %add3A_18, %add3A_60 : i32
      %mul3A_62 = arith.constant 16 : i32
      %mul3A_63 = arith.muli %add3A_61, %mul3A_62 : i32
      %get3A_64 = arith.index_cast %mul3A_63 : i32 to index
      %get3A_65 = tpu.vector_load %arg8[%get3A_64] {strides = array<i32>} : memref<10000xi32, #tpu.memory_space<vmem>>, vector<16xi32>,
      tpu.vector_store_idx %arg10[%get3A_65], %broadcast_in_dim3A_5 {add = true} : memref<10240xf32, #tpu.memory_space<vmem>>[vector<16xi32>], vector<16xf32>,
      %add3A_66 = arith.constant 4 : i32
      %add3A_67 = arith.addi %add3A_18, %add3A_66 : i32
      %mul3A_68 = arith.constant 16 : i32
      %mul3A_69 = arith.muli %add3A_67, %mul3A_68 : i32
      %get3A_70 = arith.index_cast %mul3A_69 : i32 to index
      %get3A_71 = tpu.vector_load %arg7[%get3A_70] {strides = array<i32>} : memref<10000xi32, #tpu.memory_space<vmem>>, vector<16xi32>,
      tpu.vector_store_idx %arg9[%get3A_71], %broadcast_in_dim3A_5 {add = true} : memref<10240xf32, #tpu.memory_space<vmem>>[vector<16xi32>], vector<16xf32>,
      %add3A_72 = arith.constant 4 : i32
      %add3A_73 = arith.addi %add3A_18, %add3A_72 : i32
      %mul3A_74 = arith.constant 16 : i32
      %mul3A_75 = arith.muli %add3A_73, %mul3A_74 : i32
      %get3A_76 = arith.index_cast %mul3A_75 : i32 to index
      %get3A_77 = tpu.vector_load %arg8[%get3A_76] {strides = array<i32>} : memref<10000xi32, #tpu.memory_space<vmem>>, vector<16xi32>,
      tpu.vector_store_idx %arg10[%get3A_77], %broadcast_in_dim3A_5 {add = true} : memref<10240xf32, #tpu.memory_space<vmem>>[vector<16xi32>], vector<16xf32>,
      %add3A_78 = arith.constant 5 : i32
      %add3A_79 = arith.addi %add3A_18, %add3A_78 : i32
      %mul3A_80 = arith.constant 16 : i32
      %mul3A_81 = arith.muli %add3A_79, %mul3A_80 : i32
      %get3A_82 = arith.index_cast %mul3A_81 : i32 to index
      %get3A_83 = tpu.vector_load %arg7[%get3A_82] {strides = array<i32>} : memref<10000xi32, #tpu.memory_space<vmem>>, vector<16xi32>,
      tpu.vector_store_idx %arg9[%get3A_83], %broadcast_in_dim3A_5 {add = true} : memref<10240xf32, #tpu.memory_space<vmem>>[vector<16xi32>], vector<16xf32>,
      %add3A_84 = arith.constant 5 : i32
      %add3A_85 = arith.addi %add3A_18, %add3A_84 : i32
      %mul3A_86 = arith.constant 16 : i32
      %mul3A_87 = arith.muli %add3A_85, %mul3A_86 : i32
      %get3A_88 = arith.index_cast %mul3A_87 : i32 to index
      %get3A_89 = tpu.vector_load %arg8[%get3A_88] {strides = array<i32>} : memref<10000xi32, #tpu.memory_space<vmem>>, vector<16xi32>,
      tpu.vector_store_idx %arg10[%get3A_89], %broadcast_in_dim3A_5 {add = true} : memref<10240xf32, #tpu.memory_space<vmem>>[vector<16xi32>], vector<16xf32>,
      %add3A_90 = arith.constant 6 : i32
      %add3A_91 = arith.addi %add3A_18, %add3A_90 : i32
      %mul3A_92 = arith.constant 16 : i32
      %mul3A_93 = arith.muli %add3A_91, %mul3A_92 : i32
      %get3A_94 = arith.index_cast %mul3A_93 : i32 to index
      %get3A_95 = tpu.vector_load %arg7[%get3A_94] {strides = array<i32>} : memref<10000xi32, #tpu.memory_space<vmem>>, vector<16xi32>,
      tpu.vector_store_idx %arg9[%get3A_95], %broadcast_in_dim3A_5 {add = true} : memref<10240xf32, #tpu.memory_space<vmem>>[vector<16xi32>], vector<16xf32>,
      %add3A_96 = arith.constant 6 : i32
      %add3A_97 = arith.addi %add3A_18, %add3A_96 : i32
      %mul3A_98 = arith.constant 16 : i32
      %mul3A_99 = arith.muli %add3A_97, %mul3A_98 : i32
      %get3A_100 = arith.index_cast %mul3A_99 : i32 to index
      %get3A_101 = tpu.vector_load %arg8[%get3A_100] {strides = array<i32>} : memref<10000xi32, #tpu.memory_space<vmem>>, vector<16xi32>,
      tpu.vector_store_idx %arg10[%get3A_101], %broadcast_in_dim3A_5 {add = true} : memref<10240xf32, #tpu.memory_space<vmem>>[vector<16xi32>], vector<16xf32>,
      %add3A_102 = arith.constant 7 : i32
      %add3A_103 = arith.addi %add3A_18, %add3A_102 : i32
      %mul3A_104 = arith.constant 16 : i32
      %mul3A_105 = arith.muli %add3A_103, %mul3A_104 : i32
      %get3A_106 = arith.index_cast %mul3A_105 : i32 to index
      %get3A_107 = tpu.vector_load %arg7[%get3A_106] {strides = array<i32>} : memref<10000xi32, #tpu.memory_space<vmem>>, vector<16xi32>,
      tpu.vector_store_idx %arg9[%get3A_107], %broadcast_in_dim3A_5 {add = true} : memref<10240xf32, #tpu.memory_space<vmem>>[vector<16xi32>], vector<16xf32>,
      %add3A_108 = arith.constant 7 : i32
      %add3A_109 = arith.addi %add3A_18, %add3A_108 : i32
      %mul3A_110 = arith.constant 16 : i32
      %mul3A_111 = arith.muli %add3A_109, %mul3A_110 : i32
      %get3A_112 = arith.index_cast %mul3A_111 : i32 to index
      %get3A_113 = tpu.vector_load %arg8[%get3A_112] {strides = array<i32>} : memref<10000xi32, #tpu.memory_space<vmem>>, vector<16xi32>,
      tpu.vector_store_idx %arg10[%get3A_113], %broadcast_in_dim3A_5 {add = true} : memref<10240xf32, #tpu.memory_space<vmem>>[vector<16xi32>], vector<16xf32>,
      %add3A_114 = arith.constant 8 : i32
      %add3A_115 = arith.addi %add3A_18, %add3A_114 : i32
      %mul3A_116 = arith.constant 16 : i32
      %mul3A_117 = arith.muli %add3A_115, %mul3A_116 : i32
      %get3A_118 = arith.index_cast %mul3A_117 : i32 to index
      %get3A_119 = tpu.vector_load %arg7[%get3A_118] {strides = array<i32>} : memref<10000xi32, #tpu.memory_space<vmem>>, vector<16xi32>,
      tpu.vector_store_idx %arg9[%get3A_119], %broadcast_in_dim3A_5 {add = true} : memref<10240xf32, #tpu.memory_space<vmem>>[vector<16xi32>], vector<16xf32>,
      %add3A_120 = arith.constant 8 : i32
      %add3A_121 = arith.addi %add3A_18, %add3A_120 : i32
      %mul3A_122 = arith.constant 16 : i32
      %mul3A_123 = arith.muli %add3A_121, %mul3A_122 : i32
      %get3A_124 = arith.index_cast %mul3A_123 : i32 to index
      %get3A_125 = tpu.vector_load %arg8[%get3A_124] {strides = array<i32>} : memref<10000xi32, #tpu.memory_space<vmem>>, vector<16xi32>,
      tpu.vector_store_idx %arg10[%get3A_125], %broadcast_in_dim3A_5 {add = true} : memref<10240xf32, #tpu.memory_space<vmem>>[vector<16xi32>], vector<16xf32>,
      %add3A_126 = arith.constant 9 : i32
      %add3A_127 = arith.addi %add3A_18, %add3A_126 : i32
      %mul3A_128 = arith.constant 16 : i32
      %mul3A_129 = arith.muli %add3A_127, %mul3A_128 : i32
      %get3A_130 = arith.index_cast %mul3A_129 : i32 to index
      %get3A_131 = tpu.vector_load %arg7[%get3A_130] {strides = array<i32>} : memref<10000xi32, #tpu.memory_space<vmem>>, vector<16xi32>,
      tpu.vector_store_idx %arg9[%get3A_131], %broadcast_in_dim3A_5 {add = true} : memref<10240xf32, #tpu.memory_space<vmem>>[vector<16xi32>], vector<16xf32>,
      %add3A_132 = arith.constant 9 : i32
      %add3A_133 = arith.addi %add3A_18, %add3A_132 : i32
      %mul3A_134 = arith.constant 16 : i32
      %mul3A_135 = arith.muli %add3A_133, %mul3A_134 : i32
      %get3A_136 = arith.index_cast %mul3A_135 : i32 to index
      %get3A_137 = tpu.vector_load %arg8[%get3A_136] {strides = array<i32>} : memref<10000xi32, #tpu.memory_space<vmem>>, vector<16xi32>,
      tpu.vector_store_idx %arg10[%get3A_137], %broadcast_in_dim3A_5 {add = true} : memref<10240xf32, #tpu.memory_space<vmem>>[vector<16xi32>], vector<16xf32>,
      %add3A_138 = arith.constant 10 : i32
      %add3A_139 = arith.addi %add3A_18, %add3A_138 : i32
      %mul3A_140 = arith.constant 16 : i32
      %mul3A_141 = arith.muli %add3A_139, %mul3A_140 : i32
      %get3A_142 = arith.index_cast %mul3A_141 : i32 to index
      %get3A_143 = tpu.vector_load %arg7[%get3A_142] {strides = array<i32>} : memref<10000xi32, #tpu.memory_space<vmem>>, vector<16xi32>,
      tpu.vector_store_idx %arg9[%get3A_143], %broadcast_in_dim3A_5 {add = true} : memref<10240xf32, #tpu.memory_space<vmem>>[vector<16xi32>], vector<16xf32>,
      %add3A_144 = arith.constant 10 : i32
      %add3A_145 = arith.addi %add3A_18, %add3A_144 : i32
      %mul3A_146 = arith.constant 16 : i32
      %mul3A_147 = arith.muli %add3A_145, %mul3A_146 : i32
      %get3A_148 = arith.index_cast %mul3A_147 : i32 to index
      %get3A_149 = tpu.vector_load %arg8[%get3A_148] {strides = array<i32>} : memref<10000xi32, #tpu.memory_space<vmem>>, vector<16xi32>,
      tpu.vector_store_idx %arg10[%get3A_149], %broadcast_in_dim3A_5 {add = true} : memref<10240xf32, #tpu.memory_space<vmem>>[vector<16xi32>], vector<16xf32>,
      %add3A_150 = arith.constant 11 : i32
      %add3A_151 = arith.addi %add3A_18, %add3A_150 : i32
      %mul3A_152 = arith.constant 16 : i32
      %mul3A_153 = arith.muli %add3A_151, %mul3A_152 : i32
      %get3A_154 = arith.index_cast %mul3A_153 : i32 to index
      %get3A_155 = tpu.vector_load %arg7[%get3A_154] {strides = array<i32>} : memref<10000xi32, #tpu.memory_space<vmem>>, vector<16xi32>,
      tpu.vector_store_idx %arg9[%get3A_155], %broadcast_in_dim3A_5 {add = true} : memref<10240xf32, #tpu.memory_space<vmem>>[vector<16xi32>], vector<16xf32>,
      %add3A_156 = arith.constant 11 : i32
      %add3A_157 = arith.addi %add3A_18, %add3A_156 : i32
      %mul3A_158 = arith.constant 16 : i32
      %mul3A_159 = arith.muli %add3A_157, %mul3A_158 : i32
      %get3A_160 = arith.index_cast %mul3A_159 : i32 to index
      %get3A_161 = tpu.vector_load %arg8[%get3A_160] {strides = array<i32>} : memref<10000xi32, #tpu.memory_space<vmem>>, vector<16xi32>,
      tpu.vector_store_idx %arg10[%get3A_161], %broadcast_in_dim3A_5 {add = true} : memref<10240xf32, #tpu.memory_space<vmem>>[vector<16xi32>], vector<16xf32>,
      %add3A_162 = arith.constant 12 : i32
      %add3A_163 = arith.addi %add3A_18, %add3A_162 : i32
      %mul3A_164 = arith.constant 16 : i32
      %mul3A_165 = arith.muli %add3A_163, %mul3A_164 : i32
      %get3A_166 = arith.index_cast %mul3A_165 : i32 to index
      %get3A_167 = tpu.vector_load %arg7[%get3A_166] {strides = array<i32>} : memref<10000xi32, #tpu.memory_space<vmem>>, vector<16xi32>,
      tpu.vector_store_idx %arg9[%get3A_167], %broadcast_in_dim3A_5 {add = true} : memref<10240xf32, #tpu.memory_space<vmem>>[vector<16xi32>], vector<16xf32>,
      %add3A_168 = arith.constant 12 : i32
      %add3A_169 = arith.addi %add3A_18, %add3A_168 : i32
      %mul3A_170 = arith.constant 16 : i32
      %mul3A_171 = arith.muli %add3A_169, %mul3A_170 : i32
      %get3A_172 = arith.index_cast %mul3A_171 : i32 to index
      %get3A_173 = tpu.vector_load %arg8[%get3A_172] {strides = array<i32>} : memref<10000xi32, #tpu.memory_space<vmem>>, vector<16xi32>,
      tpu.vector_store_idx %arg10[%get3A_173], %broadcast_in_dim3A_5 {add = true} : memref<10240xf32, #tpu.memory_space<vmem>>[vector<16xi32>], vector<16xf32>,
      %add3A_174 = arith.constant 13 : i32
      %add3A_175 = arith.addi %add3A_18, %add3A_174 : i32
      %mul3A_176 = arith.constant 16 : i32
      %mul3A_177 = arith.muli %add3A_175, %mul3A_176 : i32
      %get3A_178 = arith.index_cast %mul3A_177 : i32 to index
      %get3A_179 = tpu.vector_load %arg7[%get3A_178] {strides = array<i32>} : memref<10000xi32, #tpu.memory_space<vmem>>, vector<16xi32>,
      tpu.vector_store_idx %arg9[%get3A_179], %broadcast_in_dim3A_5 {add = true} : memref<10240xf32, #tpu.memory_space<vmem>>[vector<16xi32>], vector<16xf32>,
      %add3A_180 = arith.constant 13 : i32
      %add3A_181 = arith.addi %add3A_18, %add3A_180 : i32
      %mul3A_182 = arith.constant 16 : i32
      %mul3A_183 = arith.muli %add3A_181, %mul3A_182 : i32
      %get3A_184 = arith.index_cast %mul3A_183 : i32 to index
      %get3A_185 = tpu.vector_load %arg8[%get3A_184] {strides = array<i32>} : memref<10000xi32, #tpu.memory_space<vmem>>, vector<16xi32>,
      tpu.vector_store_idx %arg10[%get3A_185], %broadcast_in_dim3A_5 {add = true} : memref<10240xf32, #tpu.memory_space<vmem>>[vector<16xi32>], vector<16xf32>,
      %add3A_186 = arith.constant 14 : i32
      %add3A_187 = arith.addi %add3A_18, %add3A_186 : i32
      %mul3A_188 = arith.constant 16 : i32
      %mul3A_189 = arith.muli %add3A_187, %mul3A_188 : i32
      %get3A_190 = arith.index_cast %mul3A_189 : i32 to index
      %get3A_191 = tpu.vector_load %arg7[%get3A_190] {strides = array<i32>} : memref<10000xi32, #tpu.memory_space<vmem>>, vector<16xi32>,
      tpu.vector_store_idx %arg9[%get3A_191], %broadcast_in_dim3A_5 {add = true} : memref<10240xf32, #tpu.memory_space<vmem>>[vector<16xi32>], vector<16xf32>,
      %add3A_192 = arith.constant 14 : i32
      %add3A_193 = arith.addi %add3A_18, %add3A_192 : i32
      %mul3A_194 = arith.constant 16 : i32
      %mul3A_195 = arith.muli %add3A_193, %mul3A_194 : i32
      %get3A_196 = arith.index_cast %mul3A_195 : i32 to index
      %get3A_197 = tpu.vector_load %arg8[%get3A_196] {strides = array<i32>} : memref<10000xi32, #tpu.memory_space<vmem>>, vector<16xi32>,
      tpu.vector_store_idx %arg10[%get3A_197], %broadcast_in_dim3A_5 {add = true} : memref<10240xf32, #tpu.memory_space<vmem>>[vector<16xi32>], vector<16xf32>,
      %add3A_198 = arith.constant 15 : i32
      %add3A_199 = arith.addi %add3A_18, %add3A_198 : i32
      %mul3A_200 = arith.constant 16 : i32
      %mul3A_201 = arith.muli %add3A_199, %mul3A_200 : i32
      %get3A_202 = arith.index_cast %mul3A_201 : i32 to index
      %get3A_203 = tpu.vector_load %arg7[%get3A_202] {strides = array<i32>} : memref<10000xi32, #tpu.memory_space<vmem>>, vector<16xi32>,
      tpu.vector_store_idx %arg9[%get3A_203], %broadcast_in_dim3A_5 {add = true} : memref<10240xf32, #tpu.memory_space<vmem>>[vector<16xi32>], vector<16xf32>,
      %add3A_204 = arith.constant 15 : i32
      %add3A_205 = arith.addi %add3A_18, %add3A_204 : i32
      %mul3A_206 = arith.constant 16 : i32
      %mul3A_207 = arith.muli %add3A_205, %mul3A_206 : i32
      %get3A_208 = arith.index_cast %mul3A_207 : i32 to index
      %get3A_209 = tpu.vector_load %arg8[%get3A_208] {strides = array<i32>} : memref<10000xi32, #tpu.memory_space<vmem>>, vector<16xi32>,
      tpu.vector_store_idx %arg10[%get3A_209], %broadcast_in_dim3A_5 {add = true} : memref<10240xf32, #tpu.memory_space<vmem>>[vector<16xi32>], vector<16xf32>,
      %add3A_210 = arith.constant 16 : i32
      %add3A_211 = arith.addi %add3A_18, %add3A_210 : i32
      %mul3A_212 = arith.constant 16 : i32
      %mul3A_213 = arith.muli %add3A_211, %mul3A_212 : i32
      %get3A_214 = arith.index_cast %mul3A_213 : i32 to index
      %get3A_215 = tpu.vector_load %arg7[%get3A_214] {strides = array<i32>} : memref<10000xi32, #tpu.memory_space<vmem>>, vector<16xi32>,
      tpu.vector_store_idx %arg9[%get3A_215], %broadcast_in_dim3A_5 {add = true} : memref<10240xf32, #tpu.memory_space<vmem>>[vector<16xi32>], vector<16xf32>,
      %add3A_216 = arith.constant 16 : i32
      %add3A_217 = arith.addi %add3A_18, %add3A_216 : i32
      %mul3A_218 = arith.constant 16 : i32
      %mul3A_219 = arith.muli %add3A_217, %mul3A_218 : i32
      %get3A_220 = arith.index_cast %mul3A_219 : i32 to index
      %get3A_221 = tpu.vector_load %arg8[%get3A_220] {strides = array<i32>} : memref<10000xi32, #tpu.memory_space<vmem>>, vector<16xi32>,
      tpu.vector_store_idx %arg10[%get3A_221], %broadcast_in_dim3A_5 {add = true} : memref<10240xf32, #tpu.memory_space<vmem>>[vector<16xi32>], vector<16xf32>,
      %add3A_222 = arith.constant 17 : i32
      %add3A_223 = arith.addi %add3A_18, %add3A_222 : i32
      %mul3A_224 = arith.constant 16 : i32
      %mul3A_225 = arith.muli %add3A_223, %mul3A_224 : i32
      %get3A_226 = arith.index_cast %mul3A_225 : i32 to index
      %get3A_227 = tpu.vector_load %arg7[%get3A_226] {strides = array<i32>} : memref<10000xi32, #tpu.memory_space<vmem>>, vector<16xi32>,
      tpu.vector_store_idx %arg9[%get3A_227], %broadcast_in_dim3A_5 {add = true} : memref<10240xf32, #tpu.memory_space<vmem>>[vector<16xi32>], vector<16xf32>,
      %add3A_228 = arith.constant 17 : i32
      %add3A_229 = arith.addi %add3A_18, %add3A_228 : i32
      %mul3A_230 = arith.constant 16 : i32
      %mul3A_231 = arith.muli %add3A_229, %mul3A_230 : i32
      %get3A_232 = arith.index_cast %mul3A_231 : i32 to index
      %get3A_233 = tpu.vector_load %arg8[%get3A_232] {strides = array<i32>} : memref<10000xi32, #tpu.memory_space<vmem>>, vector<16xi32>,
      tpu.vector_store_idx %arg10[%get3A_233], %broadcast_in_dim3A_5 {add = true} : memref<10240xf32, #tpu.memory_space<vmem>>[vector<16xi32>], vector<16xf32>,
      %add3A_234 = arith.constant 18 : i32
      %add3A_235 = arith.addi %add3A_18, %add3A_234 : i32
      %mul3A_236 = arith.constant 16 : i32
      %mul3A_237 = arith.muli %add3A_235, %mul3A_236 : i32
      %get3A_238 = arith.index_cast %mul3A_237 : i32 to index
      %get3A_239 = tpu.vector_load %arg7[%get3A_238] {strides = array<i32>} : memref<10000xi32, #tpu.memory_space<vmem>>, vector<16xi32>,
      tpu.vector_store_idx %arg9[%get3A_239], %broadcast_in_dim3A_5 {add = true} : memref<10240xf32, #tpu.memory_space<vmem>>[vector<16xi32>], vector<16xf32>,
      %add3A_240 = arith.constant 18 : i32
      %add3A_241 = arith.addi %add3A_18, %add3A_240 : i32
      %mul3A_242 = arith.constant 16 : i32
      %mul3A_243 = arith.muli %add3A_241, %mul3A_242 : i32
      %get3A_244 = arith.index_cast %mul3A_243 : i32 to index
      %get3A_245 = tpu.vector_load %arg8[%get3A_244] {strides = array<i32>} : memref<10000xi32, #tpu.memory_space<vmem>>, vector<16xi32>,
      tpu.vector_store_idx %arg10[%get3A_245], %broadcast_in_dim3A_5 {add = true} : memref<10240xf32, #tpu.memory_space<vmem>>[vector<16xi32>], vector<16xf32>,
      %add3A_246 = arith.constant 19 : i32
      %add3A_247 = arith.addi %add3A_18, %add3A_246 : i32
      %mul3A_248 = arith.constant 16 : i32
      %mul3A_249 = arith.muli %add3A_247, %mul3A_248 : i32
      %get3A_250 = arith.index_cast %mul3A_249 : i32 to index
      %get3A_251 = tpu.vector_load %arg7[%get3A_250] {strides = array<i32>} : memref<10000xi32, #tpu.memory_space<vmem>>, vector<16xi32>,
      tpu.vector_store_idx %arg9[%get3A_251], %broadcast_in_dim3A_5 {add = true} : memref<10240xf32, #tpu.memory_space<vmem>>[vector<16xi32>], vector<16xf32>,
      %add3A_252 = arith.constant 19 : i32
      %add3A_253 = arith.addi %add3A_18, %add3A_252 : i32
      %mul3A_254 = arith.constant 16 : i32
      %mul3A_255 = arith.muli %add3A_253, %mul3A_254 : i32
      %get3A_256 = arith.index_cast %mul3A_255 : i32 to index
      %get3A_257 = tpu.vector_load %arg8[%get3A_256] {strides = array<i32>} : memref<10000xi32, #tpu.memory_space<vmem>>, vector<16xi32>,
      tpu.vector_store_idx %arg10[%get3A_257], %broadcast_in_dim3A_5 {add = true} : memref<10240xf32, #tpu.memory_space<vmem>>[vector<16xi32>], vector<16xf32>,
      %add3A_258 = arith.constant 20 : i32
      %add3A_259 = arith.addi %add3A_18, %add3A_258 : i32
      %mul3A_260 = arith.constant 16 : i32
      %mul3A_261 = arith.muli %add3A_259, %mul3A_260 : i32
      %get3A_262 = arith.index_cast %mul3A_261 : i32 to index
      %get3A_263 = tpu.vector_load %arg7[%get3A_262] {strides = array<i32>} : memref<10000xi32, #tpu.memory_space<vmem>>, vector<16xi32>,
      tpu.vector_store_idx %arg9[%get3A_263], %broadcast_in_dim3A_5 {add = true} : memref<10240xf32, #tpu.memory_space<vmem>>[vector<16xi32>], vector<16xf32>,
      %add3A_264 = arith.constant 20 : i32
      %add3A_265 = arith.addi %add3A_18, %add3A_264 : i32
      %mul3A_266 = arith.constant 16 : i32
      %mul3A_267 = arith.muli %add3A_265, %mul3A_266 : i32
      %get3A_268 = arith.index_cast %mul3A_267 : i32 to index
      %get3A_269 = tpu.vector_load %arg8[%get3A_268] {strides = array<i32>} : memref<10000xi32, #tpu.memory_space<vmem>>, vector<16xi32>,
      tpu.vector_store_idx %arg10[%get3A_269], %broadcast_in_dim3A_5 {add = true} : memref<10240xf32, #tpu.memory_space<vmem>>[vector<16xi32>], vector<16xf32>,
      %add3A_270 = arith.constant 21 : i32
      %add3A_271 = arith.addi %add3A_18, %add3A_270 : i32
      %mul3A_272 = arith.constant 16 : i32
      %mul3A_273 = arith.muli %add3A_271, %mul3A_272 : i32
      %get3A_274 = arith.index_cast %mul3A_273 : i32 to index
      %get3A_275 = tpu.vector_load %arg7[%get3A_274] {strides = array<i32>} : memref<10000xi32, #tpu.memory_space<vmem>>, vector<16xi32>,
      tpu.vector_store_idx %arg9[%get3A_275], %broadcast_in_dim3A_5 {add = true} : memref<10240xf32, #tpu.memory_space<vmem>>[vector<16xi32>], vector<16xf32>,
      %add3A_276 = arith.constant 21 : i32
      %add3A_277 = arith.addi %add3A_18, %add3A_276 : i32
      %mul3A_278 = arith.constant 16 : i32
      %mul3A_279 = arith.muli %add3A_277, %mul3A_278 : i32
      %get3A_280 = arith.index_cast %mul3A_279 : i32 to index
      %get3A_281 = tpu.vector_load %arg8[%get3A_280] {strides = array<i32>} : memref<10000xi32, #tpu.memory_space<vmem>>, vector<16xi32>,
      tpu.vector_store_idx %arg10[%get3A_281], %broadcast_in_dim3A_5 {add = true} : memref<10240xf32, #tpu.memory_space<vmem>>[vector<16xi32>], vector<16xf32>,
      %add3A_282 = arith.constant 22 : i32
      %add3A_283 = arith.addi %add3A_18, %add3A_282 : i32
      %mul3A_284 = arith.constant 16 : i32
      %mul3A_285 = arith.muli %add3A_283, %mul3A_284 : i32
      %get3A_286 = arith.index_cast %mul3A_285 : i32 to index
      %get3A_287 = tpu.vector_load %arg7[%get3A_286] {strides = array<i32>} : memref<10000xi32, #tpu.memory_space<vmem>>, vector<16xi32>,
      tpu.vector_store_idx %arg9[%get3A_287], %broadcast_in_dim3A_5 {add = true} : memref<10240xf32, #tpu.memory_space<vmem>>[vector<16xi32>], vector<16xf32>,
      %add3A_288 = arith.constant 22 : i32
      %add3A_289 = arith.addi %add3A_18, %add3A_288 : i32
      %mul3A_290 = arith.constant 16 : i32
      %mul3A_291 = arith.muli %add3A_289, %mul3A_290 : i32
      %get3A_292 = arith.index_cast %mul3A_291 : i32 to index
      %get3A_293 = tpu.vector_load %arg8[%get3A_292] {strides = array<i32>} : memref<10000xi32, #tpu.memory_space<vmem>>, vector<16xi32>,
      tpu.vector_store_idx %arg10[%get3A_293], %broadcast_in_dim3A_5 {add = true} : memref<10240xf32, #tpu.memory_space<vmem>>[vector<16xi32>], vector<16xf32>,
      %add3A_294 = arith.constant 23 : i32
      %add3A_295 = arith.addi %add3A_18, %add3A_294 : i32
      %mul3A_296 = arith.constant 16 : i32
      %mul3A_297 = arith.muli %add3A_295, %mul3A_296 : i32
      %get3A_298 = arith.index_cast %mul3A_297 : i32 to index
      %get3A_299 = tpu.vector_load %arg7[%get3A_298] {strides = array<i32>} : memref<10000xi32, #tpu.memory_space<vmem>>, vector<16xi32>,
      tpu.vector_store_idx %arg9[%get3A_299], %broadcast_in_dim3A_5 {add = true} : memref<10240xf32, #tpu.memory_space<vmem>>[vector<16xi32>], vector<16xf32>,
      %add3A_300 = arith.constant 23 : i32
      %add3A_301 = arith.addi %add3A_18, %add3A_300 : i32
      %mul3A_302 = arith.constant 16 : i32
      %mul3A_303 = arith.muli %add3A_301, %mul3A_302 : i32
      %get3A_304 = arith.index_cast %mul3A_303 : i32 to index
      %get3A_305 = tpu.vector_load %arg8[%get3A_304] {strides = array<i32>} : memref<10000xi32, #tpu.memory_space<vmem>>, vector<16xi32>,
      tpu.vector_store_idx %arg10[%get3A_305], %broadcast_in_dim3A_5 {add = true} : memref<10240xf32, #tpu.memory_space<vmem>>[vector<16xi32>], vector<16xf32>,
      %add3A_306 = arith.constant 24 : i32
      %add3A_307 = arith.addi %add3A_18, %add3A_306 : i32
      %mul3A_308 = arith.constant 16 : i32
      %mul3A_309 = arith.muli %add3A_307, %mul3A_308 : i32
      %get3A_310 = arith.index_cast %mul3A_309 : i32 to index
      %get3A_311 = tpu.vector_load %arg7[%get3A_310] {strides = array<i32>} : memref<10000xi32, #tpu.memory_space<vmem>>, vector<16xi32>,
      tpu.vector_store_idx %arg9[%get3A_311], %broadcast_in_dim3A_5 {add = true} : memref<10240xf32, #tpu.memory_space<vmem>>[vector<16xi32>], vector<16xf32>,
      %add3A_312 = arith.constant 24 : i32
      %add3A_313 = arith.addi %add3A_18, %add3A_312 : i32
      %mul3A_314 = arith.constant 16 : i32
      %mul3A_315 = arith.muli %add3A_313, %mul3A_314 : i32
      %get3A_316 = arith.index_cast %mul3A_315 : i32 to index
      %get3A_317 = tpu.vector_load %arg8[%get3A_316] {strides = array<i32>} : memref<10000xi32, #tpu.memory_space<vmem>>, vector<16xi32>,
      tpu.vector_store_idx %arg10[%get3A_317], %broadcast_in_dim3A_5 {add = true} : memref<10240xf32, #tpu.memory_space<vmem>>[vector<16xi32>], vector<16xf32>,
    }
    %scan3A_9 = arith.constant 25 : i32
    %mul3A_10 = arith.constant 10240 : i32
    %mul3A_11 = arith.muli %add3A, %mul3A_10 : i32
    "tpu.region"() ({
      %run_scoped3A = tpu.sem_alloc : memref<!tpu.dma_semaphore, #tpu.memory_space<semaphore_mem>>
      %dma_start3A = tpu.memref_slice %arg5[%mul3A_11] : memref<327680xf32, #tpu.memory_space<hbm>> -> memref<10240xf32, #tpu.memory_space<hbm>>
      %dma_start3A_14 = tpu.memref_slice %arg5[%mul3A_11] : memref<327680xf32, #tpu.memory_space<hbm>> -> memref<10240xf32, #tpu.memory_space<hbm>>
      tpu.enqueue_dma source(%arg9 : memref<10240xf32, #tpu.memory_space<vmem>>) target(%dma_start3A_14 : memref<10240xf32, #tpu.memory_space<hbm>>) target_semaphore(%run_scoped3A : memref<!tpu.dma_semaphore, #tpu.memory_space<semaphore_mem>>)
      %dma_wait3A = tpu.memref_slice %arg5[%mul3A_11] : memref<327680xf32, #tpu.memory_space<hbm>> -> memref<10240xf32, #tpu.memory_space<hbm>>
      %dma_wait3A_15 = tpu.memref_slice %arg5[%mul3A_11] : memref<327680xf32, #tpu.memory_space<hbm>> -> memref<10240xf32, #tpu.memory_space<hbm>>
      tpu.wait_dma2 semaphore(%run_scoped3A : memref<!tpu.dma_semaphore, #tpu.memory_space<semaphore_mem>>) src(%arg9 : memref<10240xf32, #tpu.memory_space<vmem>>) dst(%dma_wait3A_15 : memref<10240xf32, #tpu.memory_space<hbm>>)
      tpu.yield
    }) : () -> ()
    %mul3A_12 = arith.constant 10240 : i32
    %mul3A_13 = arith.muli %add3A, %mul3A_12 : i32
    "tpu.region"() ({
      %run_scoped3A = tpu.sem_alloc : memref<!tpu.dma_semaphore, #tpu.memory_space<semaphore_mem>>
      %dma_start3A = tpu.memref_slice %arg6[%mul3A_13] : memref<327680xf32, #tpu.memory_space<hbm>> -> memref<10240xf32, #tpu.memory_space<hbm>>
      %dma_start3A_14 = tpu.memref_slice %arg6[%mul3A_13] : memref<327680xf32, #tpu.memory_space<hbm>> -> memref<10240xf32, #tpu.memory_space<hbm>>
      tpu.enqueue_dma source(%arg10 : memref<10240xf32, #tpu.memory_space<vmem>>) target(%dma_start3A_14 : memref<10240xf32, #tpu.memory_space<hbm>>) target_semaphore(%run_scoped3A : memref<!tpu.dma_semaphore, #tpu.memory_space<semaphore_mem>>)
      %dma_wait3A = tpu.memref_slice %arg6[%mul3A_13] : memref<327680xf32, #tpu.memory_space<hbm>> -> memref<10240xf32, #tpu.memory_space<hbm>>
      %dma_wait3A_15 = tpu.memref_slice %arg6[%mul3A_13] : memref<327680xf32, #tpu.memory_space<hbm>> -> memref<10240xf32, #tpu.memory_space<hbm>>
      tpu.wait_dma2 semaphore(%run_scoped3A : memref<!tpu.dma_semaphore, #tpu.memory_space<semaphore_mem>>) src(%arg10 : memref<10240xf32, #tpu.memory_space<vmem>>) dst(%dma_wait3A_15 : memref<10240xf32, #tpu.memory_space<hbm>>)
      tpu.yield
    }) : () -> ()
    return
  }
}

#map = affine_map<(d0, d1) -> (0, 0)>
#map1 = affine_map<(d0, d1) -> (0, 0, 0, 0)>
#map2 = affine_map<(d0, d1) -> (0, 0, 0)>
module attributes {stable_mosaic.version = 14 : i64} {
  func.func @_sc_scatter(%arg0: i32, %arg1: i32, %arg2: memref<10000x128xf32, #tpu.memory_space<hbm>>, %arg3: memref<32x4x25x100xi32, #tpu.memory_space<hbm>>, %arg4: memref<32x4x25x100xi32, #tpu.memory_space<hbm>>, %arg5: memref<64x128xf32, #tpu.memory_space<hbm>>, %arg6: memref<2x10240x128xf32, #tpu.memory_space<hbm>>, %arg7: memref<25x100xi32, #tpu.memory_space<vmem>>, %arg8: memref<25x100xi32, #tpu.memory_space<vmem>>, %arg9: memref<100x128xf32, #tpu.memory_space<vmem>>, %arg10: memref<100x128xf32, #tpu.memory_space<vmem>>, %arg11: memref<100x128xf32, #tpu.memory_space<vmem>>, %arg12: memref<!tpu.dma_semaphore, #tpu.memory_space<semaphore_mem>>, %arg13: memref<!tpu.dma_semaphore, #tpu.memory_space<semaphore_mem>>, %arg14: memref<!tpu.dma_semaphore, #tpu.memory_space<semaphore_mem>>, %arg15: memref<!tpu.dma_semaphore, #tpu.memory_space<semaphore_mem>>, %arg16: memref<!tpu.dma_semaphore, #tpu.memory_space<semaphore_mem>>, %arg17: memref<!tpu.dma_semaphore, #tpu.memory_space<semaphore_mem>>, %arg18: memref<10240x128xf32, #tpu.memory_space<vmem_shared>>) attributes {dimension_semantics = [#tpu.dimension_semantics<core_parallel>, #tpu.dimension_semantics<subcore_parallel>], iteration_bounds = array<i64: 2, 16>, scalar_prefetch = 0 : i64, scratch_operands = 12 : i64, tpu.core_type = #tpu.core_type<sc_vector_subcore>, window_params = [{transform_indices = #map}, {transform_indices = #map1}, {transform_indices = #map1}, {transform_indices = #map}, {transform_indices = #map2}]} {
    %mul3A = arith.constant 16 : i32
    %mul3A_0 = arith.muli %arg0, %mul3A : i32
    %add3A = arith.addi %mul3A_0, %arg1 : i32
    %mul3A_1 = arith.constant 640 : i32
    %mul3A_2 = arith.muli %arg1, %mul3A_1 : i32
    %add3A_3 = arith.constant 0 : i32
    %add3A_4 = arith.addi %mul3A_2, %add3A_3 : i32
    %dma_start3A = arith.constant 0 : i32
    %dma_start3A_5 = tpu.memref_slice %arg18[%add3A_4, %dma_start3A] : memref<10240x128xf32, #tpu.memory_space<vmem_shared>> -> memref<64x128xf32, #tpu.memory_space<vmem_shared>>
    tpu.enqueue_dma source(%arg5 : memref<64x128xf32, #tpu.memory_space<hbm>>) target(%dma_start3A_5 : memref<64x128xf32, #tpu.memory_space<vmem_shared>>) target_semaphore(%arg12 : memref<!tpu.dma_semaphore, #tpu.memory_space<semaphore_mem>>)
    %mul3A_6 = arith.constant 640 : i32
    %mul3A_7 = arith.muli %arg1, %mul3A_6 : i32
    %add3A_8 = arith.constant 64 : i32
    %add3A_9 = arith.addi %mul3A_7, %add3A_8 : i32
    %dma_start3A_10 = arith.constant 0 : i32
    %dma_start3A_11 = tpu.memref_slice %arg18[%add3A_9, %dma_start3A_10] : memref<10240x128xf32, #tpu.memory_space<vmem_shared>> -> memref<64x128xf32, #tpu.memory_space<vmem_shared>>
    tpu.enqueue_dma source(%arg5 : memref<64x128xf32, #tpu.memory_space<hbm>>) target(%dma_start3A_11 : memref<64x128xf32, #tpu.memory_space<vmem_shared>>) target_semaphore(%arg12 : memref<!tpu.dma_semaphore, #tpu.memory_space<semaphore_mem>>)
    %mul3A_12 = arith.constant 640 : i32
    %mul3A_13 = arith.muli %arg1, %mul3A_12 : i32
    %add3A_14 = arith.constant 128 : i32
    %add3A_15 = arith.addi %mul3A_13, %add3A_14 : i32
    %dma_start3A_16 = arith.constant 0 : i32
    %dma_start3A_17 = tpu.memref_slice %arg18[%add3A_15, %dma_start3A_16] : memref<10240x128xf32, #tpu.memory_space<vmem_shared>> -> memref<64x128xf32, #tpu.memory_space<vmem_shared>>
    tpu.enqueue_dma source(%arg5 : memref<64x128xf32, #tpu.memory_space<hbm>>) target(%dma_start3A_17 : memref<64x128xf32, #tpu.memory_space<vmem_shared>>) target_semaphore(%arg12 : memref<!tpu.dma_semaphore, #tpu.memory_space<semaphore_mem>>)
    %mul3A_18 = arith.constant 640 : i32
    %mul3A_19 = arith.muli %arg1, %mul3A_18 : i32
    %add3A_20 = arith.constant 192 : i32
    %add3A_21 = arith.addi %mul3A_19, %add3A_20 : i32
    %dma_start3A_22 = arith.constant 0 : i32
    %dma_start3A_23 = tpu.memref_slice %arg18[%add3A_21, %dma_start3A_22] : memref<10240x128xf32, #tpu.memory_space<vmem_shared>> -> memref<64x128xf32, #tpu.memory_space<vmem_shared>>
    tpu.enqueue_dma source(%arg5 : memref<64x128xf32, #tpu.memory_space<hbm>>) target(%dma_start3A_23 : memref<64x128xf32, #tpu.memory_space<vmem_shared>>) target_semaphore(%arg12 : memref<!tpu.dma_semaphore, #tpu.memory_space<semaphore_mem>>)
    %mul3A_24 = arith.constant 640 : i32
    %mul3A_25 = arith.muli %arg1, %mul3A_24 : i32
    %add3A_26 = arith.constant 256 : i32
    %add3A_27 = arith.addi %mul3A_25, %add3A_26 : i32
    %dma_start3A_28 = arith.constant 0 : i32
    %dma_start3A_29 = tpu.memref_slice %arg18[%add3A_27, %dma_start3A_28] : memref<10240x128xf32, #tpu.memory_space<vmem_shared>> -> memref<64x128xf32, #tpu.memory_space<vmem_shared>>
    tpu.enqueue_dma source(%arg5 : memref<64x128xf32, #tpu.memory_space<hbm>>) target(%dma_start3A_29 : memref<64x128xf32, #tpu.memory_space<vmem_shared>>) target_semaphore(%arg12 : memref<!tpu.dma_semaphore, #tpu.memory_space<semaphore_mem>>)
    %mul3A_30 = arith.constant 640 : i32
    %mul3A_31 = arith.muli %arg1, %mul3A_30 : i32
    %add3A_32 = arith.constant 320 : i32
    %add3A_33 = arith.addi %mul3A_31, %add3A_32 : i32
    %dma_start3A_34 = arith.constant 0 : i32
    %dma_start3A_35 = tpu.memref_slice %arg18[%add3A_33, %dma_start3A_34] : memref<10240x128xf32, #tpu.memory_space<vmem_shared>> -> memref<64x128xf32, #tpu.memory_space<vmem_shared>>
    tpu.enqueue_dma source(%arg5 : memref<64x128xf32, #tpu.memory_space<hbm>>) target(%dma_start3A_35 : memref<64x128xf32, #tpu.memory_space<vmem_shared>>) target_semaphore(%arg12 : memref<!tpu.dma_semaphore, #tpu.memory_space<semaphore_mem>>)
    %mul3A_36 = arith.constant 640 : i32
    %mul3A_37 = arith.muli %arg1, %mul3A_36 : i32
    %add3A_38 = arith.constant 384 : i32
    %add3A_39 = arith.addi %mul3A_37, %add3A_38 : i32
    %dma_start3A_40 = arith.constant 0 : i32
    %dma_start3A_41 = tpu.memref_slice %arg18[%add3A_39, %dma_start3A_40] : memref<10240x128xf32, #tpu.memory_space<vmem_shared>> -> memref<64x128xf32, #tpu.memory_space<vmem_shared>>
    tpu.enqueue_dma source(%arg5 : memref<64x128xf32, #tpu.memory_space<hbm>>) target(%dma_start3A_41 : memref<64x128xf32, #tpu.memory_space<vmem_shared>>) target_semaphore(%arg12 : memref<!tpu.dma_semaphore, #tpu.memory_space<semaphore_mem>>)
    %mul3A_42 = arith.constant 640 : i32
    %mul3A_43 = arith.muli %arg1, %mul3A_42 : i32
    %add3A_44 = arith.constant 448 : i32
    %add3A_45 = arith.addi %mul3A_43, %add3A_44 : i32
    %dma_start3A_46 = arith.constant 0 : i32
    %dma_start3A_47 = tpu.memref_slice %arg18[%add3A_45, %dma_start3A_46] : memref<10240x128xf32, #tpu.memory_space<vmem_shared>> -> memref<64x128xf32, #tpu.memory_space<vmem_shared>>
    tpu.enqueue_dma source(%arg5 : memref<64x128xf32, #tpu.memory_space<hbm>>) target(%dma_start3A_47 : memref<64x128xf32, #tpu.memory_space<vmem_shared>>) target_semaphore(%arg12 : memref<!tpu.dma_semaphore, #tpu.memory_space<semaphore_mem>>)
    %mul3A_48 = arith.constant 640 : i32
    %mul3A_49 = arith.muli %arg1, %mul3A_48 : i32
    %add3A_50 = arith.constant 512 : i32
    %add3A_51 = arith.addi %mul3A_49, %add3A_50 : i32
    %dma_start3A_52 = arith.constant 0 : i32
    %dma_start3A_53 = tpu.memref_slice %arg18[%add3A_51, %dma_start3A_52] : memref<10240x128xf32, #tpu.memory_space<vmem_shared>> -> memref<64x128xf32, #tpu.memory_space<vmem_shared>>
    tpu.enqueue_dma source(%arg5 : memref<64x128xf32, #tpu.memory_space<hbm>>) target(%dma_start3A_53 : memref<64x128xf32, #tpu.memory_space<vmem_shared>>) target_semaphore(%arg12 : memref<!tpu.dma_semaphore, #tpu.memory_space<semaphore_mem>>)
    %mul3A_54 = arith.constant 640 : i32
    %mul3A_55 = arith.muli %arg1, %mul3A_54 : i32
    %add3A_56 = arith.constant 576 : i32
    %add3A_57 = arith.addi %mul3A_55, %add3A_56 : i32
    %dma_start3A_58 = arith.constant 0 : i32
    %dma_start3A_59 = tpu.memref_slice %arg18[%add3A_57, %dma_start3A_58] : memref<10240x128xf32, #tpu.memory_space<vmem_shared>> -> memref<64x128xf32, #tpu.memory_space<vmem_shared>>
    tpu.enqueue_dma source(%arg5 : memref<64x128xf32, #tpu.memory_space<hbm>>) target(%dma_start3A_59 : memref<64x128xf32, #tpu.memory_space<vmem_shared>>) target_semaphore(%arg12 : memref<!tpu.dma_semaphore, #tpu.memory_space<semaphore_mem>>)
    %dma_wait3A = arith.constant 0 : i32
    %dma_wait3A_60 = tpu.memref_slice %arg18[%add3A_4, %dma_wait3A] : memref<10240x128xf32, #tpu.memory_space<vmem_shared>> -> memref<64x128xf32, #tpu.memory_space<vmem_shared>>
    tpu.wait_dma2 semaphore(%arg12 : memref<!tpu.dma_semaphore, #tpu.memory_space<semaphore_mem>>) src(%arg5 : memref<64x128xf32, #tpu.memory_space<hbm>>) dst(%dma_wait3A_60 : memref<64x128xf32, #tpu.memory_space<vmem_shared>>)
    %dma_wait3A_61 = arith.constant 0 : i32
    %dma_wait3A_62 = tpu.memref_slice %arg18[%add3A_9, %dma_wait3A_61] : memref<10240x128xf32, #tpu.memory_space<vmem_shared>> -> memref<64x128xf32, #tpu.memory_space<vmem_shared>>
    tpu.wait_dma2 semaphore(%arg12 : memref<!tpu.dma_semaphore, #tpu.memory_space<semaphore_mem>>) src(%arg5 : memref<64x128xf32, #tpu.memory_space<hbm>>) dst(%dma_wait3A_62 : memref<64x128xf32, #tpu.memory_space<vmem_shared>>)
    %dma_wait3A_63 = arith.constant 0 : i32
    %dma_wait3A_64 = tpu.memref_slice %arg18[%add3A_15, %dma_wait3A_63] : memref<10240x128xf32, #tpu.memory_space<vmem_shared>> -> memref<64x128xf32, #tpu.memory_space<vmem_shared>>
    tpu.wait_dma2 semaphore(%arg12 : memref<!tpu.dma_semaphore, #tpu.memory_space<semaphore_mem>>) src(%arg5 : memref<64x128xf32, #tpu.memory_space<hbm>>) dst(%dma_wait3A_64 : memref<64x128xf32, #tpu.memory_space<vmem_shared>>)
    %dma_wait3A_65 = arith.constant 0 : i32
    %dma_wait3A_66 = tpu.memref_slice %arg18[%add3A_21, %dma_wait3A_65] : memref<10240x128xf32, #tpu.memory_space<vmem_shared>> -> memref<64x128xf32, #tpu.memory_space<vmem_shared>>
    tpu.wait_dma2 semaphore(%arg12 : memref<!tpu.dma_semaphore, #tpu.memory_space<semaphore_mem>>) src(%arg5 : memref<64x128xf32, #tpu.memory_space<hbm>>) dst(%dma_wait3A_66 : memref<64x128xf32, #tpu.memory_space<vmem_shared>>)
    %dma_wait3A_67 = arith.constant 0 : i32
    %dma_wait3A_68 = tpu.memref_slice %arg18[%add3A_27, %dma_wait3A_67] : memref<10240x128xf32, #tpu.memory_space<vmem_shared>> -> memref<64x128xf32, #tpu.memory_space<vmem_shared>>
    tpu.wait_dma2 semaphore(%arg12 : memref<!tpu.dma_semaphore, #tpu.memory_space<semaphore_mem>>) src(%arg5 : memref<64x128xf32, #tpu.memory_space<hbm>>) dst(%dma_wait3A_68 : memref<64x128xf32, #tpu.memory_space<vmem_shared>>)
    %dma_wait3A_69 = arith.constant 0 : i32
    %dma_wait3A_70 = tpu.memref_slice %arg18[%add3A_33, %dma_wait3A_69] : memref<10240x128xf32, #tpu.memory_space<vmem_shared>> -> memref<64x128xf32, #tpu.memory_space<vmem_shared>>
    tpu.wait_dma2 semaphore(%arg12 : memref<!tpu.dma_semaphore, #tpu.memory_space<semaphore_mem>>) src(%arg5 : memref<64x128xf32, #tpu.memory_space<hbm>>) dst(%dma_wait3A_70 : memref<64x128xf32, #tpu.memory_space<vmem_shared>>)
    %dma_wait3A_71 = arith.constant 0 : i32
    %dma_wait3A_72 = tpu.memref_slice %arg18[%add3A_39, %dma_wait3A_71] : memref<10240x128xf32, #tpu.memory_space<vmem_shared>> -> memref<64x128xf32, #tpu.memory_space<vmem_shared>>
    tpu.wait_dma2 semaphore(%arg12 : memref<!tpu.dma_semaphore, #tpu.memory_space<semaphore_mem>>) src(%arg5 : memref<64x128xf32, #tpu.memory_space<hbm>>) dst(%dma_wait3A_72 : memref<64x128xf32, #tpu.memory_space<vmem_shared>>)
    %dma_wait3A_73 = arith.constant 0 : i32
    %dma_wait3A_74 = tpu.memref_slice %arg18[%add3A_45, %dma_wait3A_73] : memref<10240x128xf32, #tpu.memory_space<vmem_shared>> -> memref<64x128xf32, #tpu.memory_space<vmem_shared>>
    tpu.wait_dma2 semaphore(%arg12 : memref<!tpu.dma_semaphore, #tpu.memory_space<semaphore_mem>>) src(%arg5 : memref<64x128xf32, #tpu.memory_space<hbm>>) dst(%dma_wait3A_74 : memref<64x128xf32, #tpu.memory_space<vmem_shared>>)
    %dma_wait3A_75 = arith.constant 0 : i32
    %dma_wait3A_76 = tpu.memref_slice %arg18[%add3A_51, %dma_wait3A_75] : memref<10240x128xf32, #tpu.memory_space<vmem_shared>> -> memref<64x128xf32, #tpu.memory_space<vmem_shared>>
    tpu.wait_dma2 semaphore(%arg12 : memref<!tpu.dma_semaphore, #tpu.memory_space<semaphore_mem>>) src(%arg5 : memref<64x128xf32, #tpu.memory_space<hbm>>) dst(%dma_wait3A_76 : memref<64x128xf32, #tpu.memory_space<vmem_shared>>)
    %dma_wait3A_77 = arith.constant 0 : i32
    %dma_wait3A_78 = tpu.memref_slice %arg18[%add3A_57, %dma_wait3A_77] : memref<10240x128xf32, #tpu.memory_space<vmem_shared>> -> memref<64x128xf32, #tpu.memory_space<vmem_shared>>
    tpu.wait_dma2 semaphore(%arg12 : memref<!tpu.dma_semaphore, #tpu.memory_space<semaphore_mem>>) src(%arg5 : memref<64x128xf32, #tpu.memory_space<hbm>>) dst(%dma_wait3A_78 : memref<64x128xf32, #tpu.memory_space<vmem_shared>>)
    %barrier3A = arith.constant 0 : index
    tpu.barrier barrier_id(%barrier3A)
    %scan3A = arith.constant 0 : i32
    %scan3A_79 = arith.constant 4 : i32
    %scan3A_80 = arith.addi %scan3A, %scan3A_79 : i32
    %scan3A_81 = arith.constant 1 : i32
    scf.for %scan3A_86 = %scan3A to %scan3A_80 step %scan3A_81  : i32 {
      %mul3A_87 = arith.constant 1 : i32
      %mul3A_88 = arith.muli %scan3A_86, %mul3A_87 : i32
      %add3A_89 = arith.constant 0 : i32
      %add3A_90 = arith.addi %add3A_89, %mul3A_88 : i32
      "tpu.region"() ({
        %run_scoped3A = tpu.sem_alloc : memref<!tpu.dma_semaphore, #tpu.memory_space<semaphore_mem>>
        %dma_start3A_791 = arith.constant 0 : i32
        %dma_start3A_792 = arith.constant 0 : i32
        %dma_start3A_793 = tpu.memref_slice %arg3[%add3A, %add3A_90, %dma_start3A_791, %dma_start3A_792] : memref<32x4x25x100xi32, #tpu.memory_space<hbm>> -> memref<1x1x25x100xi32, #tpu.memory_space<hbm>>
        %dma_start3A_794 = tpu.memref_squeeze %dma_start3A_793 : memref<1x1x25x100xi32, #tpu.memory_space<hbm>> -> memref<25x100xi32, #tpu.memory_space<hbm>>
        %dma_start3A_795 = arith.constant 0 : i32
        %dma_start3A_796 = arith.constant 0 : i32
        %dma_start3A_797 = tpu.memref_slice %arg3[%add3A, %add3A_90, %dma_start3A_795, %dma_start3A_796] : memref<32x4x25x100xi32, #tpu.memory_space<hbm>> -> memref<1x1x25x100xi32, #tpu.memory_space<hbm>>
        %dma_start3A_798 = tpu.memref_squeeze %dma_start3A_797 : memref<1x1x25x100xi32, #tpu.memory_space<hbm>> -> memref<25x100xi32, #tpu.memory_space<hbm>>
        tpu.enqueue_dma source(%dma_start3A_798 : memref<25x100xi32, #tpu.memory_space<hbm>>) target(%arg7 : memref<25x100xi32, #tpu.memory_space<vmem>>) target_semaphore(%run_scoped3A : memref<!tpu.dma_semaphore, #tpu.memory_space<semaphore_mem>>)
        %dma_wait3A_799 = arith.constant 0 : i32
        %dma_wait3A_800 = arith.constant 0 : i32
        %dma_wait3A_801 = tpu.memref_slice %arg3[%add3A, %add3A_90, %dma_wait3A_799, %dma_wait3A_800] : memref<32x4x25x100xi32, #tpu.memory_space<hbm>> -> memref<1x1x25x100xi32, #tpu.memory_space<hbm>>
        %dma_wait3A_802 = tpu.memref_squeeze %dma_wait3A_801 : memref<1x1x25x100xi32, #tpu.memory_space<hbm>> -> memref<25x100xi32, #tpu.memory_space<hbm>>
        %dma_wait3A_803 = arith.constant 0 : i32
        %dma_wait3A_804 = arith.constant 0 : i32
        %dma_wait3A_805 = tpu.memref_slice %arg3[%add3A, %add3A_90, %dma_wait3A_803, %dma_wait3A_804] : memref<32x4x25x100xi32, #tpu.memory_space<hbm>> -> memref<1x1x25x100xi32, #tpu.memory_space<hbm>>
        %dma_wait3A_806 = tpu.memref_squeeze %dma_wait3A_805 : memref<1x1x25x100xi32, #tpu.memory_space<hbm>> -> memref<25x100xi32, #tpu.memory_space<hbm>>
        tpu.wait_dma2 semaphore(%run_scoped3A : memref<!tpu.dma_semaphore, #tpu.memory_space<semaphore_mem>>) src(%dma_wait3A_806 : memref<25x100xi32, #tpu.memory_space<hbm>>) dst(%arg7 : memref<25x100xi32, #tpu.memory_space<vmem>>)
        tpu.yield
      }) : () -> ()
      "tpu.region"() ({
        %run_scoped3A = tpu.sem_alloc : memref<!tpu.dma_semaphore, #tpu.memory_space<semaphore_mem>>
        %dma_start3A_791 = arith.constant 0 : i32
        %dma_start3A_792 = arith.constant 0 : i32
        %dma_start3A_793 = tpu.memref_slice %arg4[%add3A, %add3A_90, %dma_start3A_791, %dma_start3A_792] : memref<32x4x25x100xi32, #tpu.memory_space<hbm>> -> memref<1x1x25x100xi32, #tpu.memory_space<hbm>>
        %dma_start3A_794 = tpu.memref_squeeze %dma_start3A_793 : memref<1x1x25x100xi32, #tpu.memory_space<hbm>> -> memref<25x100xi32, #tpu.memory_space<hbm>>
        %dma_start3A_795 = arith.constant 0 : i32
        %dma_start3A_796 = arith.constant 0 : i32
        %dma_start3A_797 = tpu.memref_slice %arg4[%add3A, %add3A_90, %dma_start3A_795, %dma_start3A_796] : memref<32x4x25x100xi32, #tpu.memory_space<hbm>> -> memref<1x1x25x100xi32, #tpu.memory_space<hbm>>
        %dma_start3A_798 = tpu.memref_squeeze %dma_start3A_797 : memref<1x1x25x100xi32, #tpu.memory_space<hbm>> -> memref<25x100xi32, #tpu.memory_space<hbm>>
        tpu.enqueue_dma source(%dma_start3A_798 : memref<25x100xi32, #tpu.memory_space<hbm>>) target(%arg8 : memref<25x100xi32, #tpu.memory_space<vmem>>) target_semaphore(%run_scoped3A : memref<!tpu.dma_semaphore, #tpu.memory_space<semaphore_mem>>)
        %dma_wait3A_799 = arith.constant 0 : i32
        %dma_wait3A_800 = arith.constant 0 : i32
        %dma_wait3A_801 = tpu.memref_slice %arg4[%add3A, %add3A_90, %dma_wait3A_799, %dma_wait3A_800] : memref<32x4x25x100xi32, #tpu.memory_space<hbm>> -> memref<1x1x25x100xi32, #tpu.memory_space<hbm>>
        %dma_wait3A_802 = tpu.memref_squeeze %dma_wait3A_801 : memref<1x1x25x100xi32, #tpu.memory_space<hbm>> -> memref<25x100xi32, #tpu.memory_space<hbm>>
        %dma_wait3A_803 = arith.constant 0 : i32
        %dma_wait3A_804 = arith.constant 0 : i32
        %dma_wait3A_805 = tpu.memref_slice %arg4[%add3A, %add3A_90, %dma_wait3A_803, %dma_wait3A_804] : memref<32x4x25x100xi32, #tpu.memory_space<hbm>> -> memref<1x1x25x100xi32, #tpu.memory_space<hbm>>
        %dma_wait3A_806 = tpu.memref_squeeze %dma_wait3A_805 : memref<1x1x25x100xi32, #tpu.memory_space<hbm>> -> memref<25x100xi32, #tpu.memory_space<hbm>>
        tpu.wait_dma2 semaphore(%run_scoped3A : memref<!tpu.dma_semaphore, #tpu.memory_space<semaphore_mem>>) src(%dma_wait3A_806 : memref<25x100xi32, #tpu.memory_space<hbm>>) dst(%arg8 : memref<25x100xi32, #tpu.memory_space<vmem>>)
        tpu.yield
      }) : () -> ()
      %dma_start3A_91 = arith.constant 0 : i32
      %dma_start3A_92 = arith.constant 0 : i32
      %dma_start3A_93 = tpu.memref_slice %arg7[%dma_start3A_91, %dma_start3A_92] : memref<25x100xi32, #tpu.memory_space<vmem>> -> memref<1x100xi32, #tpu.memory_space<vmem>>
      %dma_start3A_94 = tpu.memref_squeeze %dma_start3A_93 : memref<1x100xi32, #tpu.memory_space<vmem>> -> memref<100xi32, #tpu.memory_space<vmem>>
      %dma_start3A_95 = arith.constant 0 : i32
      %dma_start3A_96 = arith.constant 0 : i32
      %dma_start3A_97 = tpu.memref_slice %arg2[%dma_start3A_95, %dma_start3A_96] : memref<10000x128xf32, #tpu.memory_space<hbm>> -> memref<10000x128xf32, #tpu.memory_space<hbm>>
      tpu.enqueue_indirect_dma source(%dma_start3A_97 : memref<10000x128xf32, #tpu.memory_space<hbm>>) target(%arg9 : memref<100x128xf32, #tpu.memory_space<vmem>>) offsets(%dma_start3A_94 : memref<100xi32, #tpu.memory_space<vmem>>) semaphore(%arg12 : memref<!tpu.dma_semaphore, #tpu.memory_space<semaphore_mem>>)
      %dma_start3A_98 = arith.constant 1 : i32
      %dma_start3A_99 = arith.constant 0 : i32
      %dma_start3A_100 = tpu.memref_slice %arg7[%dma_start3A_98, %dma_start3A_99] : memref<25x100xi32, #tpu.memory_space<vmem>> -> memref<1x100xi32, #tpu.memory_space<vmem>>
      %dma_start3A_101 = tpu.memref_squeeze %dma_start3A_100 : memref<1x100xi32, #tpu.memory_space<vmem>> -> memref<100xi32, #tpu.memory_space<vmem>>
      %dma_start3A_102 = arith.constant 0 : i32
      %dma_start3A_103 = arith.constant 0 : i32
      %dma_start3A_104 = tpu.memref_slice %arg2[%dma_start3A_102, %dma_start3A_103] : memref<10000x128xf32, #tpu.memory_space<hbm>> -> memref<10000x128xf32, #tpu.memory_space<hbm>>
      tpu.enqueue_indirect_dma source(%dma_start3A_104 : memref<10000x128xf32, #tpu.memory_space<hbm>>) target(%arg10 : memref<100x128xf32, #tpu.memory_space<vmem>>) offsets(%dma_start3A_101 : memref<100xi32, #tpu.memory_space<vmem>>) semaphore(%arg13 : memref<!tpu.dma_semaphore, #tpu.memory_space<semaphore_mem>>)
      %dma_start3A_105 = arith.constant 2 : i32
      %dma_start3A_106 = arith.constant 0 : i32
      %dma_start3A_107 = tpu.memref_slice %arg7[%dma_start3A_105, %dma_start3A_106] : memref<25x100xi32, #tpu.memory_space<vmem>> -> memref<1x100xi32, #tpu.memory_space<vmem>>
      %dma_start3A_108 = tpu.memref_squeeze %dma_start3A_107 : memref<1x100xi32, #tpu.memory_space<vmem>> -> memref<100xi32, #tpu.memory_space<vmem>>
      %dma_start3A_109 = arith.constant 0 : i32
      %dma_start3A_110 = arith.constant 0 : i32
      %dma_start3A_111 = tpu.memref_slice %arg2[%dma_start3A_109, %dma_start3A_110] : memref<10000x128xf32, #tpu.memory_space<hbm>> -> memref<10000x128xf32, #tpu.memory_space<hbm>>
      tpu.enqueue_indirect_dma source(%dma_start3A_111 : memref<10000x128xf32, #tpu.memory_space<hbm>>) target(%arg11 : memref<100x128xf32, #tpu.memory_space<vmem>>) offsets(%dma_start3A_108 : memref<100xi32, #tpu.memory_space<vmem>>) semaphore(%arg14 : memref<!tpu.dma_semaphore, #tpu.memory_space<semaphore_mem>>)
      %dma_wait3A_112 = arith.constant 0 : i32
      %dma_wait3A_113 = arith.constant 0 : i32
      %dma_wait3A_114 = tpu.memref_slice %arg7[%dma_wait3A_112, %dma_wait3A_113] : memref<25x100xi32, #tpu.memory_space<vmem>> -> memref<1x100xi32, #tpu.memory_space<vmem>>
      %dma_wait3A_115 = tpu.memref_squeeze %dma_wait3A_114 : memref<1x100xi32, #tpu.memory_space<vmem>> -> memref<100xi32, #tpu.memory_space<vmem>>
      %dma_wait3A_116 = arith.constant 0 : i32
      %dma_wait3A_117 = arith.constant 0 : i32
      %dma_wait3A_118 = tpu.memref_slice %arg2[%dma_wait3A_116, %dma_wait3A_117] : memref<10000x128xf32, #tpu.memory_space<hbm>> -> memref<10000x128xf32, #tpu.memory_space<hbm>>
      tpu.wait_indirect_dma semaphore(%arg12 : memref<!tpu.dma_semaphore, #tpu.memory_space<semaphore_mem>>) src(%dma_wait3A_118 : memref<10000x128xf32, #tpu.memory_space<hbm>>) dst(%arg9 : memref<100x128xf32, #tpu.memory_space<vmem>>)
      %dma_start3A_119 = arith.constant 0 : i32
      %dma_start3A_120 = arith.constant 0 : i32
      %dma_start3A_121 = tpu.memref_slice %arg8[%dma_start3A_119, %dma_start3A_120] : memref<25x100xi32, #tpu.memory_space<vmem>> -> memref<1x100xi32, #tpu.memory_space<vmem>>
      %dma_start3A_122 = tpu.memref_squeeze %dma_start3A_121 : memref<1x100xi32, #tpu.memory_space<vmem>> -> memref<100xi32, #tpu.memory_space<vmem>>
      %dma_start3A_123 = arith.constant 0 : i32
      %dma_start3A_124 = arith.constant 0 : i32
      %dma_start3A_125 = tpu.memref_slice %arg18[%dma_start3A_123, %dma_start3A_124] : memref<10240x128xf32, #tpu.memory_space<vmem_shared>> -> memref<10240x128xf32, #tpu.memory_space<vmem_shared>>
      tpu.enqueue_indirect_dma source(%arg9 : memref<100x128xf32, #tpu.memory_space<vmem>>) target(%dma_start3A_125 : memref<10240x128xf32, #tpu.memory_space<vmem_shared>>) offsets(%dma_start3A_122 : memref<100xi32, #tpu.memory_space<vmem>>) semaphore(%arg15 : memref<!tpu.dma_semaphore, #tpu.memory_space<semaphore_mem>>) {add = true}
      %dma_wait3A_126 = arith.constant 0 : i32
      %dma_wait3A_127 = arith.constant 0 : i32
      %dma_wait3A_128 = tpu.memref_slice %arg8[%dma_wait3A_126, %dma_wait3A_127] : memref<25x100xi32, #tpu.memory_space<vmem>> -> memref<1x100xi32, #tpu.memory_space<vmem>>
      %dma_wait3A_129 = tpu.memref_squeeze %dma_wait3A_128 : memref<1x100xi32, #tpu.memory_space<vmem>> -> memref<100xi32, #tpu.memory_space<vmem>>
      %dma_wait3A_130 = arith.constant 0 : i32
      %dma_wait3A_131 = arith.constant 0 : i32
      %dma_wait3A_132 = tpu.memref_slice %arg18[%dma_wait3A_130, %dma_wait3A_131] : memref<10240x128xf32, #tpu.memory_space<vmem_shared>> -> memref<10240x128xf32, #tpu.memory_space<vmem_shared>>
      tpu.wait_indirect_dma semaphore(%arg15 : memref<!tpu.dma_semaphore, #tpu.memory_space<semaphore_mem>>) src(%arg9 : memref<100x128xf32, #tpu.memory_space<vmem>>) dst(%dma_wait3A_132 : memref<10240x128xf32, #tpu.memory_space<vmem_shared>>)
      %dma_start3A_133 = arith.constant 3 : i32
      %dma_start3A_134 = arith.constant 0 : i32
      %dma_start3A_135 = tpu.memref_slice %arg7[%dma_start3A_133, %dma_start3A_134] : memref<25x100xi32, #tpu.memory_space<vmem>> -> memref<1x100xi32, #tpu.memory_space<vmem>>
      %dma_start3A_136 = tpu.memref_squeeze %dma_start3A_135 : memref<1x100xi32, #tpu.memory_space<vmem>> -> memref<100xi32, #tpu.memory_space<vmem>>
      %dma_start3A_137 = arith.constant 0 : i32
      %dma_start3A_138 = arith.constant 0 : i32
      %dma_start3A_139 = tpu.memref_slice %arg2[%dma_start3A_137, %dma_start3A_138] : memref<10000x128xf32, #tpu.memory_space<hbm>> -> memref<10000x128xf32, #tpu.memory_space<hbm>>
      tpu.enqueue_indirect_dma source(%dma_start3A_139 : memref<10000x128xf32, #tpu.memory_space<hbm>>) target(%arg9 : memref<100x128xf32, #tpu.memory_space<vmem>>) offsets(%dma_start3A_136 : memref<100xi32, #tpu.memory_space<vmem>>) semaphore(%arg12 : memref<!tpu.dma_semaphore, #tpu.memory_space<semaphore_mem>>)
      %dma_wait3A_140 = arith.constant 1 : i32
      %dma_wait3A_141 = arith.constant 0 : i32
      %dma_wait3A_142 = tpu.memref_slice %arg7[%dma_wait3A_140, %dma_wait3A_141] : memref<25x100xi32, #tpu.memory_space<vmem>> -> memref<1x100xi32, #tpu.memory_space<vmem>>
      %dma_wait3A_143 = tpu.memref_squeeze %dma_wait3A_142 : memref<1x100xi32, #tpu.memory_space<vmem>> -> memref<100xi32, #tpu.memory_space<vmem>>
      %dma_wait3A_144 = arith.constant 0 : i32
      %dma_wait3A_145 = arith.constant 0 : i32
      %dma_wait3A_146 = tpu.memref_slice %arg2[%dma_wait3A_144, %dma_wait3A_145] : memref<10000x128xf32, #tpu.memory_space<hbm>> -> memref<10000x128xf32, #tpu.memory_space<hbm>>
      tpu.wait_indirect_dma semaphore(%arg13 : memref<!tpu.dma_semaphore, #tpu.memory_space<semaphore_mem>>) src(%dma_wait3A_146 : memref<10000x128xf32, #tpu.memory_space<hbm>>) dst(%arg10 : memref<100x128xf32, #tpu.memory_space<vmem>>)
      %dma_start3A_147 = arith.constant 1 : i32
      %dma_start3A_148 = arith.constant 0 : i32
      %dma_start3A_149 = tpu.memref_slice %arg8[%dma_start3A_147, %dma_start3A_148] : memref<25x100xi32, #tpu.memory_space<vmem>> -> memref<1x100xi32, #tpu.memory_space<vmem>>
      %dma_start3A_150 = tpu.memref_squeeze %dma_start3A_149 : memref<1x100xi32, #tpu.memory_space<vmem>> -> memref<100xi32, #tpu.memory_space<vmem>>
      %dma_start3A_151 = arith.constant 0 : i32
      %dma_start3A_152 = arith.constant 0 : i32
      %dma_start3A_153 = tpu.memref_slice %arg18[%dma_start3A_151, %dma_start3A_152] : memref<10240x128xf32, #tpu.memory_space<vmem_shared>> -> memref<10240x128xf32, #tpu.memory_space<vmem_shared>>
      tpu.enqueue_indirect_dma source(%arg10 : memref<100x128xf32, #tpu.memory_space<vmem>>) target(%dma_start3A_153 : memref<10240x128xf32, #tpu.memory_space<vmem_shared>>) offsets(%dma_start3A_150 : memref<100xi32, #tpu.memory_space<vmem>>) semaphore(%arg16 : memref<!tpu.dma_semaphore, #tpu.memory_space<semaphore_mem>>) {add = true}
      %dma_wait3A_154 = arith.constant 1 : i32
      %dma_wait3A_155 = arith.constant 0 : i32
      %dma_wait3A_156 = tpu.memref_slice %arg8[%dma_wait3A_154, %dma_wait3A_155] : memref<25x100xi32, #tpu.memory_space<vmem>> -> memref<1x100xi32, #tpu.memory_space<vmem>>
      %dma_wait3A_157 = tpu.memref_squeeze %dma_wait3A_156 : memref<1x100xi32, #tpu.memory_space<vmem>> -> memref<100xi32, #tpu.memory_space<vmem>>
      %dma_wait3A_158 = arith.constant 0 : i32
      %dma_wait3A_159 = arith.constant 0 : i32
      %dma_wait3A_160 = tpu.memref_slice %arg18[%dma_wait3A_158, %dma_wait3A_159] : memref<10240x128xf32, #tpu.memory_space<vmem_shared>> -> memref<10240x128xf32, #tpu.memory_space<vmem_shared>>
      tpu.wait_indirect_dma semaphore(%arg16 : memref<!tpu.dma_semaphore, #tpu.memory_space<semaphore_mem>>) src(%arg10 : memref<100x128xf32, #tpu.memory_space<vmem>>) dst(%dma_wait3A_160 : memref<10240x128xf32, #tpu.memory_space<vmem_shared>>)
      %dma_start3A_161 = arith.constant 4 : i32
      %dma_start3A_162 = arith.constant 0 : i32
      %dma_start3A_163 = tpu.memref_slice %arg7[%dma_start3A_161, %dma_start3A_162] : memref<25x100xi32, #tpu.memory_space<vmem>> -> memref<1x100xi32, #tpu.memory_space<vmem>>
      %dma_start3A_164 = tpu.memref_squeeze %dma_start3A_163 : memref<1x100xi32, #tpu.memory_space<vmem>> -> memref<100xi32, #tpu.memory_space<vmem>>
      %dma_start3A_165 = arith.constant 0 : i32
      %dma_start3A_166 = arith.constant 0 : i32
      %dma_start3A_167 = tpu.memref_slice %arg2[%dma_start3A_165, %dma_start3A_166] : memref<10000x128xf32, #tpu.memory_space<hbm>> -> memref<10000x128xf32, #tpu.memory_space<hbm>>
      tpu.enqueue_indirect_dma source(%dma_start3A_167 : memref<10000x128xf32, #tpu.memory_space<hbm>>) target(%arg10 : memref<100x128xf32, #tpu.memory_space<vmem>>) offsets(%dma_start3A_164 : memref<100xi32, #tpu.memory_space<vmem>>) semaphore(%arg13 : memref<!tpu.dma_semaphore, #tpu.memory_space<semaphore_mem>>)
      %dma_wait3A_168 = arith.constant 2 : i32
      %dma_wait3A_169 = arith.constant 0 : i32
      %dma_wait3A_170 = tpu.memref_slice %arg7[%dma_wait3A_168, %dma_wait3A_169] : memref<25x100xi32, #tpu.memory_space<vmem>> -> memref<1x100xi32, #tpu.memory_space<vmem>>
      %dma_wait3A_171 = tpu.memref_squeeze %dma_wait3A_170 : memref<1x100xi32, #tpu.memory_space<vmem>> -> memref<100xi32, #tpu.memory_space<vmem>>
      %dma_wait3A_172 = arith.constant 0 : i32
      %dma_wait3A_173 = arith.constant 0 : i32
      %dma_wait3A_174 = tpu.memref_slice %arg2[%dma_wait3A_172, %dma_wait3A_173] : memref<10000x128xf32, #tpu.memory_space<hbm>> -> memref<10000x128xf32, #tpu.memory_space<hbm>>
      tpu.wait_indirect_dma semaphore(%arg14 : memref<!tpu.dma_semaphore, #tpu.memory_space<semaphore_mem>>) src(%dma_wait3A_174 : memref<10000x128xf32, #tpu.memory_space<hbm>>) dst(%arg11 : memref<100x128xf32, #tpu.memory_space<vmem>>)
      %dma_start3A_175 = arith.constant 2 : i32
      %dma_start3A_176 = arith.constant 0 : i32
      %dma_start3A_177 = tpu.memref_slice %arg8[%dma_start3A_175, %dma_start3A_176] : memref<25x100xi32, #tpu.memory_space<vmem>> -> memref<1x100xi32, #tpu.memory_space<vmem>>
      %dma_start3A_178 = tpu.memref_squeeze %dma_start3A_177 : memref<1x100xi32, #tpu.memory_space<vmem>> -> memref<100xi32, #tpu.memory_space<vmem>>
      %dma_start3A_179 = arith.constant 0 : i32
      %dma_start3A_180 = arith.constant 0 : i32
      %dma_start3A_181 = tpu.memref_slice %arg18[%dma_start3A_179, %dma_start3A_180] : memref<10240x128xf32, #tpu.memory_space<vmem_shared>> -> memref<10240x128xf32, #tpu.memory_space<vmem_shared>>
      tpu.enqueue_indirect_dma source(%arg11 : memref<100x128xf32, #tpu.memory_space<vmem>>) target(%dma_start3A_181 : memref<10240x128xf32, #tpu.memory_space<vmem_shared>>) offsets(%dma_start3A_178 : memref<100xi32, #tpu.memory_space<vmem>>) semaphore(%arg17 : memref<!tpu.dma_semaphore, #tpu.memory_space<semaphore_mem>>) {add = true}
      %dma_wait3A_182 = arith.constant 2 : i32
      %dma_wait3A_183 = arith.constant 0 : i32
      %dma_wait3A_184 = tpu.memref_slice %arg8[%dma_wait3A_182, %dma_wait3A_183] : memref<25x100xi32, #tpu.memory_space<vmem>> -> memref<1x100xi32, #tpu.memory_space<vmem>>
      %dma_wait3A_185 = tpu.memref_squeeze %dma_wait3A_184 : memref<1x100xi32, #tpu.memory_space<vmem>> -> memref<100xi32, #tpu.memory_space<vmem>>
      %dma_wait3A_186 = arith.constant 0 : i32
      %dma_wait3A_187 = arith.constant 0 : i32
      %dma_wait3A_188 = tpu.memref_slice %arg18[%dma_wait3A_186, %dma_wait3A_187] : memref<10240x128xf32, #tpu.memory_space<vmem_shared>> -> memref<10240x128xf32, #tpu.memory_space<vmem_shared>>
      tpu.wait_indirect_dma semaphore(%arg17 : memref<!tpu.dma_semaphore, #tpu.memory_space<semaphore_mem>>) src(%arg11 : memref<100x128xf32, #tpu.memory_space<vmem>>) dst(%dma_wait3A_188 : memref<10240x128xf32, #tpu.memory_space<vmem_shared>>)
      %dma_start3A_189 = arith.constant 5 : i32
      %dma_start3A_190 = arith.constant 0 : i32
      %dma_start3A_191 = tpu.memref_slice %arg7[%dma_start3A_189, %dma_start3A_190] : memref<25x100xi32, #tpu.memory_space<vmem>> -> memref<1x100xi32, #tpu.memory_space<vmem>>
      %dma_start3A_192 = tpu.memref_squeeze %dma_start3A_191 : memref<1x100xi32, #tpu.memory_space<vmem>> -> memref<100xi32, #tpu.memory_space<vmem>>
      %dma_start3A_193 = arith.constant 0 : i32
      %dma_start3A_194 = arith.constant 0 : i32
      %dma_start3A_195 = tpu.memref_slice %arg2[%dma_start3A_193, %dma_start3A_194] : memref<10000x128xf32, #tpu.memory_space<hbm>> -> memref<10000x128xf32, #tpu.memory_space<hbm>>
      tpu.enqueue_indirect_dma source(%dma_start3A_195 : memref<10000x128xf32, #tpu.memory_space<hbm>>) target(%arg11 : memref<100x128xf32, #tpu.memory_space<vmem>>) offsets(%dma_start3A_192 : memref<100xi32, #tpu.memory_space<vmem>>) semaphore(%arg14 : memref<!tpu.dma_semaphore, #tpu.memory_space<semaphore_mem>>)
      %dma_wait3A_196 = arith.constant 3 : i32
      %dma_wait3A_197 = arith.constant 0 : i32
      %dma_wait3A_198 = tpu.memref_slice %arg7[%dma_wait3A_196, %dma_wait3A_197] : memref<25x100xi32, #tpu.memory_space<vmem>> -> memref<1x100xi32, #tpu.memory_space<vmem>>
      %dma_wait3A_199 = tpu.memref_squeeze %dma_wait3A_198 : memref<1x100xi32, #tpu.memory_space<vmem>> -> memref<100xi32, #tpu.memory_space<vmem>>
      %dma_wait3A_200 = arith.constant 0 : i32
      %dma_wait3A_201 = arith.constant 0 : i32
      %dma_wait3A_202 = tpu.memref_slice %arg2[%dma_wait3A_200, %dma_wait3A_201] : memref<10000x128xf32, #tpu.memory_space<hbm>> -> memref<10000x128xf32, #tpu.memory_space<hbm>>
      tpu.wait_indirect_dma semaphore(%arg12 : memref<!tpu.dma_semaphore, #tpu.memory_space<semaphore_mem>>) src(%dma_wait3A_202 : memref<10000x128xf32, #tpu.memory_space<hbm>>) dst(%arg9 : memref<100x128xf32, #tpu.memory_space<vmem>>)
      %dma_start3A_203 = arith.constant 3 : i32
      %dma_start3A_204 = arith.constant 0 : i32
      %dma_start3A_205 = tpu.memref_slice %arg8[%dma_start3A_203, %dma_start3A_204] : memref<25x100xi32, #tpu.memory_space<vmem>> -> memref<1x100xi32, #tpu.memory_space<vmem>>
      %dma_start3A_206 = tpu.memref_squeeze %dma_start3A_205 : memref<1x100xi32, #tpu.memory_space<vmem>> -> memref<100xi32, #tpu.memory_space<vmem>>
      %dma_start3A_207 = arith.constant 0 : i32
      %dma_start3A_208 = arith.constant 0 : i32
      %dma_start3A_209 = tpu.memref_slice %arg18[%dma_start3A_207, %dma_start3A_208] : memref<10240x128xf32, #tpu.memory_space<vmem_shared>> -> memref<10240x128xf32, #tpu.memory_space<vmem_shared>>
      tpu.enqueue_indirect_dma source(%arg9 : memref<100x128xf32, #tpu.memory_space<vmem>>) target(%dma_start3A_209 : memref<10240x128xf32, #tpu.memory_space<vmem_shared>>) offsets(%dma_start3A_206 : memref<100xi32, #tpu.memory_space<vmem>>) semaphore(%arg15 : memref<!tpu.dma_semaphore, #tpu.memory_space<semaphore_mem>>) {add = true}
      %dma_wait3A_210 = arith.constant 3 : i32
      %dma_wait3A_211 = arith.constant 0 : i32
      %dma_wait3A_212 = tpu.memref_slice %arg8[%dma_wait3A_210, %dma_wait3A_211] : memref<25x100xi32, #tpu.memory_space<vmem>> -> memref<1x100xi32, #tpu.memory_space<vmem>>
      %dma_wait3A_213 = tpu.memref_squeeze %dma_wait3A_212 : memref<1x100xi32, #tpu.memory_space<vmem>> -> memref<100xi32, #tpu.memory_space<vmem>>
      %dma_wait3A_214 = arith.constant 0 : i32
      %dma_wait3A_215 = arith.constant 0 : i32
      %dma_wait3A_216 = tpu.memref_slice %arg18[%dma_wait3A_214, %dma_wait3A_215] : memref<10240x128xf32, #tpu.memory_space<vmem_shared>> -> memref<10240x128xf32, #tpu.memory_space<vmem_shared>>
      tpu.wait_indirect_dma semaphore(%arg15 : memref<!tpu.dma_semaphore, #tpu.memory_space<semaphore_mem>>) src(%arg9 : memref<100x128xf32, #tpu.memory_space<vmem>>) dst(%dma_wait3A_216 : memref<10240x128xf32, #tpu.memory_space<vmem_shared>>)
      %dma_start3A_217 = arith.constant 6 : i32
      %dma_start3A_218 = arith.constant 0 : i32
      %dma_start3A_219 = tpu.memref_slice %arg7[%dma_start3A_217, %dma_start3A_218] : memref<25x100xi32, #tpu.memory_space<vmem>> -> memref<1x100xi32, #tpu.memory_space<vmem>>
      %dma_start3A_220 = tpu.memref_squeeze %dma_start3A_219 : memref<1x100xi32, #tpu.memory_space<vmem>> -> memref<100xi32, #tpu.memory_space<vmem>>
      %dma_start3A_221 = arith.constant 0 : i32
      %dma_start3A_222 = arith.constant 0 : i32
      %dma_start3A_223 = tpu.memref_slice %arg2[%dma_start3A_221, %dma_start3A_222] : memref<10000x128xf32, #tpu.memory_space<hbm>> -> memref<10000x128xf32, #tpu.memory_space<hbm>>
      tpu.enqueue_indirect_dma source(%dma_start3A_223 : memref<10000x128xf32, #tpu.memory_space<hbm>>) target(%arg9 : memref<100x128xf32, #tpu.memory_space<vmem>>) offsets(%dma_start3A_220 : memref<100xi32, #tpu.memory_space<vmem>>) semaphore(%arg12 : memref<!tpu.dma_semaphore, #tpu.memory_space<semaphore_mem>>)
      %dma_wait3A_224 = arith.constant 4 : i32
      %dma_wait3A_225 = arith.constant 0 : i32
      %dma_wait3A_226 = tpu.memref_slice %arg7[%dma_wait3A_224, %dma_wait3A_225] : memref<25x100xi32, #tpu.memory_space<vmem>> -> memref<1x100xi32, #tpu.memory_space<vmem>>
      %dma_wait3A_227 = tpu.memref_squeeze %dma_wait3A_226 : memref<1x100xi32, #tpu.memory_space<vmem>> -> memref<100xi32, #tpu.memory_space<vmem>>
      %dma_wait3A_228 = arith.constant 0 : i32
      %dma_wait3A_229 = arith.constant 0 : i32
      %dma_wait3A_230 = tpu.memref_slice %arg2[%dma_wait3A_228, %dma_wait3A_229] : memref<10000x128xf32, #tpu.memory_space<hbm>> -> memref<10000x128xf32, #tpu.memory_space<hbm>>
      tpu.wait_indirect_dma semaphore(%arg13 : memref<!tpu.dma_semaphore, #tpu.memory_space<semaphore_mem>>) src(%dma_wait3A_230 : memref<10000x128xf32, #tpu.memory_space<hbm>>) dst(%arg10 : memref<100x128xf32, #tpu.memory_space<vmem>>)
      %dma_start3A_231 = arith.constant 4 : i32
      %dma_start3A_232 = arith.constant 0 : i32
      %dma_start3A_233 = tpu.memref_slice %arg8[%dma_start3A_231, %dma_start3A_232] : memref<25x100xi32, #tpu.memory_space<vmem>> -> memref<1x100xi32, #tpu.memory_space<vmem>>
      %dma_start3A_234 = tpu.memref_squeeze %dma_start3A_233 : memref<1x100xi32, #tpu.memory_space<vmem>> -> memref<100xi32, #tpu.memory_space<vmem>>
      %dma_start3A_235 = arith.constant 0 : i32
      %dma_start3A_236 = arith.constant 0 : i32
      %dma_start3A_237 = tpu.memref_slice %arg18[%dma_start3A_235, %dma_start3A_236] : memref<10240x128xf32, #tpu.memory_space<vmem_shared>> -> memref<10240x128xf32, #tpu.memory_space<vmem_shared>>
      tpu.enqueue_indirect_dma source(%arg10 : memref<100x128xf32, #tpu.memory_space<vmem>>) target(%dma_start3A_237 : memref<10240x128xf32, #tpu.memory_space<vmem_shared>>) offsets(%dma_start3A_234 : memref<100xi32, #tpu.memory_space<vmem>>) semaphore(%arg16 : memref<!tpu.dma_semaphore, #tpu.memory_space<semaphore_mem>>) {add = true}
      %dma_wait3A_238 = arith.constant 4 : i32
      %dma_wait3A_239 = arith.constant 0 : i32
      %dma_wait3A_240 = tpu.memref_slice %arg8[%dma_wait3A_238, %dma_wait3A_239] : memref<25x100xi32, #tpu.memory_space<vmem>> -> memref<1x100xi32, #tpu.memory_space<vmem>>
      %dma_wait3A_241 = tpu.memref_squeeze %dma_wait3A_240 : memref<1x100xi32, #tpu.memory_space<vmem>> -> memref<100xi32, #tpu.memory_space<vmem>>
      %dma_wait3A_242 = arith.constant 0 : i32
      %dma_wait3A_243 = arith.constant 0 : i32
      %dma_wait3A_244 = tpu.memref_slice %arg18[%dma_wait3A_242, %dma_wait3A_243] : memref<10240x128xf32, #tpu.memory_space<vmem_shared>> -> memref<10240x128xf32, #tpu.memory_space<vmem_shared>>
      tpu.wait_indirect_dma semaphore(%arg16 : memref<!tpu.dma_semaphore, #tpu.memory_space<semaphore_mem>>) src(%arg10 : memref<100x128xf32, #tpu.memory_space<vmem>>) dst(%dma_wait3A_244 : memref<10240x128xf32, #tpu.memory_space<vmem_shared>>)
      %dma_start3A_245 = arith.constant 7 : i32
      %dma_start3A_246 = arith.constant 0 : i32
      %dma_start3A_247 = tpu.memref_slice %arg7[%dma_start3A_245, %dma_start3A_246] : memref<25x100xi32, #tpu.memory_space<vmem>> -> memref<1x100xi32, #tpu.memory_space<vmem>>
      %dma_start3A_248 = tpu.memref_squeeze %dma_start3A_247 : memref<1x100xi32, #tpu.memory_space<vmem>> -> memref<100xi32, #tpu.memory_space<vmem>>
      %dma_start3A_249 = arith.constant 0 : i32
      %dma_start3A_250 = arith.constant 0 : i32
      %dma_start3A_251 = tpu.memref_slice %arg2[%dma_start3A_249, %dma_start3A_250] : memref<10000x128xf32, #tpu.memory_space<hbm>> -> memref<10000x128xf32, #tpu.memory_space<hbm>>
      tpu.enqueue_indirect_dma source(%dma_start3A_251 : memref<10000x128xf32, #tpu.memory_space<hbm>>) target(%arg10 : memref<100x128xf32, #tpu.memory_space<vmem>>) offsets(%dma_start3A_248 : memref<100xi32, #tpu.memory_space<vmem>>) semaphore(%arg13 : memref<!tpu.dma_semaphore, #tpu.memory_space<semaphore_mem>>)
      %dma_wait3A_252 = arith.constant 5 : i32
      %dma_wait3A_253 = arith.constant 0 : i32
      %dma_wait3A_254 = tpu.memref_slice %arg7[%dma_wait3A_252, %dma_wait3A_253] : memref<25x100xi32, #tpu.memory_space<vmem>> -> memref<1x100xi32, #tpu.memory_space<vmem>>
      %dma_wait3A_255 = tpu.memref_squeeze %dma_wait3A_254 : memref<1x100xi32, #tpu.memory_space<vmem>> -> memref<100xi32, #tpu.memory_space<vmem>>
      %dma_wait3A_256 = arith.constant 0 : i32
      %dma_wait3A_257 = arith.constant 0 : i32
      %dma_wait3A_258 = tpu.memref_slice %arg2[%dma_wait3A_256, %dma_wait3A_257] : memref<10000x128xf32, #tpu.memory_space<hbm>> -> memref<10000x128xf32, #tpu.memory_space<hbm>>
      tpu.wait_indirect_dma semaphore(%arg14 : memref<!tpu.dma_semaphore, #tpu.memory_space<semaphore_mem>>) src(%dma_wait3A_258 : memref<10000x128xf32, #tpu.memory_space<hbm>>) dst(%arg11 : memref<100x128xf32, #tpu.memory_space<vmem>>)
      %dma_start3A_259 = arith.constant 5 : i32
      %dma_start3A_260 = arith.constant 0 : i32
      %dma_start3A_261 = tpu.memref_slice %arg8[%dma_start3A_259, %dma_start3A_260] : memref<25x100xi32, #tpu.memory_space<vmem>> -> memref<1x100xi32, #tpu.memory_space<vmem>>
      %dma_start3A_262 = tpu.memref_squeeze %dma_start3A_261 : memref<1x100xi32, #tpu.memory_space<vmem>> -> memref<100xi32, #tpu.memory_space<vmem>>
      %dma_start3A_263 = arith.constant 0 : i32
      %dma_start3A_264 = arith.constant 0 : i32
      %dma_start3A_265 = tpu.memref_slice %arg18[%dma_start3A_263, %dma_start3A_264] : memref<10240x128xf32, #tpu.memory_space<vmem_shared>> -> memref<10240x128xf32, #tpu.memory_space<vmem_shared>>
      tpu.enqueue_indirect_dma source(%arg11 : memref<100x128xf32, #tpu.memory_space<vmem>>) target(%dma_start3A_265 : memref<10240x128xf32, #tpu.memory_space<vmem_shared>>) offsets(%dma_start3A_262 : memref<100xi32, #tpu.memory_space<vmem>>) semaphore(%arg17 : memref<!tpu.dma_semaphore, #tpu.memory_space<semaphore_mem>>) {add = true}
      %dma_wait3A_266 = arith.constant 5 : i32
      %dma_wait3A_267 = arith.constant 0 : i32
      %dma_wait3A_268 = tpu.memref_slice %arg8[%dma_wait3A_266, %dma_wait3A_267] : memref<25x100xi32, #tpu.memory_space<vmem>> -> memref<1x100xi32, #tpu.memory_space<vmem>>
      %dma_wait3A_269 = tpu.memref_squeeze %dma_wait3A_268 : memref<1x100xi32, #tpu.memory_space<vmem>> -> memref<100xi32, #tpu.memory_space<vmem>>
      %dma_wait3A_270 = arith.constant 0 : i32
      %dma_wait3A_271 = arith.constant 0 : i32
      %dma_wait3A_272 = tpu.memref_slice %arg18[%dma_wait3A_270, %dma_wait3A_271] : memref<10240x128xf32, #tpu.memory_space<vmem_shared>> -> memref<10240x128xf32, #tpu.memory_space<vmem_shared>>
      tpu.wait_indirect_dma semaphore(%arg17 : memref<!tpu.dma_semaphore, #tpu.memory_space<semaphore_mem>>) src(%arg11 : memref<100x128xf32, #tpu.memory_space<vmem>>) dst(%dma_wait3A_272 : memref<10240x128xf32, #tpu.memory_space<vmem_shared>>)
      %dma_start3A_273 = arith.constant 8 : i32
      %dma_start3A_274 = arith.constant 0 : i32
      %dma_start3A_275 = tpu.memref_slice %arg7[%dma_start3A_273, %dma_start3A_274] : memref<25x100xi32, #tpu.memory_space<vmem>> -> memref<1x100xi32, #tpu.memory_space<vmem>>
      %dma_start3A_276 = tpu.memref_squeeze %dma_start3A_275 : memref<1x100xi32, #tpu.memory_space<vmem>> -> memref<100xi32, #tpu.memory_space<vmem>>
      %dma_start3A_277 = arith.constant 0 : i32
      %dma_start3A_278 = arith.constant 0 : i32
      %dma_start3A_279 = tpu.memref_slice %arg2[%dma_start3A_277, %dma_start3A_278] : memref<10000x128xf32, #tpu.memory_space<hbm>> -> memref<10000x128xf32, #tpu.memory_space<hbm>>
      tpu.enqueue_indirect_dma source(%dma_start3A_279 : memref<10000x128xf32, #tpu.memory_space<hbm>>) target(%arg11 : memref<100x128xf32, #tpu.memory_space<vmem>>) offsets(%dma_start3A_276 : memref<100xi32, #tpu.memory_space<vmem>>) semaphore(%arg14 : memref<!tpu.dma_semaphore, #tpu.memory_space<semaphore_mem>>)
      %dma_wait3A_280 = arith.constant 6 : i32
      %dma_wait3A_281 = arith.constant 0 : i32
      %dma_wait3A_282 = tpu.memref_slice %arg7[%dma_wait3A_280, %dma_wait3A_281] : memref<25x100xi32, #tpu.memory_space<vmem>> -> memref<1x100xi32, #tpu.memory_space<vmem>>
      %dma_wait3A_283 = tpu.memref_squeeze %dma_wait3A_282 : memref<1x100xi32, #tpu.memory_space<vmem>> -> memref<100xi32, #tpu.memory_space<vmem>>
      %dma_wait3A_284 = arith.constant 0 : i32
      %dma_wait3A_285 = arith.constant 0 : i32
      %dma_wait3A_286 = tpu.memref_slice %arg2[%dma_wait3A_284, %dma_wait3A_285] : memref<10000x128xf32, #tpu.memory_space<hbm>> -> memref<10000x128xf32, #tpu.memory_space<hbm>>
      tpu.wait_indirect_dma semaphore(%arg12 : memref<!tpu.dma_semaphore, #tpu.memory_space<semaphore_mem>>) src(%dma_wait3A_286 : memref<10000x128xf32, #tpu.memory_space<hbm>>) dst(%arg9 : memref<100x128xf32, #tpu.memory_space<vmem>>)
      %dma_start3A_287 = arith.constant 6 : i32
      %dma_start3A_288 = arith.constant 0 : i32
      %dma_start3A_289 = tpu.memref_slice %arg8[%dma_start3A_287, %dma_start3A_288] : memref<25x100xi32, #tpu.memory_space<vmem>> -> memref<1x100xi32, #tpu.memory_space<vmem>>
      %dma_start3A_290 = tpu.memref_squeeze %dma_start3A_289 : memref<1x100xi32, #tpu.memory_space<vmem>> -> memref<100xi32, #tpu.memory_space<vmem>>
      %dma_start3A_291 = arith.constant 0 : i32
      %dma_start3A_292 = arith.constant 0 : i32
      %dma_start3A_293 = tpu.memref_slice %arg18[%dma_start3A_291, %dma_start3A_292] : memref<10240x128xf32, #tpu.memory_space<vmem_shared>> -> memref<10240x128xf32, #tpu.memory_space<vmem_shared>>
      tpu.enqueue_indirect_dma source(%arg9 : memref<100x128xf32, #tpu.memory_space<vmem>>) target(%dma_start3A_293 : memref<10240x128xf32, #tpu.memory_space<vmem_shared>>) offsets(%dma_start3A_290 : memref<100xi32, #tpu.memory_space<vmem>>) semaphore(%arg15 : memref<!tpu.dma_semaphore, #tpu.memory_space<semaphore_mem>>) {add = true}
      %dma_wait3A_294 = arith.constant 6 : i32
      %dma_wait3A_295 = arith.constant 0 : i32
      %dma_wait3A_296 = tpu.memref_slice %arg8[%dma_wait3A_294, %dma_wait3A_295] : memref<25x100xi32, #tpu.memory_space<vmem>> -> memref<1x100xi32, #tpu.memory_space<vmem>>
      %dma_wait3A_297 = tpu.memref_squeeze %dma_wait3A_296 : memref<1x100xi32, #tpu.memory_space<vmem>> -> memref<100xi32, #tpu.memory_space<vmem>>
      %dma_wait3A_298 = arith.constant 0 : i32
      %dma_wait3A_299 = arith.constant 0 : i32
      %dma_wait3A_300 = tpu.memref_slice %arg18[%dma_wait3A_298, %dma_wait3A_299] : memref<10240x128xf32, #tpu.memory_space<vmem_shared>> -> memref<10240x128xf32, #tpu.memory_space<vmem_shared>>
      tpu.wait_indirect_dma semaphore(%arg15 : memref<!tpu.dma_semaphore, #tpu.memory_space<semaphore_mem>>) src(%arg9 : memref<100x128xf32, #tpu.memory_space<vmem>>) dst(%dma_wait3A_300 : memref<10240x128xf32, #tpu.memory_space<vmem_shared>>)
      %dma_start3A_301 = arith.constant 9 : i32
      %dma_start3A_302 = arith.constant 0 : i32
      %dma_start3A_303 = tpu.memref_slice %arg7[%dma_start3A_301, %dma_start3A_302] : memref<25x100xi32, #tpu.memory_space<vmem>> -> memref<1x100xi32, #tpu.memory_space<vmem>>
      %dma_start3A_304 = tpu.memref_squeeze %dma_start3A_303 : memref<1x100xi32, #tpu.memory_space<vmem>> -> memref<100xi32, #tpu.memory_space<vmem>>
      %dma_start3A_305 = arith.constant 0 : i32
      %dma_start3A_306 = arith.constant 0 : i32
      %dma_start3A_307 = tpu.memref_slice %arg2[%dma_start3A_305, %dma_start3A_306] : memref<10000x128xf32, #tpu.memory_space<hbm>> -> memref<10000x128xf32, #tpu.memory_space<hbm>>
      tpu.enqueue_indirect_dma source(%dma_start3A_307 : memref<10000x128xf32, #tpu.memory_space<hbm>>) target(%arg9 : memref<100x128xf32, #tpu.memory_space<vmem>>) offsets(%dma_start3A_304 : memref<100xi32, #tpu.memory_space<vmem>>) semaphore(%arg12 : memref<!tpu.dma_semaphore, #tpu.memory_space<semaphore_mem>>)
      %dma_wait3A_308 = arith.constant 7 : i32
      %dma_wait3A_309 = arith.constant 0 : i32
      %dma_wait3A_310 = tpu.memref_slice %arg7[%dma_wait3A_308, %dma_wait3A_309] : memref<25x100xi32, #tpu.memory_space<vmem>> -> memref<1x100xi32, #tpu.memory_space<vmem>>
      %dma_wait3A_311 = tpu.memref_squeeze %dma_wait3A_310 : memref<1x100xi32, #tpu.memory_space<vmem>> -> memref<100xi32, #tpu.memory_space<vmem>>
      %dma_wait3A_312 = arith.constant 0 : i32
      %dma_wait3A_313 = arith.constant 0 : i32
      %dma_wait3A_314 = tpu.memref_slice %arg2[%dma_wait3A_312, %dma_wait3A_313] : memref<10000x128xf32, #tpu.memory_space<hbm>> -> memref<10000x128xf32, #tpu.memory_space<hbm>>
      tpu.wait_indirect_dma semaphore(%arg13 : memref<!tpu.dma_semaphore, #tpu.memory_space<semaphore_mem>>) src(%dma_wait3A_314 : memref<10000x128xf32, #tpu.memory_space<hbm>>) dst(%arg10 : memref<100x128xf32, #tpu.memory_space<vmem>>)
      %dma_start3A_315 = arith.constant 7 : i32
      %dma_start3A_316 = arith.constant 0 : i32
      %dma_start3A_317 = tpu.memref_slice %arg8[%dma_start3A_315, %dma_start3A_316] : memref<25x100xi32, #tpu.memory_space<vmem>> -> memref<1x100xi32, #tpu.memory_space<vmem>>
      %dma_start3A_318 = tpu.memref_squeeze %dma_start3A_317 : memref<1x100xi32, #tpu.memory_space<vmem>> -> memref<100xi32, #tpu.memory_space<vmem>>
      %dma_start3A_319 = arith.constant 0 : i32
      %dma_start3A_320 = arith.constant 0 : i32
      %dma_start3A_321 = tpu.memref_slice %arg18[%dma_start3A_319, %dma_start3A_320] : memref<10240x128xf32, #tpu.memory_space<vmem_shared>> -> memref<10240x128xf32, #tpu.memory_space<vmem_shared>>
      tpu.enqueue_indirect_dma source(%arg10 : memref<100x128xf32, #tpu.memory_space<vmem>>) target(%dma_start3A_321 : memref<10240x128xf32, #tpu.memory_space<vmem_shared>>) offsets(%dma_start3A_318 : memref<100xi32, #tpu.memory_space<vmem>>) semaphore(%arg16 : memref<!tpu.dma_semaphore, #tpu.memory_space<semaphore_mem>>) {add = true}
      %dma_wait3A_322 = arith.constant 7 : i32
      %dma_wait3A_323 = arith.constant 0 : i32
      %dma_wait3A_324 = tpu.memref_slice %arg8[%dma_wait3A_322, %dma_wait3A_323] : memref<25x100xi32, #tpu.memory_space<vmem>> -> memref<1x100xi32, #tpu.memory_space<vmem>>
      %dma_wait3A_325 = tpu.memref_squeeze %dma_wait3A_324 : memref<1x100xi32, #tpu.memory_space<vmem>> -> memref<100xi32, #tpu.memory_space<vmem>>
      %dma_wait3A_326 = arith.constant 0 : i32
      %dma_wait3A_327 = arith.constant 0 : i32
      %dma_wait3A_328 = tpu.memref_slice %arg18[%dma_wait3A_326, %dma_wait3A_327] : memref<10240x128xf32, #tpu.memory_space<vmem_shared>> -> memref<10240x128xf32, #tpu.memory_space<vmem_shared>>
      tpu.wait_indirect_dma semaphore(%arg16 : memref<!tpu.dma_semaphore, #tpu.memory_space<semaphore_mem>>) src(%arg10 : memref<100x128xf32, #tpu.memory_space<vmem>>) dst(%dma_wait3A_328 : memref<10240x128xf32, #tpu.memory_space<vmem_shared>>)
      %dma_start3A_329 = arith.constant 10 : i32
      %dma_start3A_330 = arith.constant 0 : i32
      %dma_start3A_331 = tpu.memref_slice %arg7[%dma_start3A_329, %dma_start3A_330] : memref<25x100xi32, #tpu.memory_space<vmem>> -> memref<1x100xi32, #tpu.memory_space<vmem>>
      %dma_start3A_332 = tpu.memref_squeeze %dma_start3A_331 : memref<1x100xi32, #tpu.memory_space<vmem>> -> memref<100xi32, #tpu.memory_space<vmem>>
      %dma_start3A_333 = arith.constant 0 : i32
      %dma_start3A_334 = arith.constant 0 : i32
      %dma_start3A_335 = tpu.memref_slice %arg2[%dma_start3A_333, %dma_start3A_334] : memref<10000x128xf32, #tpu.memory_space<hbm>> -> memref<10000x128xf32, #tpu.memory_space<hbm>>
      tpu.enqueue_indirect_dma source(%dma_start3A_335 : memref<10000x128xf32, #tpu.memory_space<hbm>>) target(%arg10 : memref<100x128xf32, #tpu.memory_space<vmem>>) offsets(%dma_start3A_332 : memref<100xi32, #tpu.memory_space<vmem>>) semaphore(%arg13 : memref<!tpu.dma_semaphore, #tpu.memory_space<semaphore_mem>>)
      %dma_wait3A_336 = arith.constant 8 : i32
      %dma_wait3A_337 = arith.constant 0 : i32
      %dma_wait3A_338 = tpu.memref_slice %arg7[%dma_wait3A_336, %dma_wait3A_337] : memref<25x100xi32, #tpu.memory_space<vmem>> -> memref<1x100xi32, #tpu.memory_space<vmem>>
      %dma_wait3A_339 = tpu.memref_squeeze %dma_wait3A_338 : memref<1x100xi32, #tpu.memory_space<vmem>> -> memref<100xi32, #tpu.memory_space<vmem>>
      %dma_wait3A_340 = arith.constant 0 : i32
      %dma_wait3A_341 = arith.constant 0 : i32
      %dma_wait3A_342 = tpu.memref_slice %arg2[%dma_wait3A_340, %dma_wait3A_341] : memref<10000x128xf32, #tpu.memory_space<hbm>> -> memref<10000x128xf32, #tpu.memory_space<hbm>>
      tpu.wait_indirect_dma semaphore(%arg14 : memref<!tpu.dma_semaphore, #tpu.memory_space<semaphore_mem>>) src(%dma_wait3A_342 : memref<10000x128xf32, #tpu.memory_space<hbm>>) dst(%arg11 : memref<100x128xf32, #tpu.memory_space<vmem>>)
      %dma_start3A_343 = arith.constant 8 : i32
      %dma_start3A_344 = arith.constant 0 : i32
      %dma_start3A_345 = tpu.memref_slice %arg8[%dma_start3A_343, %dma_start3A_344] : memref<25x100xi32, #tpu.memory_space<vmem>> -> memref<1x100xi32, #tpu.memory_space<vmem>>
      %dma_start3A_346 = tpu.memref_squeeze %dma_start3A_345 : memref<1x100xi32, #tpu.memory_space<vmem>> -> memref<100xi32, #tpu.memory_space<vmem>>
      %dma_start3A_347 = arith.constant 0 : i32
      %dma_start3A_348 = arith.constant 0 : i32
      %dma_start3A_349 = tpu.memref_slice %arg18[%dma_start3A_347, %dma_start3A_348] : memref<10240x128xf32, #tpu.memory_space<vmem_shared>> -> memref<10240x128xf32, #tpu.memory_space<vmem_shared>>
      tpu.enqueue_indirect_dma source(%arg11 : memref<100x128xf32, #tpu.memory_space<vmem>>) target(%dma_start3A_349 : memref<10240x128xf32, #tpu.memory_space<vmem_shared>>) offsets(%dma_start3A_346 : memref<100xi32, #tpu.memory_space<vmem>>) semaphore(%arg17 : memref<!tpu.dma_semaphore, #tpu.memory_space<semaphore_mem>>) {add = true}
      %dma_wait3A_350 = arith.constant 8 : i32
      %dma_wait3A_351 = arith.constant 0 : i32
      %dma_wait3A_352 = tpu.memref_slice %arg8[%dma_wait3A_350, %dma_wait3A_351] : memref<25x100xi32, #tpu.memory_space<vmem>> -> memref<1x100xi32, #tpu.memory_space<vmem>>
      %dma_wait3A_353 = tpu.memref_squeeze %dma_wait3A_352 : memref<1x100xi32, #tpu.memory_space<vmem>> -> memref<100xi32, #tpu.memory_space<vmem>>
      %dma_wait3A_354 = arith.constant 0 : i32
      %dma_wait3A_355 = arith.constant 0 : i32
      %dma_wait3A_356 = tpu.memref_slice %arg18[%dma_wait3A_354, %dma_wait3A_355] : memref<10240x128xf32, #tpu.memory_space<vmem_shared>> -> memref<10240x128xf32, #tpu.memory_space<vmem_shared>>
      tpu.wait_indirect_dma semaphore(%arg17 : memref<!tpu.dma_semaphore, #tpu.memory_space<semaphore_mem>>) src(%arg11 : memref<100x128xf32, #tpu.memory_space<vmem>>) dst(%dma_wait3A_356 : memref<10240x128xf32, #tpu.memory_space<vmem_shared>>)
      %dma_start3A_357 = arith.constant 11 : i32
      %dma_start3A_358 = arith.constant 0 : i32
      %dma_start3A_359 = tpu.memref_slice %arg7[%dma_start3A_357, %dma_start3A_358] : memref<25x100xi32, #tpu.memory_space<vmem>> -> memref<1x100xi32, #tpu.memory_space<vmem>>
      %dma_start3A_360 = tpu.memref_squeeze %dma_start3A_359 : memref<1x100xi32, #tpu.memory_space<vmem>> -> memref<100xi32, #tpu.memory_space<vmem>>
      %dma_start3A_361 = arith.constant 0 : i32
      %dma_start3A_362 = arith.constant 0 : i32
      %dma_start3A_363 = tpu.memref_slice %arg2[%dma_start3A_361, %dma_start3A_362] : memref<10000x128xf32, #tpu.memory_space<hbm>> -> memref<10000x128xf32, #tpu.memory_space<hbm>>
      tpu.enqueue_indirect_dma source(%dma_start3A_363 : memref<10000x128xf32, #tpu.memory_space<hbm>>) target(%arg11 : memref<100x128xf32, #tpu.memory_space<vmem>>) offsets(%dma_start3A_360 : memref<100xi32, #tpu.memory_space<vmem>>) semaphore(%arg14 : memref<!tpu.dma_semaphore, #tpu.memory_space<semaphore_mem>>)
      %dma_wait3A_364 = arith.constant 9 : i32
      %dma_wait3A_365 = arith.constant 0 : i32
      %dma_wait3A_366 = tpu.memref_slice %arg7[%dma_wait3A_364, %dma_wait3A_365] : memref<25x100xi32, #tpu.memory_space<vmem>> -> memref<1x100xi32, #tpu.memory_space<vmem>>
      %dma_wait3A_367 = tpu.memref_squeeze %dma_wait3A_366 : memref<1x100xi32, #tpu.memory_space<vmem>> -> memref<100xi32, #tpu.memory_space<vmem>>
      %dma_wait3A_368 = arith.constant 0 : i32
      %dma_wait3A_369 = arith.constant 0 : i32
      %dma_wait3A_370 = tpu.memref_slice %arg2[%dma_wait3A_368, %dma_wait3A_369] : memref<10000x128xf32, #tpu.memory_space<hbm>> -> memref<10000x128xf32, #tpu.memory_space<hbm>>
      tpu.wait_indirect_dma semaphore(%arg12 : memref<!tpu.dma_semaphore, #tpu.memory_space<semaphore_mem>>) src(%dma_wait3A_370 : memref<10000x128xf32, #tpu.memory_space<hbm>>) dst(%arg9 : memref<100x128xf32, #tpu.memory_space<vmem>>)
      %dma_start3A_371 = arith.constant 9 : i32
      %dma_start3A_372 = arith.constant 0 : i32
      %dma_start3A_373 = tpu.memref_slice %arg8[%dma_start3A_371, %dma_start3A_372] : memref<25x100xi32, #tpu.memory_space<vmem>> -> memref<1x100xi32, #tpu.memory_space<vmem>>
      %dma_start3A_374 = tpu.memref_squeeze %dma_start3A_373 : memref<1x100xi32, #tpu.memory_space<vmem>> -> memref<100xi32, #tpu.memory_space<vmem>>
      %dma_start3A_375 = arith.constant 0 : i32
      %dma_start3A_376 = arith.constant 0 : i32
      %dma_start3A_377 = tpu.memref_slice %arg18[%dma_start3A_375, %dma_start3A_376] : memref<10240x128xf32, #tpu.memory_space<vmem_shared>> -> memref<10240x128xf32, #tpu.memory_space<vmem_shared>>
      tpu.enqueue_indirect_dma source(%arg9 : memref<100x128xf32, #tpu.memory_space<vmem>>) target(%dma_start3A_377 : memref<10240x128xf32, #tpu.memory_space<vmem_shared>>) offsets(%dma_start3A_374 : memref<100xi32, #tpu.memory_space<vmem>>) semaphore(%arg15 : memref<!tpu.dma_semaphore, #tpu.memory_space<semaphore_mem>>) {add = true}
      %dma_wait3A_378 = arith.constant 9 : i32
      %dma_wait3A_379 = arith.constant 0 : i32
      %dma_wait3A_380 = tpu.memref_slice %arg8[%dma_wait3A_378, %dma_wait3A_379] : memref<25x100xi32, #tpu.memory_space<vmem>> -> memref<1x100xi32, #tpu.memory_space<vmem>>
      %dma_wait3A_381 = tpu.memref_squeeze %dma_wait3A_380 : memref<1x100xi32, #tpu.memory_space<vmem>> -> memref<100xi32, #tpu.memory_space<vmem>>
      %dma_wait3A_382 = arith.constant 0 : i32
      %dma_wait3A_383 = arith.constant 0 : i32
      %dma_wait3A_384 = tpu.memref_slice %arg18[%dma_wait3A_382, %dma_wait3A_383] : memref<10240x128xf32, #tpu.memory_space<vmem_shared>> -> memref<10240x128xf32, #tpu.memory_space<vmem_shared>>
      tpu.wait_indirect_dma semaphore(%arg15 : memref<!tpu.dma_semaphore, #tpu.memory_space<semaphore_mem>>) src(%arg9 : memref<100x128xf32, #tpu.memory_space<vmem>>) dst(%dma_wait3A_384 : memref<10240x128xf32, #tpu.memory_space<vmem_shared>>)
      %dma_start3A_385 = arith.constant 12 : i32
      %dma_start3A_386 = arith.constant 0 : i32
      %dma_start3A_387 = tpu.memref_slice %arg7[%dma_start3A_385, %dma_start3A_386] : memref<25x100xi32, #tpu.memory_space<vmem>> -> memref<1x100xi32, #tpu.memory_space<vmem>>
      %dma_start3A_388 = tpu.memref_squeeze %dma_start3A_387 : memref<1x100xi32, #tpu.memory_space<vmem>> -> memref<100xi32, #tpu.memory_space<vmem>>
      %dma_start3A_389 = arith.constant 0 : i32
      %dma_start3A_390 = arith.constant 0 : i32
      %dma_start3A_391 = tpu.memref_slice %arg2[%dma_start3A_389, %dma_start3A_390] : memref<10000x128xf32, #tpu.memory_space<hbm>> -> memref<10000x128xf32, #tpu.memory_space<hbm>>
      tpu.enqueue_indirect_dma source(%dma_start3A_391 : memref<10000x128xf32, #tpu.memory_space<hbm>>) target(%arg9 : memref<100x128xf32, #tpu.memory_space<vmem>>) offsets(%dma_start3A_388 : memref<100xi32, #tpu.memory_space<vmem>>) semaphore(%arg12 : memref<!tpu.dma_semaphore, #tpu.memory_space<semaphore_mem>>)
      %dma_wait3A_392 = arith.constant 10 : i32
      %dma_wait3A_393 = arith.constant 0 : i32
      %dma_wait3A_394 = tpu.memref_slice %arg7[%dma_wait3A_392, %dma_wait3A_393] : memref<25x100xi32, #tpu.memory_space<vmem>> -> memref<1x100xi32, #tpu.memory_space<vmem>>
      %dma_wait3A_395 = tpu.memref_squeeze %dma_wait3A_394 : memref<1x100xi32, #tpu.memory_space<vmem>> -> memref<100xi32, #tpu.memory_space<vmem>>
      %dma_wait3A_396 = arith.constant 0 : i32
      %dma_wait3A_397 = arith.constant 0 : i32
      %dma_wait3A_398 = tpu.memref_slice %arg2[%dma_wait3A_396, %dma_wait3A_397] : memref<10000x128xf32, #tpu.memory_space<hbm>> -> memref<10000x128xf32, #tpu.memory_space<hbm>>
      tpu.wait_indirect_dma semaphore(%arg13 : memref<!tpu.dma_semaphore, #tpu.memory_space<semaphore_mem>>) src(%dma_wait3A_398 : memref<10000x128xf32, #tpu.memory_space<hbm>>) dst(%arg10 : memref<100x128xf32, #tpu.memory_space<vmem>>)
      %dma_start3A_399 = arith.constant 10 : i32
      %dma_start3A_400 = arith.constant 0 : i32
      %dma_start3A_401 = tpu.memref_slice %arg8[%dma_start3A_399, %dma_start3A_400] : memref<25x100xi32, #tpu.memory_space<vmem>> -> memref<1x100xi32, #tpu.memory_space<vmem>>
      %dma_start3A_402 = tpu.memref_squeeze %dma_start3A_401 : memref<1x100xi32, #tpu.memory_space<vmem>> -> memref<100xi32, #tpu.memory_space<vmem>>
      %dma_start3A_403 = arith.constant 0 : i32
      %dma_start3A_404 = arith.constant 0 : i32
      %dma_start3A_405 = tpu.memref_slice %arg18[%dma_start3A_403, %dma_start3A_404] : memref<10240x128xf32, #tpu.memory_space<vmem_shared>> -> memref<10240x128xf32, #tpu.memory_space<vmem_shared>>
      tpu.enqueue_indirect_dma source(%arg10 : memref<100x128xf32, #tpu.memory_space<vmem>>) target(%dma_start3A_405 : memref<10240x128xf32, #tpu.memory_space<vmem_shared>>) offsets(%dma_start3A_402 : memref<100xi32, #tpu.memory_space<vmem>>) semaphore(%arg16 : memref<!tpu.dma_semaphore, #tpu.memory_space<semaphore_mem>>) {add = true}
      %dma_wait3A_406 = arith.constant 10 : i32
      %dma_wait3A_407 = arith.constant 0 : i32
      %dma_wait3A_408 = tpu.memref_slice %arg8[%dma_wait3A_406, %dma_wait3A_407] : memref<25x100xi32, #tpu.memory_space<vmem>> -> memref<1x100xi32, #tpu.memory_space<vmem>>
      %dma_wait3A_409 = tpu.memref_squeeze %dma_wait3A_408 : memref<1x100xi32, #tpu.memory_space<vmem>> -> memref<100xi32, #tpu.memory_space<vmem>>
      %dma_wait3A_410 = arith.constant 0 : i32
      %dma_wait3A_411 = arith.constant 0 : i32
      %dma_wait3A_412 = tpu.memref_slice %arg18[%dma_wait3A_410, %dma_wait3A_411] : memref<10240x128xf32, #tpu.memory_space<vmem_shared>> -> memref<10240x128xf32, #tpu.memory_space<vmem_shared>>
      tpu.wait_indirect_dma semaphore(%arg16 : memref<!tpu.dma_semaphore, #tpu.memory_space<semaphore_mem>>) src(%arg10 : memref<100x128xf32, #tpu.memory_space<vmem>>) dst(%dma_wait3A_412 : memref<10240x128xf32, #tpu.memory_space<vmem_shared>>)
      %dma_start3A_413 = arith.constant 13 : i32
      %dma_start3A_414 = arith.constant 0 : i32
      %dma_start3A_415 = tpu.memref_slice %arg7[%dma_start3A_413, %dma_start3A_414] : memref<25x100xi32, #tpu.memory_space<vmem>> -> memref<1x100xi32, #tpu.memory_space<vmem>>
      %dma_start3A_416 = tpu.memref_squeeze %dma_start3A_415 : memref<1x100xi32, #tpu.memory_space<vmem>> -> memref<100xi32, #tpu.memory_space<vmem>>
      %dma_start3A_417 = arith.constant 0 : i32
      %dma_start3A_418 = arith.constant 0 : i32
      %dma_start3A_419 = tpu.memref_slice %arg2[%dma_start3A_417, %dma_start3A_418] : memref<10000x128xf32, #tpu.memory_space<hbm>> -> memref<10000x128xf32, #tpu.memory_space<hbm>>
      tpu.enqueue_indirect_dma source(%dma_start3A_419 : memref<10000x128xf32, #tpu.memory_space<hbm>>) target(%arg10 : memref<100x128xf32, #tpu.memory_space<vmem>>) offsets(%dma_start3A_416 : memref<100xi32, #tpu.memory_space<vmem>>) semaphore(%arg13 : memref<!tpu.dma_semaphore, #tpu.memory_space<semaphore_mem>>)
      %dma_wait3A_420 = arith.constant 11 : i32
      %dma_wait3A_421 = arith.constant 0 : i32
      %dma_wait3A_422 = tpu.memref_slice %arg7[%dma_wait3A_420, %dma_wait3A_421] : memref<25x100xi32, #tpu.memory_space<vmem>> -> memref<1x100xi32, #tpu.memory_space<vmem>>
      %dma_wait3A_423 = tpu.memref_squeeze %dma_wait3A_422 : memref<1x100xi32, #tpu.memory_space<vmem>> -> memref<100xi32, #tpu.memory_space<vmem>>
      %dma_wait3A_424 = arith.constant 0 : i32
      %dma_wait3A_425 = arith.constant 0 : i32
      %dma_wait3A_426 = tpu.memref_slice %arg2[%dma_wait3A_424, %dma_wait3A_425] : memref<10000x128xf32, #tpu.memory_space<hbm>> -> memref<10000x128xf32, #tpu.memory_space<hbm>>
      tpu.wait_indirect_dma semaphore(%arg14 : memref<!tpu.dma_semaphore, #tpu.memory_space<semaphore_mem>>) src(%dma_wait3A_426 : memref<10000x128xf32, #tpu.memory_space<hbm>>) dst(%arg11 : memref<100x128xf32, #tpu.memory_space<vmem>>)
      %dma_start3A_427 = arith.constant 11 : i32
      %dma_start3A_428 = arith.constant 0 : i32
      %dma_start3A_429 = tpu.memref_slice %arg8[%dma_start3A_427, %dma_start3A_428] : memref<25x100xi32, #tpu.memory_space<vmem>> -> memref<1x100xi32, #tpu.memory_space<vmem>>
      %dma_start3A_430 = tpu.memref_squeeze %dma_start3A_429 : memref<1x100xi32, #tpu.memory_space<vmem>> -> memref<100xi32, #tpu.memory_space<vmem>>
      %dma_start3A_431 = arith.constant 0 : i32
      %dma_start3A_432 = arith.constant 0 : i32
      %dma_start3A_433 = tpu.memref_slice %arg18[%dma_start3A_431, %dma_start3A_432] : memref<10240x128xf32, #tpu.memory_space<vmem_shared>> -> memref<10240x128xf32, #tpu.memory_space<vmem_shared>>
      tpu.enqueue_indirect_dma source(%arg11 : memref<100x128xf32, #tpu.memory_space<vmem>>) target(%dma_start3A_433 : memref<10240x128xf32, #tpu.memory_space<vmem_shared>>) offsets(%dma_start3A_430 : memref<100xi32, #tpu.memory_space<vmem>>) semaphore(%arg17 : memref<!tpu.dma_semaphore, #tpu.memory_space<semaphore_mem>>) {add = true}
      %dma_wait3A_434 = arith.constant 11 : i32
      %dma_wait3A_435 = arith.constant 0 : i32
      %dma_wait3A_436 = tpu.memref_slice %arg8[%dma_wait3A_434, %dma_wait3A_435] : memref<25x100xi32, #tpu.memory_space<vmem>> -> memref<1x100xi32, #tpu.memory_space<vmem>>
      %dma_wait3A_437 = tpu.memref_squeeze %dma_wait3A_436 : memref<1x100xi32, #tpu.memory_space<vmem>> -> memref<100xi32, #tpu.memory_space<vmem>>
      %dma_wait3A_438 = arith.constant 0 : i32
      %dma_wait3A_439 = arith.constant 0 : i32
      %dma_wait3A_440 = tpu.memref_slice %arg18[%dma_wait3A_438, %dma_wait3A_439] : memref<10240x128xf32, #tpu.memory_space<vmem_shared>> -> memref<10240x128xf32, #tpu.memory_space<vmem_shared>>
      tpu.wait_indirect_dma semaphore(%arg17 : memref<!tpu.dma_semaphore, #tpu.memory_space<semaphore_mem>>) src(%arg11 : memref<100x128xf32, #tpu.memory_space<vmem>>) dst(%dma_wait3A_440 : memref<10240x128xf32, #tpu.memory_space<vmem_shared>>)
      %dma_start3A_441 = arith.constant 14 : i32
      %dma_start3A_442 = arith.constant 0 : i32
      %dma_start3A_443 = tpu.memref_slice %arg7[%dma_start3A_441, %dma_start3A_442] : memref<25x100xi32, #tpu.memory_space<vmem>> -> memref<1x100xi32, #tpu.memory_space<vmem>>
      %dma_start3A_444 = tpu.memref_squeeze %dma_start3A_443 : memref<1x100xi32, #tpu.memory_space<vmem>> -> memref<100xi32, #tpu.memory_space<vmem>>
      %dma_start3A_445 = arith.constant 0 : i32
      %dma_start3A_446 = arith.constant 0 : i32
      %dma_start3A_447 = tpu.memref_slice %arg2[%dma_start3A_445, %dma_start3A_446] : memref<10000x128xf32, #tpu.memory_space<hbm>> -> memref<10000x128xf32, #tpu.memory_space<hbm>>
      tpu.enqueue_indirect_dma source(%dma_start3A_447 : memref<10000x128xf32, #tpu.memory_space<hbm>>) target(%arg11 : memref<100x128xf32, #tpu.memory_space<vmem>>) offsets(%dma_start3A_444 : memref<100xi32, #tpu.memory_space<vmem>>) semaphore(%arg14 : memref<!tpu.dma_semaphore, #tpu.memory_space<semaphore_mem>>)
      %dma_wait3A_448 = arith.constant 12 : i32
      %dma_wait3A_449 = arith.constant 0 : i32
      %dma_wait3A_450 = tpu.memref_slice %arg7[%dma_wait3A_448, %dma_wait3A_449] : memref<25x100xi32, #tpu.memory_space<vmem>> -> memref<1x100xi32, #tpu.memory_space<vmem>>
      %dma_wait3A_451 = tpu.memref_squeeze %dma_wait3A_450 : memref<1x100xi32, #tpu.memory_space<vmem>> -> memref<100xi32, #tpu.memory_space<vmem>>
      %dma_wait3A_452 = arith.constant 0 : i32
      %dma_wait3A_453 = arith.constant 0 : i32
      %dma_wait3A_454 = tpu.memref_slice %arg2[%dma_wait3A_452, %dma_wait3A_453] : memref<10000x128xf32, #tpu.memory_space<hbm>> -> memref<10000x128xf32, #tpu.memory_space<hbm>>
      tpu.wait_indirect_dma semaphore(%arg12 : memref<!tpu.dma_semaphore, #tpu.memory_space<semaphore_mem>>) src(%dma_wait3A_454 : memref<10000x128xf32, #tpu.memory_space<hbm>>) dst(%arg9 : memref<100x128xf32, #tpu.memory_space<vmem>>)
      %dma_start3A_455 = arith.constant 12 : i32
      %dma_start3A_456 = arith.constant 0 : i32
      %dma_start3A_457 = tpu.memref_slice %arg8[%dma_start3A_455, %dma_start3A_456] : memref<25x100xi32, #tpu.memory_space<vmem>> -> memref<1x100xi32, #tpu.memory_space<vmem>>
      %dma_start3A_458 = tpu.memref_squeeze %dma_start3A_457 : memref<1x100xi32, #tpu.memory_space<vmem>> -> memref<100xi32, #tpu.memory_space<vmem>>
      %dma_start3A_459 = arith.constant 0 : i32
      %dma_start3A_460 = arith.constant 0 : i32
      %dma_start3A_461 = tpu.memref_slice %arg18[%dma_start3A_459, %dma_start3A_460] : memref<10240x128xf32, #tpu.memory_space<vmem_shared>> -> memref<10240x128xf32, #tpu.memory_space<vmem_shared>>
      tpu.enqueue_indirect_dma source(%arg9 : memref<100x128xf32, #tpu.memory_space<vmem>>) target(%dma_start3A_461 : memref<10240x128xf32, #tpu.memory_space<vmem_shared>>) offsets(%dma_start3A_458 : memref<100xi32, #tpu.memory_space<vmem>>) semaphore(%arg15 : memref<!tpu.dma_semaphore, #tpu.memory_space<semaphore_mem>>) {add = true}
      %dma_wait3A_462 = arith.constant 12 : i32
      %dma_wait3A_463 = arith.constant 0 : i32
      %dma_wait3A_464 = tpu.memref_slice %arg8[%dma_wait3A_462, %dma_wait3A_463] : memref<25x100xi32, #tpu.memory_space<vmem>> -> memref<1x100xi32, #tpu.memory_space<vmem>>
      %dma_wait3A_465 = tpu.memref_squeeze %dma_wait3A_464 : memref<1x100xi32, #tpu.memory_space<vmem>> -> memref<100xi32, #tpu.memory_space<vmem>>
      %dma_wait3A_466 = arith.constant 0 : i32
      %dma_wait3A_467 = arith.constant 0 : i32
      %dma_wait3A_468 = tpu.memref_slice %arg18[%dma_wait3A_466, %dma_wait3A_467] : memref<10240x128xf32, #tpu.memory_space<vmem_shared>> -> memref<10240x128xf32, #tpu.memory_space<vmem_shared>>
      tpu.wait_indirect_dma semaphore(%arg15 : memref<!tpu.dma_semaphore, #tpu.memory_space<semaphore_mem>>) src(%arg9 : memref<100x128xf32, #tpu.memory_space<vmem>>) dst(%dma_wait3A_468 : memref<10240x128xf32, #tpu.memory_space<vmem_shared>>)
      %dma_start3A_469 = arith.constant 15 : i32
      %dma_start3A_470 = arith.constant 0 : i32
      %dma_start3A_471 = tpu.memref_slice %arg7[%dma_start3A_469, %dma_start3A_470] : memref<25x100xi32, #tpu.memory_space<vmem>> -> memref<1x100xi32, #tpu.memory_space<vmem>>
      %dma_start3A_472 = tpu.memref_squeeze %dma_start3A_471 : memref<1x100xi32, #tpu.memory_space<vmem>> -> memref<100xi32, #tpu.memory_space<vmem>>
      %dma_start3A_473 = arith.constant 0 : i32
      %dma_start3A_474 = arith.constant 0 : i32
      %dma_start3A_475 = tpu.memref_slice %arg2[%dma_start3A_473, %dma_start3A_474] : memref<10000x128xf32, #tpu.memory_space<hbm>> -> memref<10000x128xf32, #tpu.memory_space<hbm>>
      tpu.enqueue_indirect_dma source(%dma_start3A_475 : memref<10000x128xf32, #tpu.memory_space<hbm>>) target(%arg9 : memref<100x128xf32, #tpu.memory_space<vmem>>) offsets(%dma_start3A_472 : memref<100xi32, #tpu.memory_space<vmem>>) semaphore(%arg12 : memref<!tpu.dma_semaphore, #tpu.memory_space<semaphore_mem>>)
      %dma_wait3A_476 = arith.constant 13 : i32
      %dma_wait3A_477 = arith.constant 0 : i32
      %dma_wait3A_478 = tpu.memref_slice %arg7[%dma_wait3A_476, %dma_wait3A_477] : memref<25x100xi32, #tpu.memory_space<vmem>> -> memref<1x100xi32, #tpu.memory_space<vmem>>
      %dma_wait3A_479 = tpu.memref_squeeze %dma_wait3A_478 : memref<1x100xi32, #tpu.memory_space<vmem>> -> memref<100xi32, #tpu.memory_space<vmem>>
      %dma_wait3A_480 = arith.constant 0 : i32
      %dma_wait3A_481 = arith.constant 0 : i32
      %dma_wait3A_482 = tpu.memref_slice %arg2[%dma_wait3A_480, %dma_wait3A_481] : memref<10000x128xf32, #tpu.memory_space<hbm>> -> memref<10000x128xf32, #tpu.memory_space<hbm>>
      tpu.wait_indirect_dma semaphore(%arg13 : memref<!tpu.dma_semaphore, #tpu.memory_space<semaphore_mem>>) src(%dma_wait3A_482 : memref<10000x128xf32, #tpu.memory_space<hbm>>) dst(%arg10 : memref<100x128xf32, #tpu.memory_space<vmem>>)
      %dma_start3A_483 = arith.constant 13 : i32
      %dma_start3A_484 = arith.constant 0 : i32
      %dma_start3A_485 = tpu.memref_slice %arg8[%dma_start3A_483, %dma_start3A_484] : memref<25x100xi32, #tpu.memory_space<vmem>> -> memref<1x100xi32, #tpu.memory_space<vmem>>
      %dma_start3A_486 = tpu.memref_squeeze %dma_start3A_485 : memref<1x100xi32, #tpu.memory_space<vmem>> -> memref<100xi32, #tpu.memory_space<vmem>>
      %dma_start3A_487 = arith.constant 0 : i32
      %dma_start3A_488 = arith.constant 0 : i32
      %dma_start3A_489 = tpu.memref_slice %arg18[%dma_start3A_487, %dma_start3A_488] : memref<10240x128xf32, #tpu.memory_space<vmem_shared>> -> memref<10240x128xf32, #tpu.memory_space<vmem_shared>>
      tpu.enqueue_indirect_dma source(%arg10 : memref<100x128xf32, #tpu.memory_space<vmem>>) target(%dma_start3A_489 : memref<10240x128xf32, #tpu.memory_space<vmem_shared>>) offsets(%dma_start3A_486 : memref<100xi32, #tpu.memory_space<vmem>>) semaphore(%arg16 : memref<!tpu.dma_semaphore, #tpu.memory_space<semaphore_mem>>) {add = true}
      %dma_wait3A_490 = arith.constant 13 : i32
      %dma_wait3A_491 = arith.constant 0 : i32
      %dma_wait3A_492 = tpu.memref_slice %arg8[%dma_wait3A_490, %dma_wait3A_491] : memref<25x100xi32, #tpu.memory_space<vmem>> -> memref<1x100xi32, #tpu.memory_space<vmem>>
      %dma_wait3A_493 = tpu.memref_squeeze %dma_wait3A_492 : memref<1x100xi32, #tpu.memory_space<vmem>> -> memref<100xi32, #tpu.memory_space<vmem>>
      %dma_wait3A_494 = arith.constant 0 : i32
      %dma_wait3A_495 = arith.constant 0 : i32
      %dma_wait3A_496 = tpu.memref_slice %arg18[%dma_wait3A_494, %dma_wait3A_495] : memref<10240x128xf32, #tpu.memory_space<vmem_shared>> -> memref<10240x128xf32, #tpu.memory_space<vmem_shared>>
      tpu.wait_indirect_dma semaphore(%arg16 : memref<!tpu.dma_semaphore, #tpu.memory_space<semaphore_mem>>) src(%arg10 : memref<100x128xf32, #tpu.memory_space<vmem>>) dst(%dma_wait3A_496 : memref<10240x128xf32, #tpu.memory_space<vmem_shared>>)
      %dma_start3A_497 = arith.constant 16 : i32
      %dma_start3A_498 = arith.constant 0 : i32
      %dma_start3A_499 = tpu.memref_slice %arg7[%dma_start3A_497, %dma_start3A_498] : memref<25x100xi32, #tpu.memory_space<vmem>> -> memref<1x100xi32, #tpu.memory_space<vmem>>
      %dma_start3A_500 = tpu.memref_squeeze %dma_start3A_499 : memref<1x100xi32, #tpu.memory_space<vmem>> -> memref<100xi32, #tpu.memory_space<vmem>>
      %dma_start3A_501 = arith.constant 0 : i32
      %dma_start3A_502 = arith.constant 0 : i32
      %dma_start3A_503 = tpu.memref_slice %arg2[%dma_start3A_501, %dma_start3A_502] : memref<10000x128xf32, #tpu.memory_space<hbm>> -> memref<10000x128xf32, #tpu.memory_space<hbm>>
      tpu.enqueue_indirect_dma source(%dma_start3A_503 : memref<10000x128xf32, #tpu.memory_space<hbm>>) target(%arg10 : memref<100x128xf32, #tpu.memory_space<vmem>>) offsets(%dma_start3A_500 : memref<100xi32, #tpu.memory_space<vmem>>) semaphore(%arg13 : memref<!tpu.dma_semaphore, #tpu.memory_space<semaphore_mem>>)
      %dma_wait3A_504 = arith.constant 14 : i32
      %dma_wait3A_505 = arith.constant 0 : i32
      %dma_wait3A_506 = tpu.memref_slice %arg7[%dma_wait3A_504, %dma_wait3A_505] : memref<25x100xi32, #tpu.memory_space<vmem>> -> memref<1x100xi32, #tpu.memory_space<vmem>>
      %dma_wait3A_507 = tpu.memref_squeeze %dma_wait3A_506 : memref<1x100xi32, #tpu.memory_space<vmem>> -> memref<100xi32, #tpu.memory_space<vmem>>
      %dma_wait3A_508 = arith.constant 0 : i32
      %dma_wait3A_509 = arith.constant 0 : i32
      %dma_wait3A_510 = tpu.memref_slice %arg2[%dma_wait3A_508, %dma_wait3A_509] : memref<10000x128xf32, #tpu.memory_space<hbm>> -> memref<10000x128xf32, #tpu.memory_space<hbm>>
      tpu.wait_indirect_dma semaphore(%arg14 : memref<!tpu.dma_semaphore, #tpu.memory_space<semaphore_mem>>) src(%dma_wait3A_510 : memref<10000x128xf32, #tpu.memory_space<hbm>>) dst(%arg11 : memref<100x128xf32, #tpu.memory_space<vmem>>)
      %dma_start3A_511 = arith.constant 14 : i32
      %dma_start3A_512 = arith.constant 0 : i32
      %dma_start3A_513 = tpu.memref_slice %arg8[%dma_start3A_511, %dma_start3A_512] : memref<25x100xi32, #tpu.memory_space<vmem>> -> memref<1x100xi32, #tpu.memory_space<vmem>>
      %dma_start3A_514 = tpu.memref_squeeze %dma_start3A_513 : memref<1x100xi32, #tpu.memory_space<vmem>> -> memref<100xi32, #tpu.memory_space<vmem>>
      %dma_start3A_515 = arith.constant 0 : i32
      %dma_start3A_516 = arith.constant 0 : i32
      %dma_start3A_517 = tpu.memref_slice %arg18[%dma_start3A_515, %dma_start3A_516] : memref<10240x128xf32, #tpu.memory_space<vmem_shared>> -> memref<10240x128xf32, #tpu.memory_space<vmem_shared>>
      tpu.enqueue_indirect_dma source(%arg11 : memref<100x128xf32, #tpu.memory_space<vmem>>) target(%dma_start3A_517 : memref<10240x128xf32, #tpu.memory_space<vmem_shared>>) offsets(%dma_start3A_514 : memref<100xi32, #tpu.memory_space<vmem>>) semaphore(%arg17 : memref<!tpu.dma_semaphore, #tpu.memory_space<semaphore_mem>>) {add = true}
      %dma_wait3A_518 = arith.constant 14 : i32
      %dma_wait3A_519 = arith.constant 0 : i32
      %dma_wait3A_520 = tpu.memref_slice %arg8[%dma_wait3A_518, %dma_wait3A_519] : memref<25x100xi32, #tpu.memory_space<vmem>> -> memref<1x100xi32, #tpu.memory_space<vmem>>
      %dma_wait3A_521 = tpu.memref_squeeze %dma_wait3A_520 : memref<1x100xi32, #tpu.memory_space<vmem>> -> memref<100xi32, #tpu.memory_space<vmem>>
      %dma_wait3A_522 = arith.constant 0 : i32
      %dma_wait3A_523 = arith.constant 0 : i32
      %dma_wait3A_524 = tpu.memref_slice %arg18[%dma_wait3A_522, %dma_wait3A_523] : memref<10240x128xf32, #tpu.memory_space<vmem_shared>> -> memref<10240x128xf32, #tpu.memory_space<vmem_shared>>
      tpu.wait_indirect_dma semaphore(%arg17 : memref<!tpu.dma_semaphore, #tpu.memory_space<semaphore_mem>>) src(%arg11 : memref<100x128xf32, #tpu.memory_space<vmem>>) dst(%dma_wait3A_524 : memref<10240x128xf32, #tpu.memory_space<vmem_shared>>)
      %dma_start3A_525 = arith.constant 17 : i32
      %dma_start3A_526 = arith.constant 0 : i32
      %dma_start3A_527 = tpu.memref_slice %arg7[%dma_start3A_525, %dma_start3A_526] : memref<25x100xi32, #tpu.memory_space<vmem>> -> memref<1x100xi32, #tpu.memory_space<vmem>>
      %dma_start3A_528 = tpu.memref_squeeze %dma_start3A_527 : memref<1x100xi32, #tpu.memory_space<vmem>> -> memref<100xi32, #tpu.memory_space<vmem>>
      %dma_start3A_529 = arith.constant 0 : i32
      %dma_start3A_530 = arith.constant 0 : i32
      %dma_start3A_531 = tpu.memref_slice %arg2[%dma_start3A_529, %dma_start3A_530] : memref<10000x128xf32, #tpu.memory_space<hbm>> -> memref<10000x128xf32, #tpu.memory_space<hbm>>
      tpu.enqueue_indirect_dma source(%dma_start3A_531 : memref<10000x128xf32, #tpu.memory_space<hbm>>) target(%arg11 : memref<100x128xf32, #tpu.memory_space<vmem>>) offsets(%dma_start3A_528 : memref<100xi32, #tpu.memory_space<vmem>>) semaphore(%arg14 : memref<!tpu.dma_semaphore, #tpu.memory_space<semaphore_mem>>)
      %dma_wait3A_532 = arith.constant 15 : i32
      %dma_wait3A_533 = arith.constant 0 : i32
      %dma_wait3A_534 = tpu.memref_slice %arg7[%dma_wait3A_532, %dma_wait3A_533] : memref<25x100xi32, #tpu.memory_space<vmem>> -> memref<1x100xi32, #tpu.memory_space<vmem>>
      %dma_wait3A_535 = tpu.memref_squeeze %dma_wait3A_534 : memref<1x100xi32, #tpu.memory_space<vmem>> -> memref<100xi32, #tpu.memory_space<vmem>>
      %dma_wait3A_536 = arith.constant 0 : i32
      %dma_wait3A_537 = arith.constant 0 : i32
      %dma_wait3A_538 = tpu.memref_slice %arg2[%dma_wait3A_536, %dma_wait3A_537] : memref<10000x128xf32, #tpu.memory_space<hbm>> -> memref<10000x128xf32, #tpu.memory_space<hbm>>
      tpu.wait_indirect_dma semaphore(%arg12 : memref<!tpu.dma_semaphore, #tpu.memory_space<semaphore_mem>>) src(%dma_wait3A_538 : memref<10000x128xf32, #tpu.memory_space<hbm>>) dst(%arg9 : memref<100x128xf32, #tpu.memory_space<vmem>>)
      %dma_start3A_539 = arith.constant 15 : i32
      %dma_start3A_540 = arith.constant 0 : i32
      %dma_start3A_541 = tpu.memref_slice %arg8[%dma_start3A_539, %dma_start3A_540] : memref<25x100xi32, #tpu.memory_space<vmem>> -> memref<1x100xi32, #tpu.memory_space<vmem>>
      %dma_start3A_542 = tpu.memref_squeeze %dma_start3A_541 : memref<1x100xi32, #tpu.memory_space<vmem>> -> memref<100xi32, #tpu.memory_space<vmem>>
      %dma_start3A_543 = arith.constant 0 : i32
      %dma_start3A_544 = arith.constant 0 : i32
      %dma_start3A_545 = tpu.memref_slice %arg18[%dma_start3A_543, %dma_start3A_544] : memref<10240x128xf32, #tpu.memory_space<vmem_shared>> -> memref<10240x128xf32, #tpu.memory_space<vmem_shared>>
      tpu.enqueue_indirect_dma source(%arg9 : memref<100x128xf32, #tpu.memory_space<vmem>>) target(%dma_start3A_545 : memref<10240x128xf32, #tpu.memory_space<vmem_shared>>) offsets(%dma_start3A_542 : memref<100xi32, #tpu.memory_space<vmem>>) semaphore(%arg15 : memref<!tpu.dma_semaphore, #tpu.memory_space<semaphore_mem>>) {add = true}
      %dma_wait3A_546 = arith.constant 15 : i32
      %dma_wait3A_547 = arith.constant 0 : i32
      %dma_wait3A_548 = tpu.memref_slice %arg8[%dma_wait3A_546, %dma_wait3A_547] : memref<25x100xi32, #tpu.memory_space<vmem>> -> memref<1x100xi32, #tpu.memory_space<vmem>>
      %dma_wait3A_549 = tpu.memref_squeeze %dma_wait3A_548 : memref<1x100xi32, #tpu.memory_space<vmem>> -> memref<100xi32, #tpu.memory_space<vmem>>
      %dma_wait3A_550 = arith.constant 0 : i32
      %dma_wait3A_551 = arith.constant 0 : i32
      %dma_wait3A_552 = tpu.memref_slice %arg18[%dma_wait3A_550, %dma_wait3A_551] : memref<10240x128xf32, #tpu.memory_space<vmem_shared>> -> memref<10240x128xf32, #tpu.memory_space<vmem_shared>>
      tpu.wait_indirect_dma semaphore(%arg15 : memref<!tpu.dma_semaphore, #tpu.memory_space<semaphore_mem>>) src(%arg9 : memref<100x128xf32, #tpu.memory_space<vmem>>) dst(%dma_wait3A_552 : memref<10240x128xf32, #tpu.memory_space<vmem_shared>>)
      %dma_start3A_553 = arith.constant 18 : i32
      %dma_start3A_554 = arith.constant 0 : i32
      %dma_start3A_555 = tpu.memref_slice %arg7[%dma_start3A_553, %dma_start3A_554] : memref<25x100xi32, #tpu.memory_space<vmem>> -> memref<1x100xi32, #tpu.memory_space<vmem>>
      %dma_start3A_556 = tpu.memref_squeeze %dma_start3A_555 : memref<1x100xi32, #tpu.memory_space<vmem>> -> memref<100xi32, #tpu.memory_space<vmem>>
      %dma_start3A_557 = arith.constant 0 : i32
      %dma_start3A_558 = arith.constant 0 : i32
      %dma_start3A_559 = tpu.memref_slice %arg2[%dma_start3A_557, %dma_start3A_558] : memref<10000x128xf32, #tpu.memory_space<hbm>> -> memref<10000x128xf32, #tpu.memory_space<hbm>>
      tpu.enqueue_indirect_dma source(%dma_start3A_559 : memref<10000x128xf32, #tpu.memory_space<hbm>>) target(%arg9 : memref<100x128xf32, #tpu.memory_space<vmem>>) offsets(%dma_start3A_556 : memref<100xi32, #tpu.memory_space<vmem>>) semaphore(%arg12 : memref<!tpu.dma_semaphore, #tpu.memory_space<semaphore_mem>>)
      %dma_wait3A_560 = arith.constant 16 : i32
      %dma_wait3A_561 = arith.constant 0 : i32
      %dma_wait3A_562 = tpu.memref_slice %arg7[%dma_wait3A_560, %dma_wait3A_561] : memref<25x100xi32, #tpu.memory_space<vmem>> -> memref<1x100xi32, #tpu.memory_space<vmem>>
      %dma_wait3A_563 = tpu.memref_squeeze %dma_wait3A_562 : memref<1x100xi32, #tpu.memory_space<vmem>> -> memref<100xi32, #tpu.memory_space<vmem>>
      %dma_wait3A_564 = arith.constant 0 : i32
      %dma_wait3A_565 = arith.constant 0 : i32
      %dma_wait3A_566 = tpu.memref_slice %arg2[%dma_wait3A_564, %dma_wait3A_565] : memref<10000x128xf32, #tpu.memory_space<hbm>> -> memref<10000x128xf32, #tpu.memory_space<hbm>>
      tpu.wait_indirect_dma semaphore(%arg13 : memref<!tpu.dma_semaphore, #tpu.memory_space<semaphore_mem>>) src(%dma_wait3A_566 : memref<10000x128xf32, #tpu.memory_space<hbm>>) dst(%arg10 : memref<100x128xf32, #tpu.memory_space<vmem>>)
      %dma_start3A_567 = arith.constant 16 : i32
      %dma_start3A_568 = arith.constant 0 : i32
      %dma_start3A_569 = tpu.memref_slice %arg8[%dma_start3A_567, %dma_start3A_568] : memref<25x100xi32, #tpu.memory_space<vmem>> -> memref<1x100xi32, #tpu.memory_space<vmem>>
      %dma_start3A_570 = tpu.memref_squeeze %dma_start3A_569 : memref<1x100xi32, #tpu.memory_space<vmem>> -> memref<100xi32, #tpu.memory_space<vmem>>
      %dma_start3A_571 = arith.constant 0 : i32
      %dma_start3A_572 = arith.constant 0 : i32
      %dma_start3A_573 = tpu.memref_slice %arg18[%dma_start3A_571, %dma_start3A_572] : memref<10240x128xf32, #tpu.memory_space<vmem_shared>> -> memref<10240x128xf32, #tpu.memory_space<vmem_shared>>
      tpu.enqueue_indirect_dma source(%arg10 : memref<100x128xf32, #tpu.memory_space<vmem>>) target(%dma_start3A_573 : memref<10240x128xf32, #tpu.memory_space<vmem_shared>>) offsets(%dma_start3A_570 : memref<100xi32, #tpu.memory_space<vmem>>) semaphore(%arg16 : memref<!tpu.dma_semaphore, #tpu.memory_space<semaphore_mem>>) {add = true}
      %dma_wait3A_574 = arith.constant 16 : i32
      %dma_wait3A_575 = arith.constant 0 : i32
      %dma_wait3A_576 = tpu.memref_slice %arg8[%dma_wait3A_574, %dma_wait3A_575] : memref<25x100xi32, #tpu.memory_space<vmem>> -> memref<1x100xi32, #tpu.memory_space<vmem>>
      %dma_wait3A_577 = tpu.memref_squeeze %dma_wait3A_576 : memref<1x100xi32, #tpu.memory_space<vmem>> -> memref<100xi32, #tpu.memory_space<vmem>>
      %dma_wait3A_578 = arith.constant 0 : i32
      %dma_wait3A_579 = arith.constant 0 : i32
      %dma_wait3A_580 = tpu.memref_slice %arg18[%dma_wait3A_578, %dma_wait3A_579] : memref<10240x128xf32, #tpu.memory_space<vmem_shared>> -> memref<10240x128xf32, #tpu.memory_space<vmem_shared>>
      tpu.wait_indirect_dma semaphore(%arg16 : memref<!tpu.dma_semaphore, #tpu.memory_space<semaphore_mem>>) src(%arg10 : memref<100x128xf32, #tpu.memory_space<vmem>>) dst(%dma_wait3A_580 : memref<10240x128xf32, #tpu.memory_space<vmem_shared>>)
      %dma_start3A_581 = arith.constant 19 : i32
      %dma_start3A_582 = arith.constant 0 : i32
      %dma_start3A_583 = tpu.memref_slice %arg7[%dma_start3A_581, %dma_start3A_582] : memref<25x100xi32, #tpu.memory_space<vmem>> -> memref<1x100xi32, #tpu.memory_space<vmem>>
      %dma_start3A_584 = tpu.memref_squeeze %dma_start3A_583 : memref<1x100xi32, #tpu.memory_space<vmem>> -> memref<100xi32, #tpu.memory_space<vmem>>
      %dma_start3A_585 = arith.constant 0 : i32
      %dma_start3A_586 = arith.constant 0 : i32
      %dma_start3A_587 = tpu.memref_slice %arg2[%dma_start3A_585, %dma_start3A_586] : memref<10000x128xf32, #tpu.memory_space<hbm>> -> memref<10000x128xf32, #tpu.memory_space<hbm>>
      tpu.enqueue_indirect_dma source(%dma_start3A_587 : memref<10000x128xf32, #tpu.memory_space<hbm>>) target(%arg10 : memref<100x128xf32, #tpu.memory_space<vmem>>) offsets(%dma_start3A_584 : memref<100xi32, #tpu.memory_space<vmem>>) semaphore(%arg13 : memref<!tpu.dma_semaphore, #tpu.memory_space<semaphore_mem>>)
      %dma_wait3A_588 = arith.constant 17 : i32
      %dma_wait3A_589 = arith.constant 0 : i32
      %dma_wait3A_590 = tpu.memref_slice %arg7[%dma_wait3A_588, %dma_wait3A_589] : memref<25x100xi32, #tpu.memory_space<vmem>> -> memref<1x100xi32, #tpu.memory_space<vmem>>
      %dma_wait3A_591 = tpu.memref_squeeze %dma_wait3A_590 : memref<1x100xi32, #tpu.memory_space<vmem>> -> memref<100xi32, #tpu.memory_space<vmem>>
      %dma_wait3A_592 = arith.constant 0 : i32
      %dma_wait3A_593 = arith.constant 0 : i32
      %dma_wait3A_594 = tpu.memref_slice %arg2[%dma_wait3A_592, %dma_wait3A_593] : memref<10000x128xf32, #tpu.memory_space<hbm>> -> memref<10000x128xf32, #tpu.memory_space<hbm>>
      tpu.wait_indirect_dma semaphore(%arg14 : memref<!tpu.dma_semaphore, #tpu.memory_space<semaphore_mem>>) src(%dma_wait3A_594 : memref<10000x128xf32, #tpu.memory_space<hbm>>) dst(%arg11 : memref<100x128xf32, #tpu.memory_space<vmem>>)
      %dma_start3A_595 = arith.constant 17 : i32
      %dma_start3A_596 = arith.constant 0 : i32
      %dma_start3A_597 = tpu.memref_slice %arg8[%dma_start3A_595, %dma_start3A_596] : memref<25x100xi32, #tpu.memory_space<vmem>> -> memref<1x100xi32, #tpu.memory_space<vmem>>
      %dma_start3A_598 = tpu.memref_squeeze %dma_start3A_597 : memref<1x100xi32, #tpu.memory_space<vmem>> -> memref<100xi32, #tpu.memory_space<vmem>>
      %dma_start3A_599 = arith.constant 0 : i32
      %dma_start3A_600 = arith.constant 0 : i32
      %dma_start3A_601 = tpu.memref_slice %arg18[%dma_start3A_599, %dma_start3A_600] : memref<10240x128xf32, #tpu.memory_space<vmem_shared>> -> memref<10240x128xf32, #tpu.memory_space<vmem_shared>>
      tpu.enqueue_indirect_dma source(%arg11 : memref<100x128xf32, #tpu.memory_space<vmem>>) target(%dma_start3A_601 : memref<10240x128xf32, #tpu.memory_space<vmem_shared>>) offsets(%dma_start3A_598 : memref<100xi32, #tpu.memory_space<vmem>>) semaphore(%arg17 : memref<!tpu.dma_semaphore, #tpu.memory_space<semaphore_mem>>) {add = true}
      %dma_wait3A_602 = arith.constant 17 : i32
      %dma_wait3A_603 = arith.constant 0 : i32
      %dma_wait3A_604 = tpu.memref_slice %arg8[%dma_wait3A_602, %dma_wait3A_603] : memref<25x100xi32, #tpu.memory_space<vmem>> -> memref<1x100xi32, #tpu.memory_space<vmem>>
      %dma_wait3A_605 = tpu.memref_squeeze %dma_wait3A_604 : memref<1x100xi32, #tpu.memory_space<vmem>> -> memref<100xi32, #tpu.memory_space<vmem>>
      %dma_wait3A_606 = arith.constant 0 : i32
      %dma_wait3A_607 = arith.constant 0 : i32
      %dma_wait3A_608 = tpu.memref_slice %arg18[%dma_wait3A_606, %dma_wait3A_607] : memref<10240x128xf32, #tpu.memory_space<vmem_shared>> -> memref<10240x128xf32, #tpu.memory_space<vmem_shared>>
      tpu.wait_indirect_dma semaphore(%arg17 : memref<!tpu.dma_semaphore, #tpu.memory_space<semaphore_mem>>) src(%arg11 : memref<100x128xf32, #tpu.memory_space<vmem>>) dst(%dma_wait3A_608 : memref<10240x128xf32, #tpu.memory_space<vmem_shared>>)
      %dma_start3A_609 = arith.constant 20 : i32
      %dma_start3A_610 = arith.constant 0 : i32
      %dma_start3A_611 = tpu.memref_slice %arg7[%dma_start3A_609, %dma_start3A_610] : memref<25x100xi32, #tpu.memory_space<vmem>> -> memref<1x100xi32, #tpu.memory_space<vmem>>
      %dma_start3A_612 = tpu.memref_squeeze %dma_start3A_611 : memref<1x100xi32, #tpu.memory_space<vmem>> -> memref<100xi32, #tpu.memory_space<vmem>>
      %dma_start3A_613 = arith.constant 0 : i32
      %dma_start3A_614 = arith.constant 0 : i32
      %dma_start3A_615 = tpu.memref_slice %arg2[%dma_start3A_613, %dma_start3A_614] : memref<10000x128xf32, #tpu.memory_space<hbm>> -> memref<10000x128xf32, #tpu.memory_space<hbm>>
      tpu.enqueue_indirect_dma source(%dma_start3A_615 : memref<10000x128xf32, #tpu.memory_space<hbm>>) target(%arg11 : memref<100x128xf32, #tpu.memory_space<vmem>>) offsets(%dma_start3A_612 : memref<100xi32, #tpu.memory_space<vmem>>) semaphore(%arg14 : memref<!tpu.dma_semaphore, #tpu.memory_space<semaphore_mem>>)
      %dma_wait3A_616 = arith.constant 18 : i32
      %dma_wait3A_617 = arith.constant 0 : i32
      %dma_wait3A_618 = tpu.memref_slice %arg7[%dma_wait3A_616, %dma_wait3A_617] : memref<25x100xi32, #tpu.memory_space<vmem>> -> memref<1x100xi32, #tpu.memory_space<vmem>>
      %dma_wait3A_619 = tpu.memref_squeeze %dma_wait3A_618 : memref<1x100xi32, #tpu.memory_space<vmem>> -> memref<100xi32, #tpu.memory_space<vmem>>
      %dma_wait3A_620 = arith.constant 0 : i32
      %dma_wait3A_621 = arith.constant 0 : i32
      %dma_wait3A_622 = tpu.memref_slice %arg2[%dma_wait3A_620, %dma_wait3A_621] : memref<10000x128xf32, #tpu.memory_space<hbm>> -> memref<10000x128xf32, #tpu.memory_space<hbm>>
      tpu.wait_indirect_dma semaphore(%arg12 : memref<!tpu.dma_semaphore, #tpu.memory_space<semaphore_mem>>) src(%dma_wait3A_622 : memref<10000x128xf32, #tpu.memory_space<hbm>>) dst(%arg9 : memref<100x128xf32, #tpu.memory_space<vmem>>)
      %dma_start3A_623 = arith.constant 18 : i32
      %dma_start3A_624 = arith.constant 0 : i32
      %dma_start3A_625 = tpu.memref_slice %arg8[%dma_start3A_623, %dma_start3A_624] : memref<25x100xi32, #tpu.memory_space<vmem>> -> memref<1x100xi32, #tpu.memory_space<vmem>>
      %dma_start3A_626 = tpu.memref_squeeze %dma_start3A_625 : memref<1x100xi32, #tpu.memory_space<vmem>> -> memref<100xi32, #tpu.memory_space<vmem>>
      %dma_start3A_627 = arith.constant 0 : i32
      %dma_start3A_628 = arith.constant 0 : i32
      %dma_start3A_629 = tpu.memref_slice %arg18[%dma_start3A_627, %dma_start3A_628] : memref<10240x128xf32, #tpu.memory_space<vmem_shared>> -> memref<10240x128xf32, #tpu.memory_space<vmem_shared>>
      tpu.enqueue_indirect_dma source(%arg9 : memref<100x128xf32, #tpu.memory_space<vmem>>) target(%dma_start3A_629 : memref<10240x128xf32, #tpu.memory_space<vmem_shared>>) offsets(%dma_start3A_626 : memref<100xi32, #tpu.memory_space<vmem>>) semaphore(%arg15 : memref<!tpu.dma_semaphore, #tpu.memory_space<semaphore_mem>>) {add = true}
      %dma_wait3A_630 = arith.constant 18 : i32
      %dma_wait3A_631 = arith.constant 0 : i32
      %dma_wait3A_632 = tpu.memref_slice %arg8[%dma_wait3A_630, %dma_wait3A_631] : memref<25x100xi32, #tpu.memory_space<vmem>> -> memref<1x100xi32, #tpu.memory_space<vmem>>
      %dma_wait3A_633 = tpu.memref_squeeze %dma_wait3A_632 : memref<1x100xi32, #tpu.memory_space<vmem>> -> memref<100xi32, #tpu.memory_space<vmem>>
      %dma_wait3A_634 = arith.constant 0 : i32
      %dma_wait3A_635 = arith.constant 0 : i32
      %dma_wait3A_636 = tpu.memref_slice %arg18[%dma_wait3A_634, %dma_wait3A_635] : memref<10240x128xf32, #tpu.memory_space<vmem_shared>> -> memref<10240x128xf32, #tpu.memory_space<vmem_shared>>
      tpu.wait_indirect_dma semaphore(%arg15 : memref<!tpu.dma_semaphore, #tpu.memory_space<semaphore_mem>>) src(%arg9 : memref<100x128xf32, #tpu.memory_space<vmem>>) dst(%dma_wait3A_636 : memref<10240x128xf32, #tpu.memory_space<vmem_shared>>)
      %dma_start3A_637 = arith.constant 21 : i32
      %dma_start3A_638 = arith.constant 0 : i32
      %dma_start3A_639 = tpu.memref_slice %arg7[%dma_start3A_637, %dma_start3A_638] : memref<25x100xi32, #tpu.memory_space<vmem>> -> memref<1x100xi32, #tpu.memory_space<vmem>>
      %dma_start3A_640 = tpu.memref_squeeze %dma_start3A_639 : memref<1x100xi32, #tpu.memory_space<vmem>> -> memref<100xi32, #tpu.memory_space<vmem>>
      %dma_start3A_641 = arith.constant 0 : i32
      %dma_start3A_642 = arith.constant 0 : i32
      %dma_start3A_643 = tpu.memref_slice %arg2[%dma_start3A_641, %dma_start3A_642] : memref<10000x128xf32, #tpu.memory_space<hbm>> -> memref<10000x128xf32, #tpu.memory_space<hbm>>
      tpu.enqueue_indirect_dma source(%dma_start3A_643 : memref<10000x128xf32, #tpu.memory_space<hbm>>) target(%arg9 : memref<100x128xf32, #tpu.memory_space<vmem>>) offsets(%dma_start3A_640 : memref<100xi32, #tpu.memory_space<vmem>>) semaphore(%arg12 : memref<!tpu.dma_semaphore, #tpu.memory_space<semaphore_mem>>)
      %dma_wait3A_644 = arith.constant 19 : i32
      %dma_wait3A_645 = arith.constant 0 : i32
      %dma_wait3A_646 = tpu.memref_slice %arg7[%dma_wait3A_644, %dma_wait3A_645] : memref<25x100xi32, #tpu.memory_space<vmem>> -> memref<1x100xi32, #tpu.memory_space<vmem>>
      %dma_wait3A_647 = tpu.memref_squeeze %dma_wait3A_646 : memref<1x100xi32, #tpu.memory_space<vmem>> -> memref<100xi32, #tpu.memory_space<vmem>>
      %dma_wait3A_648 = arith.constant 0 : i32
      %dma_wait3A_649 = arith.constant 0 : i32
      %dma_wait3A_650 = tpu.memref_slice %arg2[%dma_wait3A_648, %dma_wait3A_649] : memref<10000x128xf32, #tpu.memory_space<hbm>> -> memref<10000x128xf32, #tpu.memory_space<hbm>>
      tpu.wait_indirect_dma semaphore(%arg13 : memref<!tpu.dma_semaphore, #tpu.memory_space<semaphore_mem>>) src(%dma_wait3A_650 : memref<10000x128xf32, #tpu.memory_space<hbm>>) dst(%arg10 : memref<100x128xf32, #tpu.memory_space<vmem>>)
      %dma_start3A_651 = arith.constant 19 : i32
      %dma_start3A_652 = arith.constant 0 : i32
      %dma_start3A_653 = tpu.memref_slice %arg8[%dma_start3A_651, %dma_start3A_652] : memref<25x100xi32, #tpu.memory_space<vmem>> -> memref<1x100xi32, #tpu.memory_space<vmem>>
      %dma_start3A_654 = tpu.memref_squeeze %dma_start3A_653 : memref<1x100xi32, #tpu.memory_space<vmem>> -> memref<100xi32, #tpu.memory_space<vmem>>
      %dma_start3A_655 = arith.constant 0 : i32
      %dma_start3A_656 = arith.constant 0 : i32
      %dma_start3A_657 = tpu.memref_slice %arg18[%dma_start3A_655, %dma_start3A_656] : memref<10240x128xf32, #tpu.memory_space<vmem_shared>> -> memref<10240x128xf32, #tpu.memory_space<vmem_shared>>
      tpu.enqueue_indirect_dma source(%arg10 : memref<100x128xf32, #tpu.memory_space<vmem>>) target(%dma_start3A_657 : memref<10240x128xf32, #tpu.memory_space<vmem_shared>>) offsets(%dma_start3A_654 : memref<100xi32, #tpu.memory_space<vmem>>) semaphore(%arg16 : memref<!tpu.dma_semaphore, #tpu.memory_space<semaphore_mem>>) {add = true}
      %dma_wait3A_658 = arith.constant 19 : i32
      %dma_wait3A_659 = arith.constant 0 : i32
      %dma_wait3A_660 = tpu.memref_slice %arg8[%dma_wait3A_658, %dma_wait3A_659] : memref<25x100xi32, #tpu.memory_space<vmem>> -> memref<1x100xi32, #tpu.memory_space<vmem>>
      %dma_wait3A_661 = tpu.memref_squeeze %dma_wait3A_660 : memref<1x100xi32, #tpu.memory_space<vmem>> -> memref<100xi32, #tpu.memory_space<vmem>>
      %dma_wait3A_662 = arith.constant 0 : i32
      %dma_wait3A_663 = arith.constant 0 : i32
      %dma_wait3A_664 = tpu.memref_slice %arg18[%dma_wait3A_662, %dma_wait3A_663] : memref<10240x128xf32, #tpu.memory_space<vmem_shared>> -> memref<10240x128xf32, #tpu.memory_space<vmem_shared>>
      tpu.wait_indirect_dma semaphore(%arg16 : memref<!tpu.dma_semaphore, #tpu.memory_space<semaphore_mem>>) src(%arg10 : memref<100x128xf32, #tpu.memory_space<vmem>>) dst(%dma_wait3A_664 : memref<10240x128xf32, #tpu.memory_space<vmem_shared>>)
      %dma_start3A_665 = arith.constant 22 : i32
      %dma_start3A_666 = arith.constant 0 : i32
      %dma_start3A_667 = tpu.memref_slice %arg7[%dma_start3A_665, %dma_start3A_666] : memref<25x100xi32, #tpu.memory_space<vmem>> -> memref<1x100xi32, #tpu.memory_space<vmem>>
      %dma_start3A_668 = tpu.memref_squeeze %dma_start3A_667 : memref<1x100xi32, #tpu.memory_space<vmem>> -> memref<100xi32, #tpu.memory_space<vmem>>
      %dma_start3A_669 = arith.constant 0 : i32
      %dma_start3A_670 = arith.constant 0 : i32
      %dma_start3A_671 = tpu.memref_slice %arg2[%dma_start3A_669, %dma_start3A_670] : memref<10000x128xf32, #tpu.memory_space<hbm>> -> memref<10000x128xf32, #tpu.memory_space<hbm>>
      tpu.enqueue_indirect_dma source(%dma_start3A_671 : memref<10000x128xf32, #tpu.memory_space<hbm>>) target(%arg10 : memref<100x128xf32, #tpu.memory_space<vmem>>) offsets(%dma_start3A_668 : memref<100xi32, #tpu.memory_space<vmem>>) semaphore(%arg13 : memref<!tpu.dma_semaphore, #tpu.memory_space<semaphore_mem>>)
      %dma_wait3A_672 = arith.constant 20 : i32
      %dma_wait3A_673 = arith.constant 0 : i32
      %dma_wait3A_674 = tpu.memref_slice %arg7[%dma_wait3A_672, %dma_wait3A_673] : memref<25x100xi32, #tpu.memory_space<vmem>> -> memref<1x100xi32, #tpu.memory_space<vmem>>
      %dma_wait3A_675 = tpu.memref_squeeze %dma_wait3A_674 : memref<1x100xi32, #tpu.memory_space<vmem>> -> memref<100xi32, #tpu.memory_space<vmem>>
      %dma_wait3A_676 = arith.constant 0 : i32
      %dma_wait3A_677 = arith.constant 0 : i32
      %dma_wait3A_678 = tpu.memref_slice %arg2[%dma_wait3A_676, %dma_wait3A_677] : memref<10000x128xf32, #tpu.memory_space<hbm>> -> memref<10000x128xf32, #tpu.memory_space<hbm>>
      tpu.wait_indirect_dma semaphore(%arg14 : memref<!tpu.dma_semaphore, #tpu.memory_space<semaphore_mem>>) src(%dma_wait3A_678 : memref<10000x128xf32, #tpu.memory_space<hbm>>) dst(%arg11 : memref<100x128xf32, #tpu.memory_space<vmem>>)
      %dma_start3A_679 = arith.constant 20 : i32
      %dma_start3A_680 = arith.constant 0 : i32
      %dma_start3A_681 = tpu.memref_slice %arg8[%dma_start3A_679, %dma_start3A_680] : memref<25x100xi32, #tpu.memory_space<vmem>> -> memref<1x100xi32, #tpu.memory_space<vmem>>
      %dma_start3A_682 = tpu.memref_squeeze %dma_start3A_681 : memref<1x100xi32, #tpu.memory_space<vmem>> -> memref<100xi32, #tpu.memory_space<vmem>>
      %dma_start3A_683 = arith.constant 0 : i32
      %dma_start3A_684 = arith.constant 0 : i32
      %dma_start3A_685 = tpu.memref_slice %arg18[%dma_start3A_683, %dma_start3A_684] : memref<10240x128xf32, #tpu.memory_space<vmem_shared>> -> memref<10240x128xf32, #tpu.memory_space<vmem_shared>>
      tpu.enqueue_indirect_dma source(%arg11 : memref<100x128xf32, #tpu.memory_space<vmem>>) target(%dma_start3A_685 : memref<10240x128xf32, #tpu.memory_space<vmem_shared>>) offsets(%dma_start3A_682 : memref<100xi32, #tpu.memory_space<vmem>>) semaphore(%arg17 : memref<!tpu.dma_semaphore, #tpu.memory_space<semaphore_mem>>) {add = true}
      %dma_wait3A_686 = arith.constant 20 : i32
      %dma_wait3A_687 = arith.constant 0 : i32
      %dma_wait3A_688 = tpu.memref_slice %arg8[%dma_wait3A_686, %dma_wait3A_687] : memref<25x100xi32, #tpu.memory_space<vmem>> -> memref<1x100xi32, #tpu.memory_space<vmem>>
      %dma_wait3A_689 = tpu.memref_squeeze %dma_wait3A_688 : memref<1x100xi32, #tpu.memory_space<vmem>> -> memref<100xi32, #tpu.memory_space<vmem>>
      %dma_wait3A_690 = arith.constant 0 : i32
      %dma_wait3A_691 = arith.constant 0 : i32
      %dma_wait3A_692 = tpu.memref_slice %arg18[%dma_wait3A_690, %dma_wait3A_691] : memref<10240x128xf32, #tpu.memory_space<vmem_shared>> -> memref<10240x128xf32, #tpu.memory_space<vmem_shared>>
      tpu.wait_indirect_dma semaphore(%arg17 : memref<!tpu.dma_semaphore, #tpu.memory_space<semaphore_mem>>) src(%arg11 : memref<100x128xf32, #tpu.memory_space<vmem>>) dst(%dma_wait3A_692 : memref<10240x128xf32, #tpu.memory_space<vmem_shared>>)
      %dma_start3A_693 = arith.constant 23 : i32
      %dma_start3A_694 = arith.constant 0 : i32
      %dma_start3A_695 = tpu.memref_slice %arg7[%dma_start3A_693, %dma_start3A_694] : memref<25x100xi32, #tpu.memory_space<vmem>> -> memref<1x100xi32, #tpu.memory_space<vmem>>
      %dma_start3A_696 = tpu.memref_squeeze %dma_start3A_695 : memref<1x100xi32, #tpu.memory_space<vmem>> -> memref<100xi32, #tpu.memory_space<vmem>>
      %dma_start3A_697 = arith.constant 0 : i32
      %dma_start3A_698 = arith.constant 0 : i32
      %dma_start3A_699 = tpu.memref_slice %arg2[%dma_start3A_697, %dma_start3A_698] : memref<10000x128xf32, #tpu.memory_space<hbm>> -> memref<10000x128xf32, #tpu.memory_space<hbm>>
      tpu.enqueue_indirect_dma source(%dma_start3A_699 : memref<10000x128xf32, #tpu.memory_space<hbm>>) target(%arg11 : memref<100x128xf32, #tpu.memory_space<vmem>>) offsets(%dma_start3A_696 : memref<100xi32, #tpu.memory_space<vmem>>) semaphore(%arg14 : memref<!tpu.dma_semaphore, #tpu.memory_space<semaphore_mem>>)
      %dma_wait3A_700 = arith.constant 21 : i32
      %dma_wait3A_701 = arith.constant 0 : i32
      %dma_wait3A_702 = tpu.memref_slice %arg7[%dma_wait3A_700, %dma_wait3A_701] : memref<25x100xi32, #tpu.memory_space<vmem>> -> memref<1x100xi32, #tpu.memory_space<vmem>>
      %dma_wait3A_703 = tpu.memref_squeeze %dma_wait3A_702 : memref<1x100xi32, #tpu.memory_space<vmem>> -> memref<100xi32, #tpu.memory_space<vmem>>
      %dma_wait3A_704 = arith.constant 0 : i32
      %dma_wait3A_705 = arith.constant 0 : i32
      %dma_wait3A_706 = tpu.memref_slice %arg2[%dma_wait3A_704, %dma_wait3A_705] : memref<10000x128xf32, #tpu.memory_space<hbm>> -> memref<10000x128xf32, #tpu.memory_space<hbm>>
      tpu.wait_indirect_dma semaphore(%arg12 : memref<!tpu.dma_semaphore, #tpu.memory_space<semaphore_mem>>) src(%dma_wait3A_706 : memref<10000x128xf32, #tpu.memory_space<hbm>>) dst(%arg9 : memref<100x128xf32, #tpu.memory_space<vmem>>)
      %dma_start3A_707 = arith.constant 21 : i32
      %dma_start3A_708 = arith.constant 0 : i32
      %dma_start3A_709 = tpu.memref_slice %arg8[%dma_start3A_707, %dma_start3A_708] : memref<25x100xi32, #tpu.memory_space<vmem>> -> memref<1x100xi32, #tpu.memory_space<vmem>>
      %dma_start3A_710 = tpu.memref_squeeze %dma_start3A_709 : memref<1x100xi32, #tpu.memory_space<vmem>> -> memref<100xi32, #tpu.memory_space<vmem>>
      %dma_start3A_711 = arith.constant 0 : i32
      %dma_start3A_712 = arith.constant 0 : i32
      %dma_start3A_713 = tpu.memref_slice %arg18[%dma_start3A_711, %dma_start3A_712] : memref<10240x128xf32, #tpu.memory_space<vmem_shared>> -> memref<10240x128xf32, #tpu.memory_space<vmem_shared>>
      tpu.enqueue_indirect_dma source(%arg9 : memref<100x128xf32, #tpu.memory_space<vmem>>) target(%dma_start3A_713 : memref<10240x128xf32, #tpu.memory_space<vmem_shared>>) offsets(%dma_start3A_710 : memref<100xi32, #tpu.memory_space<vmem>>) semaphore(%arg15 : memref<!tpu.dma_semaphore, #tpu.memory_space<semaphore_mem>>) {add = true}
      %dma_wait3A_714 = arith.constant 21 : i32
      %dma_wait3A_715 = arith.constant 0 : i32
      %dma_wait3A_716 = tpu.memref_slice %arg8[%dma_wait3A_714, %dma_wait3A_715] : memref<25x100xi32, #tpu.memory_space<vmem>> -> memref<1x100xi32, #tpu.memory_space<vmem>>
      %dma_wait3A_717 = tpu.memref_squeeze %dma_wait3A_716 : memref<1x100xi32, #tpu.memory_space<vmem>> -> memref<100xi32, #tpu.memory_space<vmem>>
      %dma_wait3A_718 = arith.constant 0 : i32
      %dma_wait3A_719 = arith.constant 0 : i32
      %dma_wait3A_720 = tpu.memref_slice %arg18[%dma_wait3A_718, %dma_wait3A_719] : memref<10240x128xf32, #tpu.memory_space<vmem_shared>> -> memref<10240x128xf32, #tpu.memory_space<vmem_shared>>
      tpu.wait_indirect_dma semaphore(%arg15 : memref<!tpu.dma_semaphore, #tpu.memory_space<semaphore_mem>>) src(%arg9 : memref<100x128xf32, #tpu.memory_space<vmem>>) dst(%dma_wait3A_720 : memref<10240x128xf32, #tpu.memory_space<vmem_shared>>)
      %dma_start3A_721 = arith.constant 24 : i32
      %dma_start3A_722 = arith.constant 0 : i32
      %dma_start3A_723 = tpu.memref_slice %arg7[%dma_start3A_721, %dma_start3A_722] : memref<25x100xi32, #tpu.memory_space<vmem>> -> memref<1x100xi32, #tpu.memory_space<vmem>>
      %dma_start3A_724 = tpu.memref_squeeze %dma_start3A_723 : memref<1x100xi32, #tpu.memory_space<vmem>> -> memref<100xi32, #tpu.memory_space<vmem>>
      %dma_start3A_725 = arith.constant 0 : i32
      %dma_start3A_726 = arith.constant 0 : i32
      %dma_start3A_727 = tpu.memref_slice %arg2[%dma_start3A_725, %dma_start3A_726] : memref<10000x128xf32, #tpu.memory_space<hbm>> -> memref<10000x128xf32, #tpu.memory_space<hbm>>
      tpu.enqueue_indirect_dma source(%dma_start3A_727 : memref<10000x128xf32, #tpu.memory_space<hbm>>) target(%arg9 : memref<100x128xf32, #tpu.memory_space<vmem>>) offsets(%dma_start3A_724 : memref<100xi32, #tpu.memory_space<vmem>>) semaphore(%arg12 : memref<!tpu.dma_semaphore, #tpu.memory_space<semaphore_mem>>)
      %dma_wait3A_728 = arith.constant 22 : i32
      %dma_wait3A_729 = arith.constant 0 : i32
      %dma_wait3A_730 = tpu.memref_slice %arg7[%dma_wait3A_728, %dma_wait3A_729] : memref<25x100xi32, #tpu.memory_space<vmem>> -> memref<1x100xi32, #tpu.memory_space<vmem>>
      %dma_wait3A_731 = tpu.memref_squeeze %dma_wait3A_730 : memref<1x100xi32, #tpu.memory_space<vmem>> -> memref<100xi32, #tpu.memory_space<vmem>>
      %dma_wait3A_732 = arith.constant 0 : i32
      %dma_wait3A_733 = arith.constant 0 : i32
      %dma_wait3A_734 = tpu.memref_slice %arg2[%dma_wait3A_732, %dma_wait3A_733] : memref<10000x128xf32, #tpu.memory_space<hbm>> -> memref<10000x128xf32, #tpu.memory_space<hbm>>
      tpu.wait_indirect_dma semaphore(%arg13 : memref<!tpu.dma_semaphore, #tpu.memory_space<semaphore_mem>>) src(%dma_wait3A_734 : memref<10000x128xf32, #tpu.memory_space<hbm>>) dst(%arg10 : memref<100x128xf32, #tpu.memory_space<vmem>>)
      %dma_start3A_735 = arith.constant 22 : i32
      %dma_start3A_736 = arith.constant 0 : i32
      %dma_start3A_737 = tpu.memref_slice %arg8[%dma_start3A_735, %dma_start3A_736] : memref<25x100xi32, #tpu.memory_space<vmem>> -> memref<1x100xi32, #tpu.memory_space<vmem>>
      %dma_start3A_738 = tpu.memref_squeeze %dma_start3A_737 : memref<1x100xi32, #tpu.memory_space<vmem>> -> memref<100xi32, #tpu.memory_space<vmem>>
      %dma_start3A_739 = arith.constant 0 : i32
      %dma_start3A_740 = arith.constant 0 : i32
      %dma_start3A_741 = tpu.memref_slice %arg18[%dma_start3A_739, %dma_start3A_740] : memref<10240x128xf32, #tpu.memory_space<vmem_shared>> -> memref<10240x128xf32, #tpu.memory_space<vmem_shared>>
      tpu.enqueue_indirect_dma source(%arg10 : memref<100x128xf32, #tpu.memory_space<vmem>>) target(%dma_start3A_741 : memref<10240x128xf32, #tpu.memory_space<vmem_shared>>) offsets(%dma_start3A_738 : memref<100xi32, #tpu.memory_space<vmem>>) semaphore(%arg16 : memref<!tpu.dma_semaphore, #tpu.memory_space<semaphore_mem>>) {add = true}
      %dma_wait3A_742 = arith.constant 23 : i32
      %dma_wait3A_743 = arith.constant 0 : i32
      %dma_wait3A_744 = tpu.memref_slice %arg7[%dma_wait3A_742, %dma_wait3A_743] : memref<25x100xi32, #tpu.memory_space<vmem>> -> memref<1x100xi32, #tpu.memory_space<vmem>>
      %dma_wait3A_745 = tpu.memref_squeeze %dma_wait3A_744 : memref<1x100xi32, #tpu.memory_space<vmem>> -> memref<100xi32, #tpu.memory_space<vmem>>
      %dma_wait3A_746 = arith.constant 0 : i32
      %dma_wait3A_747 = arith.constant 0 : i32
      %dma_wait3A_748 = tpu.memref_slice %arg2[%dma_wait3A_746, %dma_wait3A_747] : memref<10000x128xf32, #tpu.memory_space<hbm>> -> memref<10000x128xf32, #tpu.memory_space<hbm>>
      tpu.wait_indirect_dma semaphore(%arg14 : memref<!tpu.dma_semaphore, #tpu.memory_space<semaphore_mem>>) src(%dma_wait3A_748 : memref<10000x128xf32, #tpu.memory_space<hbm>>) dst(%arg11 : memref<100x128xf32, #tpu.memory_space<vmem>>)
      %dma_start3A_749 = arith.constant 23 : i32
      %dma_start3A_750 = arith.constant 0 : i32
      %dma_start3A_751 = tpu.memref_slice %arg8[%dma_start3A_749, %dma_start3A_750] : memref<25x100xi32, #tpu.memory_space<vmem>> -> memref<1x100xi32, #tpu.memory_space<vmem>>
      %dma_start3A_752 = tpu.memref_squeeze %dma_start3A_751 : memref<1x100xi32, #tpu.memory_space<vmem>> -> memref<100xi32, #tpu.memory_space<vmem>>
      %dma_start3A_753 = arith.constant 0 : i32
      %dma_start3A_754 = arith.constant 0 : i32
      %dma_start3A_755 = tpu.memref_slice %arg18[%dma_start3A_753, %dma_start3A_754] : memref<10240x128xf32, #tpu.memory_space<vmem_shared>> -> memref<10240x128xf32, #tpu.memory_space<vmem_shared>>
      tpu.enqueue_indirect_dma source(%arg11 : memref<100x128xf32, #tpu.memory_space<vmem>>) target(%dma_start3A_755 : memref<10240x128xf32, #tpu.memory_space<vmem_shared>>) offsets(%dma_start3A_752 : memref<100xi32, #tpu.memory_space<vmem>>) semaphore(%arg17 : memref<!tpu.dma_semaphore, #tpu.memory_space<semaphore_mem>>) {add = true}
      %dma_wait3A_756 = arith.constant 24 : i32
      %dma_wait3A_757 = arith.constant 0 : i32
      %dma_wait3A_758 = tpu.memref_slice %arg7[%dma_wait3A_756, %dma_wait3A_757] : memref<25x100xi32, #tpu.memory_space<vmem>> -> memref<1x100xi32, #tpu.memory_space<vmem>>
      %dma_wait3A_759 = tpu.memref_squeeze %dma_wait3A_758 : memref<1x100xi32, #tpu.memory_space<vmem>> -> memref<100xi32, #tpu.memory_space<vmem>>
      %dma_wait3A_760 = arith.constant 0 : i32
      %dma_wait3A_761 = arith.constant 0 : i32
      %dma_wait3A_762 = tpu.memref_slice %arg2[%dma_wait3A_760, %dma_wait3A_761] : memref<10000x128xf32, #tpu.memory_space<hbm>> -> memref<10000x128xf32, #tpu.memory_space<hbm>>
      tpu.wait_indirect_dma semaphore(%arg12 : memref<!tpu.dma_semaphore, #tpu.memory_space<semaphore_mem>>) src(%dma_wait3A_762 : memref<10000x128xf32, #tpu.memory_space<hbm>>) dst(%arg9 : memref<100x128xf32, #tpu.memory_space<vmem>>)
      %dma_start3A_763 = arith.constant 24 : i32
      %dma_start3A_764 = arith.constant 0 : i32
      %dma_start3A_765 = tpu.memref_slice %arg8[%dma_start3A_763, %dma_start3A_764] : memref<25x100xi32, #tpu.memory_space<vmem>> -> memref<1x100xi32, #tpu.memory_space<vmem>>
      %dma_start3A_766 = tpu.memref_squeeze %dma_start3A_765 : memref<1x100xi32, #tpu.memory_space<vmem>> -> memref<100xi32, #tpu.memory_space<vmem>>
      %dma_start3A_767 = arith.constant 0 : i32
      %dma_start3A_768 = arith.constant 0 : i32
      %dma_start3A_769 = tpu.memref_slice %arg18[%dma_start3A_767, %dma_start3A_768] : memref<10240x128xf32, #tpu.memory_space<vmem_shared>> -> memref<10240x128xf32, #tpu.memory_space<vmem_shared>>
      tpu.enqueue_indirect_dma source(%arg9 : memref<100x128xf32, #tpu.memory_space<vmem>>) target(%dma_start3A_769 : memref<10240x128xf32, #tpu.memory_space<vmem_shared>>) offsets(%dma_start3A_766 : memref<100xi32, #tpu.memory_space<vmem>>) semaphore(%arg15 : memref<!tpu.dma_semaphore, #tpu.memory_space<semaphore_mem>>) {add = true}
      %dma_wait3A_770 = arith.constant 22 : i32
      %dma_wait3A_771 = arith.constant 0 : i32
      %dma_wait3A_772 = tpu.memref_slice %arg8[%dma_wait3A_770, %dma_wait3A_771] : memref<25x100xi32, #tpu.memory_space<vmem>> -> memref<1x100xi32, #tpu.memory_space<vmem>>
      %dma_wait3A_773 = tpu.memref_squeeze %dma_wait3A_772 : memref<1x100xi32, #tpu.memory_space<vmem>> -> memref<100xi32, #tpu.memory_space<vmem>>
      %dma_wait3A_774 = arith.constant 0 : i32
      %dma_wait3A_775 = arith.constant 0 : i32
      %dma_wait3A_776 = tpu.memref_slice %arg18[%dma_wait3A_774, %dma_wait3A_775] : memref<10240x128xf32, #tpu.memory_space<vmem_shared>> -> memref<10240x128xf32, #tpu.memory_space<vmem_shared>>
      tpu.wait_indirect_dma semaphore(%arg16 : memref<!tpu.dma_semaphore, #tpu.memory_space<semaphore_mem>>) src(%arg10 : memref<100x128xf32, #tpu.memory_space<vmem>>) dst(%dma_wait3A_776 : memref<10240x128xf32, #tpu.memory_space<vmem_shared>>)
      %dma_wait3A_777 = arith.constant 23 : i32
      %dma_wait3A_778 = arith.constant 0 : i32
      %dma_wait3A_779 = tpu.memref_slice %arg8[%dma_wait3A_777, %dma_wait3A_778] : memref<25x100xi32, #tpu.memory_space<vmem>> -> memref<1x100xi32, #tpu.memory_space<vmem>>
      %dma_wait3A_780 = tpu.memref_squeeze %dma_wait3A_779 : memref<1x100xi32, #tpu.memory_space<vmem>> -> memref<100xi32, #tpu.memory_space<vmem>>
      %dma_wait3A_781 = arith.constant 0 : i32
      %dma_wait3A_782 = arith.constant 0 : i32
      %dma_wait3A_783 = tpu.memref_slice %arg18[%dma_wait3A_781, %dma_wait3A_782] : memref<10240x128xf32, #tpu.memory_space<vmem_shared>> -> memref<10240x128xf32, #tpu.memory_space<vmem_shared>>
      tpu.wait_indirect_dma semaphore(%arg17 : memref<!tpu.dma_semaphore, #tpu.memory_space<semaphore_mem>>) src(%arg11 : memref<100x128xf32, #tpu.memory_space<vmem>>) dst(%dma_wait3A_783 : memref<10240x128xf32, #tpu.memory_space<vmem_shared>>)
      %dma_wait3A_784 = arith.constant 24 : i32
      %dma_wait3A_785 = arith.constant 0 : i32
      %dma_wait3A_786 = tpu.memref_slice %arg8[%dma_wait3A_784, %dma_wait3A_785] : memref<25x100xi32, #tpu.memory_space<vmem>> -> memref<1x100xi32, #tpu.memory_space<vmem>>
      %dma_wait3A_787 = tpu.memref_squeeze %dma_wait3A_786 : memref<1x100xi32, #tpu.memory_space<vmem>> -> memref<100xi32, #tpu.memory_space<vmem>>
      %dma_wait3A_788 = arith.constant 0 : i32
      %dma_wait3A_789 = arith.constant 0 : i32
      %dma_wait3A_790 = tpu.memref_slice %arg18[%dma_wait3A_788, %dma_wait3A_789] : memref<10240x128xf32, #tpu.memory_space<vmem_shared>> -> memref<10240x128xf32, #tpu.memory_space<vmem_shared>>
      tpu.wait_indirect_dma semaphore(%arg15 : memref<!tpu.dma_semaphore, #tpu.memory_space<semaphore_mem>>) src(%arg9 : memref<100x128xf32, #tpu.memory_space<vmem>>) dst(%dma_wait3A_790 : memref<10240x128xf32, #tpu.memory_space<vmem_shared>>)
    }
    %scan3A_82 = arith.constant 4 : i32
    %barrier3A_83 = arith.constant 0 : index
    tpu.barrier barrier_id(%barrier3A_83)
    %mul3A_84 = arith.constant 640 : i32
    %mul3A_85 = arith.muli %arg1, %mul3A_84 : i32
    "tpu.region"() ({
      %run_scoped3A = tpu.sem_alloc : memref<!tpu.dma_semaphore, #tpu.memory_space<semaphore_mem>>
      %dma_start3A_86 = arith.constant 0 : i32
      %dma_start3A_87 = tpu.memref_slice %arg6[%arg0, %mul3A_85, %dma_start3A_86] : memref<2x10240x128xf32, #tpu.memory_space<hbm>> -> memref<1x640x128xf32, #tpu.memory_space<hbm>>
      %dma_start3A_88 = tpu.memref_squeeze %dma_start3A_87 : memref<1x640x128xf32, #tpu.memory_space<hbm>> -> memref<640x128xf32, #tpu.memory_space<hbm>>
      %dma_start3A_89 = arith.constant 0 : i32
      %dma_start3A_90 = tpu.memref_slice %arg18[%mul3A_85, %dma_start3A_89] : memref<10240x128xf32, #tpu.memory_space<vmem_shared>> -> memref<640x128xf32, #tpu.memory_space<vmem_shared>>
      tpu.enqueue_dma source(%dma_start3A_90 : memref<640x128xf32, #tpu.memory_space<vmem_shared>>) target(%dma_start3A_88 : memref<640x128xf32, #tpu.memory_space<hbm>>) target_semaphore(%run_scoped3A : memref<!tpu.dma_semaphore, #tpu.memory_space<semaphore_mem>>)
      %dma_wait3A_91 = arith.constant 0 : i32
      %dma_wait3A_92 = tpu.memref_slice %arg6[%arg0, %mul3A_85, %dma_wait3A_91] : memref<2x10240x128xf32, #tpu.memory_space<hbm>> -> memref<1x640x128xf32, #tpu.memory_space<hbm>>
      %dma_wait3A_93 = tpu.memref_squeeze %dma_wait3A_92 : memref<1x640x128xf32, #tpu.memory_space<hbm>> -> memref<640x128xf32, #tpu.memory_space<hbm>>
      %dma_wait3A_94 = arith.constant 0 : i32
      %dma_wait3A_95 = tpu.memref_slice %arg18[%mul3A_85, %dma_wait3A_94] : memref<10240x128xf32, #tpu.memory_space<vmem_shared>> -> memref<640x128xf32, #tpu.memory_space<vmem_shared>>
      tpu.wait_dma2 semaphore(%run_scoped3A : memref<!tpu.dma_semaphore, #tpu.memory_space<semaphore_mem>>) src(%dma_wait3A_95 : memref<640x128xf32, #tpu.memory_space<vmem_shared>>) dst(%dma_wait3A_93 : memref<640x128xf32, #tpu.memory_space<hbm>>)
      tpu.yield
    }) : () -> ()
    return
  }
}

module attributes {stable_mosaic.version = 14 : i64} {
  func.func @_tc_prep(%arg0: memref<32x10240xf32, #tpu.memory_space<vmem>>, %arg1: memref<32x10240xf32, #tpu.memory_space<vmem>>, %arg2: memref<10000x128xf32, #tpu.memory_space<vmem>>, %arg3: memref<10000x128xf32, #tpu.memory_space<vmem>>, %arg4: memref<10000x1xf32, #tpu.memory_space<vmem>>) attributes {dimension_semantics = [], scalar_prefetch = 0 : i64, scratch_operands = 0 : i64, tpu.core_type = #tpu.core_type<tc>} {
    %get3A = arith.constant 0 : index
    %get3A_0 = arith.constant 0 : index
    %get3A_1 = vector.load %arg0[%get3A, %get3A_0] : memref<32x10240xf32, #tpu.memory_space<vmem>>, vector<32x10240xf32>
    %reduce_sum3A = arith.constant dense<0.000000e+00> : vector<10240xf32>
    %reduce_sum3A_2 = vector.multi_reduction <add>, %get3A_1, %reduce_sum3A [0] : vector<32x10240xf32> to vector<10240xf32>
    %get3A_3 = arith.constant 0 : index
    %get3A_4 = arith.constant 0 : index
    %get3A_5 = vector.load %arg1[%get3A_3, %get3A_4] : memref<32x10240xf32, #tpu.memory_space<vmem>>, vector<32x10240xf32>
    %reduce_sum3A_6 = arith.constant dense<0.000000e+00> : vector<10240xf32>
    %reduce_sum3A_7 = vector.multi_reduction <add>, %get3A_5, %reduce_sum3A_6 [0] : vector<32x10240xf32> to vector<10240xf32>
    %gt3A = arith.constant 0.000000e+00 : f32
    %gt3A_8 = vector.broadcast %gt3A : f32 to vector<10240xf32>
    %gt3A_9 = arith.cmpf ogt, %reduce_sum3A_2, %gt3A_8 : vector<10240xf32>
    %max3A = arith.constant 1.000000e+00 : f32
    %max3A_10 = vector.broadcast %max3A : f32 to vector<10240xf32>
    %max3A_11 = arith.maximumf %reduce_sum3A_2, %max3A_10 : vector<10240xf32>
    %rsqrt3A = math.rsqrt %max3A_11 : vector<10240xf32>
    %jit3A = arith.constant 0.000000e+00 : f32
    %broadcast_in_dim3A = vector.broadcast %jit3A : f32 to vector<10240xf32>
    %select_n3A = arith.select %gt3A_9, %rsqrt3A, %broadcast_in_dim3A : vector<10240xi1>, vector<10240xf32>
    %gt3A_12 = arith.constant 0.000000e+00 : f32
    %gt3A_13 = vector.broadcast %gt3A_12 : f32 to vector<10240xf32>
    %gt3A_14 = arith.cmpf ogt, %reduce_sum3A_7, %gt3A_13 : vector<10240xf32>
    %max3A_15 = arith.constant 1.000000e+00 : f32
    %max3A_16 = vector.broadcast %max3A_15 : f32 to vector<10240xf32>
    %max3A_17 = arith.maximumf %reduce_sum3A_7, %max3A_16 : vector<10240xf32>
    %rsqrt3A_18 = math.rsqrt %max3A_17 : vector<10240xf32>
    %jit3A_19 = arith.constant 0.000000e+00 : f32
    %broadcast_in_dim3A_20 = vector.broadcast %jit3A_19 : f32 to vector<10240xf32>
    %select_n3A_21 = arith.select %gt3A_14, %rsqrt3A_18, %broadcast_in_dim3A_20 : vector<10240xi1>, vector<10240xf32>
    %get3A_22 = arith.constant 0 : index
    %get3A_23 = arith.constant 0 : index
    %get3A_24 = vector.load %arg2[%get3A_22, %get3A_23] : memref<10000x128xf32, #tpu.memory_space<vmem>>, vector<10000x128xf32>
    %slice3A = vector.extract_strided_slice %select_n3A {offsets = [0], sizes = [10000], strides = [1]} : vector<10240xf32> to vector<10000xf32>
    %broadcast_in_dim3A_25 = vector.shape_cast %slice3A : vector<10000xf32> to vector<10000x1xf32>
    %mul3A = vector.broadcast %broadcast_in_dim3A_25 : vector<10000x1xf32> to vector<10000x128xf32>
    %mul3A_26 = arith.mulf %get3A_24, %mul3A : vector<10000x128xf32>
    %swap3A = arith.constant 0 : index
    %swap3A_27 = arith.constant 0 : index
    %swap3A_28 = vector.load %arg3[%swap3A, %swap3A_27] : memref<10000x128xf32, #tpu.memory_space<vmem>>, vector<10000x128xf32>
    tpu.vector_store %arg3[%swap3A, %swap3A_27], %mul3A_26 {strides = array<i32>} : memref<10000x128xf32, #tpu.memory_space<vmem>>, vector<10000x128xf32>,
    %slice3A_29 = vector.extract_strided_slice %select_n3A_21 {offsets = [0], sizes = [10000], strides = [1]} : vector<10240xf32> to vector<10000xf32>
    %broadcast_in_dim3A_30 = vector.shape_cast %slice3A_29 : vector<10000xf32> to vector<10000x1xf32>
    %swap3A_31 = arith.constant 0 : index
    %swap3A_32 = arith.constant 0 : index
    %swap3A_33 = vector.load %arg4[%swap3A_31, %swap3A_32] : memref<10000x1xf32, #tpu.memory_space<vmem>>, vector<10000x1xf32>
    tpu.vector_store %arg4[%swap3A_31, %swap3A_32], %broadcast_in_dim3A_30 {strides = array<i32>} : memref<10000x1xf32, #tpu.memory_space<vmem>>, vector<10000x1xf32>,
    return
  }
}

module attributes {stable_mosaic.version = 14 : i64} {
  func.func @_tc_dense(%arg0: i32, %arg1: i32, %arg2: memref<2x2000x128xf32, #tpu.memory_space<vmem>>, %arg3: memref<2000x1xf32, #tpu.memory_space<vmem>>, %arg4: memref<2000x128xf32, #tpu.memory_space<vmem>>, %arg5: memref<128x128xf32, #tpu.memory_space<vmem>>, %arg6: memref<128x128xf32, #tpu.memory_space<vmem>>, %arg7: memref<1x128xf32, #tpu.memory_space<vmem>>, %arg8: memref<1x128xf32, #tpu.memory_space<vmem>>, %arg9: memref<1x128xf32, #tpu.memory_space<vmem>>, %arg10: memref<2000x128xf32, #tpu.memory_space<vmem>>, %arg11: memref<10000x128xf32, #tpu.memory_space<vmem>>, %arg12: memref<2x128xf32, #tpu.memory_space<vmem>>) attributes {dimension_semantics = [#tpu.dimension_semantics<arbitrary>, #tpu.dimension_semantics<arbitrary>], iteration_bounds = array<i64: 2, 5>, scalar_prefetch = 0 : i64, scratch_operands = 2 : i64, tpu.core_type = #tpu.core_type<tc>, window_params = [{transform_indices = @transform_0, window_bounds = array<i64: 2, 2000, 128>}, {transform_indices = @transform_1, window_bounds = array<i64: 2000, 1>}, {transform_indices = @transform_2, window_bounds = array<i64: 2000, 128>}, {pipeline_mode = #tpu.pipeline_mode<synchronous>, transform_indices = @transform_3, window_bounds = array<i64: 128, 128>}, {pipeline_mode = #tpu.pipeline_mode<synchronous>, transform_indices = @transform_4, window_bounds = array<i64: 128, 128>}, {pipeline_mode = #tpu.pipeline_mode<synchronous>, transform_indices = @transform_5, window_bounds = array<i64: 1, 128>}, {pipeline_mode = #tpu.pipeline_mode<synchronous>, transform_indices = @transform_6, window_bounds = array<i64: 1, 128>}, {pipeline_mode = #tpu.pipeline_mode<synchronous>, transform_indices = @transform_7, window_bounds = array<i64: 1, 128>}, {transform_indices = @transform_8, window_bounds = array<i64: 2000, 128>}]} {
    %eq3A = arith.constant 0 : i32
    %eq3A_0 = arith.cmpi eq, %arg0, %eq3A : i32
    %convert_element_type3A = arith.extui %eq3A_0 : i1 to i32
    %cond3A = arith.constant 0 : i32
    %cond3A_1 = arith.cmpi ne, %convert_element_type3A, %cond3A : i32
    scf.if %cond3A_1 {
      %get3A = arith.constant 0 : index
      %get3A_7 = arith.constant 0 : index
      %get3A_8 = arith.constant 0 : index
      %get3A_9 = vector.load %arg2[%get3A, %get3A_7, %get3A_8] : memref<2x2000x128xf32, #tpu.memory_space<vmem>>, vector<1x2000x128xf32>
      %get3A_10 = vector.shape_cast %get3A_9 : vector<1x2000x128xf32> to vector<2000x128xf32>
      %get3A_11 = arith.constant 1 : index
      %get3A_12 = arith.constant 0 : index
      %get3A_13 = arith.constant 0 : index
      %get3A_14 = vector.load %arg2[%get3A_11, %get3A_12, %get3A_13] : memref<2x2000x128xf32, #tpu.memory_space<vmem>>, vector<1x2000x128xf32>
      %get3A_15 = vector.shape_cast %get3A_14 : vector<1x2000x128xf32> to vector<2000x128xf32>
      %add3A = arith.addf %get3A_10, %get3A_15 : vector<2000x128xf32>
      %get3A_16 = arith.constant 0 : index
      %get3A_17 = arith.constant 0 : index
      %get3A_18 = vector.load %arg3[%get3A_16, %get3A_17] : memref<2000x1xf32, #tpu.memory_space<vmem>>, vector<2000x1xf32>
      %mul3A = vector.broadcast %get3A_18 : vector<2000x1xf32> to vector<2000x128xf32>
      %mul3A_19 = arith.mulf %add3A, %mul3A : vector<2000x128xf32>
      %get3A_20 = arith.constant 0 : index
      %get3A_21 = arith.constant 0 : index
      %get3A_22 = vector.load %arg5[%get3A_20, %get3A_21] : memref<128x128xf32, #tpu.memory_space<vmem>>, vector<128x128xf32>
      %dot_general3A = arith.constant dense<0.000000e+00> : vector<2000x128xf32>
      %dot_general3A_23 = tpu.matmul %mul3A_19, %get3A_22, %dot_general3A {dimension_numbers = #tpu.dot_dimension_numbers<[1], [0], [0], [1], [0, 0, 1, 1], [], []>, precision = #tpu.contract_precision<fp32>, transpose_lhs_hint = false} : vector<2000x128xf32>, vector<128x128xf32>, vector<2000x128xf32> -> vector<2000x128xf32>
      %get3A_24 = arith.constant 0 : index
      %get3A_25 = arith.constant 0 : index
      %get3A_26 = vector.load %arg4[%get3A_24, %get3A_25] : memref<2000x128xf32, #tpu.memory_space<vmem>>, vector<2000x128xf32>
      %get3A_27 = arith.constant 0 : index
      %get3A_28 = arith.constant 0 : index
      %get3A_29 = vector.load %arg6[%get3A_27, %get3A_28] : memref<128x128xf32, #tpu.memory_space<vmem>>, vector<128x128xf32>
      %dot_general3A_30 = arith.constant dense<0.000000e+00> : vector<2000x128xf32>
      %dot_general3A_31 = tpu.matmul %get3A_26, %get3A_29, %dot_general3A_30 {dimension_numbers = #tpu.dot_dimension_numbers<[1], [0], [0], [1], [0, 0, 1, 1], [], []>, precision = #tpu.contract_precision<fp32>, transpose_lhs_hint = false} : vector<2000x128xf32>, vector<128x128xf32>, vector<2000x128xf32> -> vector<2000x128xf32>
      %add3A_32 = arith.addf %dot_general3A_23, %dot_general3A_31 : vector<2000x128xf32>
      %get3A_33 = arith.constant 0 : index
      %get3A_34 = arith.constant 0 : index
      %get3A_35 = vector.load %arg7[%get3A_33, %get3A_34] : memref<1x128xf32, #tpu.memory_space<vmem>>, vector<1x128xf32>
      %add3A_36 = vector.broadcast %get3A_35 : vector<1x128xf32> to vector<2000x128xf32>
      %add3A_37 = arith.addf %add3A_32, %add3A_36 : vector<2000x128xf32>
      %mul3A_38 = arith.constant 2000 : i32
      %mul3A_39 = arith.muli %arg1, %mul3A_38 : i32
      %swap3A = arith.index_cast %mul3A_39 : i32 to index
      %swap3A_40 = arith.constant 0 : index
      %swap3A_41 = vector.load %arg11[%swap3A, %swap3A_40] : memref<10000x128xf32, #tpu.memory_space<vmem>>, vector<2000x128xf32>
      tpu.vector_store %arg11[%swap3A, %swap3A_40], %add3A_37 {strides = array<i32>} : memref<10000x128xf32, #tpu.memory_space<vmem>>, vector<2000x128xf32>,
      %reduce_sum3A = arith.constant dense<0.000000e+00> : vector<128xf32>
      %reduce_sum3A_42 = vector.multi_reduction <add>, %add3A_37, %reduce_sum3A [0] : vector<2000x128xf32> to vector<128xf32>
      %broadcast_in_dim3A = vector.shape_cast %reduce_sum3A_42 : vector<128xf32> to vector<1x128xf32>
      %mul3A_43 = arith.mulf %add3A_37, %add3A_37 : vector<2000x128xf32>
      %reduce_sum3A_44 = arith.constant dense<0.000000e+00> : vector<128xf32>
      %reduce_sum3A_45 = vector.multi_reduction <add>, %mul3A_43, %reduce_sum3A_44 [0] : vector<2000x128xf32> to vector<128xf32>
      %broadcast_in_dim3A_46 = vector.shape_cast %reduce_sum3A_45 : vector<128xf32> to vector<1x128xf32>
      %concatenate3A = tpu.concatenate %broadcast_in_dim3A, %broadcast_in_dim3A_46 in 0 : vector<1x128xf32>, vector<1x128xf32> -> vector<2x128xf32>
      %eq3A_47 = arith.constant 0 : i32
      %eq3A_48 = arith.cmpi eq, %arg1, %eq3A_47 : i32
      %convert_element_type3A_49 = arith.extui %eq3A_48 : i1 to i32
      %cond3A_50 = arith.constant 0 : i32
      %cond3A_51 = arith.cmpi ne, %convert_element_type3A_49, %cond3A_50 : i32
      scf.if %cond3A_51 {
        %swap3A_56 = arith.constant 0 : index
        %swap3A_57 = arith.constant 0 : index
        %swap3A_58 = vector.load %arg12[%swap3A_56, %swap3A_57] : memref<2x128xf32, #tpu.memory_space<vmem>>, vector<2x128xf32>
        tpu.vector_store %arg12[%swap3A_56, %swap3A_57], %concatenate3A {strides = array<i32>} : memref<2x128xf32, #tpu.memory_space<vmem>>, vector<2x128xf32>,
      } else {
      }
      %gt3A = arith.constant 0 : i32
      %gt3A_52 = arith.cmpi sgt, %arg1, %gt3A : i32
      %convert_element_type3A_53 = arith.extui %gt3A_52 : i1 to i32
      %cond3A_54 = arith.constant 0 : i32
      %cond3A_55 = arith.cmpi ne, %convert_element_type3A_53, %cond3A_54 : i32
      scf.if %cond3A_55 {
        %get3A_56 = arith.constant 0 : index
        %get3A_57 = arith.constant 0 : index
        %get3A_58 = vector.load %arg12[%get3A_56, %get3A_57] : memref<2x128xf32, #tpu.memory_space<vmem>>, vector<2x128xf32>
        %add3A_59 = arith.addf %get3A_58, %concatenate3A : vector<2x128xf32>
        %swap3A_60 = arith.constant 0 : index
        %swap3A_61 = arith.constant 0 : index
        %swap3A_62 = vector.load %arg12[%swap3A_60, %swap3A_61] : memref<2x128xf32, #tpu.memory_space<vmem>>, vector<2x128xf32>
        tpu.vector_store %arg12[%swap3A_60, %swap3A_61], %add3A_59 {strides = array<i32>} : memref<2x128xf32, #tpu.memory_space<vmem>>, vector<2x128xf32>,
      } else {
      }
    } else {
    }
    %eq3A_2 = arith.constant 1 : i32
    %eq3A_3 = arith.cmpi eq, %arg0, %eq3A_2 : i32
    %convert_element_type3A_4 = arith.extui %eq3A_3 : i1 to i32
    %cond3A_5 = arith.constant 0 : i32
    %cond3A_6 = arith.cmpi ne, %convert_element_type3A_4, %cond3A_5 : i32
    scf.if %cond3A_6 {
      %get3A = arith.constant 0 : index
      %get3A_7 = arith.constant 0 : index
      %get3A_8 = vector.load %arg12[%get3A, %get3A_7] : memref<2x128xf32, #tpu.memory_space<vmem>>, vector<1x128xf32>
      %mul3A = arith.constant 9.99999974E-5 : f32
      %mul3A_9 = vector.broadcast %mul3A : f32 to vector<1x128xf32>
      %mul3A_10 = arith.mulf %get3A_8, %mul3A_9 : vector<1x128xf32>
      %get3A_11 = arith.constant 1 : index
      %get3A_12 = arith.constant 0 : index
      %get3A_13 = vector.load %arg12[%get3A_11, %get3A_12] : memref<2x128xf32, #tpu.memory_space<vmem>>, vector<1x128xf32>
      %mul3A_14 = arith.constant 9.99999974E-5 : f32
      %mul3A_15 = vector.broadcast %mul3A_14 : f32 to vector<1x128xf32>
      %mul3A_16 = arith.mulf %get3A_13, %mul3A_15 : vector<1x128xf32>
      %mul3A_17 = arith.mulf %mul3A_10, %mul3A_10 : vector<1x128xf32>
      %sub3A = arith.subf %mul3A_16, %mul3A_17 : vector<1x128xf32>
      %mul3A_18 = arith.constant 2000 : i32
      %mul3A_19 = arith.muli %arg1, %mul3A_18 : i32
      %get3A_20 = arith.index_cast %mul3A_19 : i32 to index
      %get3A_21 = arith.constant 0 : index
      %get3A_22 = vector.load %arg11[%get3A_20, %get3A_21] : memref<10000x128xf32, #tpu.memory_space<vmem>>, vector<2000x128xf32>
      %sub3A_23 = vector.broadcast %mul3A_10 : vector<1x128xf32> to vector<2000x128xf32>
      %sub3A_24 = arith.subf %get3A_22, %sub3A_23 : vector<2000x128xf32>
      %add3A = arith.constant 9.99999974E-6 : f32
      %add3A_25 = vector.broadcast %add3A : f32 to vector<1x128xf32>
      %add3A_26 = arith.addf %sub3A, %add3A_25 : vector<1x128xf32>
      %rsqrt3A = math.rsqrt %add3A_26 : vector<1x128xf32>
      %mul3A_27 = vector.broadcast %rsqrt3A : vector<1x128xf32> to vector<2000x128xf32>
      %mul3A_28 = arith.mulf %sub3A_24, %mul3A_27 : vector<2000x128xf32>
      %get3A_29 = arith.constant 0 : index
      %get3A_30 = arith.constant 0 : index
      %get3A_31 = vector.load %arg8[%get3A_29, %get3A_30] : memref<1x128xf32, #tpu.memory_space<vmem>>, vector<1x128xf32>
      %mul3A_32 = vector.broadcast %get3A_31 : vector<1x128xf32> to vector<2000x128xf32>
      %mul3A_33 = arith.mulf %mul3A_28, %mul3A_32 : vector<2000x128xf32>
      %get3A_34 = arith.constant 0 : index
      %get3A_35 = arith.constant 0 : index
      %get3A_36 = vector.load %arg9[%get3A_34, %get3A_35] : memref<1x128xf32, #tpu.memory_space<vmem>>, vector<1x128xf32>
      %add3A_37 = vector.broadcast %get3A_36 : vector<1x128xf32> to vector<2000x128xf32>
      %add3A_38 = arith.addf %mul3A_33, %add3A_37 : vector<2000x128xf32>
      %swap3A = arith.constant 0 : index
      %swap3A_39 = arith.constant 0 : index
      %swap3A_40 = vector.load %arg10[%swap3A, %swap3A_39] : memref<2000x128xf32, #tpu.memory_space<vmem>>, vector<2000x128xf32>
      tpu.vector_store %arg10[%swap3A, %swap3A_39], %add3A_38 {strides = array<i32>} : memref<2000x128xf32, #tpu.memory_space<vmem>>, vector<2000x128xf32>,
    } else {
    }
    return
  }
  func.func @transform_0(%arg0: i32, %arg1: i32) -> (i32, i32, i32) {
    %eq3A = arith.constant 0 : i32
    %eq3A_0 = arith.cmpi eq, %arg0, %eq3A : i32
    %jit3A = arith.constant 0 : i32
    %select_n3A = arith.select %eq3A_0, %arg1, %jit3A : i32
    %c0_i32 = arith.constant 0 : i32
    %c0_i32_1 = arith.constant 0 : i32
    %c0_i32_2 = arith.constant 0 : i32
    return %c0_i32, %select_n3A, %c0_i32_1 : i32, i32, i32
  }
  func.func @transform_1(%arg0: i32, %arg1: i32) -> (i32, i32) {
    %eq3A = arith.constant 0 : i32
    %eq3A_0 = arith.cmpi eq, %arg0, %eq3A : i32
    %jit3A = arith.constant 0 : i32
    %select_n3A = arith.select %eq3A_0, %arg1, %jit3A : i32
    %c0_i32 = arith.constant 0 : i32
    %c0_i32_1 = arith.constant 0 : i32
    return %select_n3A, %c0_i32 : i32, i32
  }
  func.func @transform_2(%arg0: i32, %arg1: i32) -> (i32, i32) {
    %eq3A = arith.constant 0 : i32
    %eq3A_0 = arith.cmpi eq, %arg0, %eq3A : i32
    %jit3A = arith.constant 0 : i32
    %select_n3A = arith.select %eq3A_0, %arg1, %jit3A : i32
    %c0_i32 = arith.constant 0 : i32
    %c0_i32_1 = arith.constant 0 : i32
    return %select_n3A, %c0_i32 : i32, i32
  }
  func.func @transform_3(%arg0: i32, %arg1: i32) -> (i32, i32) {
    %c0_i32 = arith.constant 0 : i32
    %c0_i32_0 = arith.constant 0 : i32
    %c0_i32_1 = arith.constant 0 : i32
    return %c0_i32, %c0_i32_0 : i32, i32
  }
  func.func @transform_4(%arg0: i32, %arg1: i32) -> (i32, i32) {
    %c0_i32 = arith.constant 0 : i32
    %c0_i32_0 = arith.constant 0 : i32
    %c0_i32_1 = arith.constant 0 : i32
    return %c0_i32, %c0_i32_0 : i32, i32
  }
  func.func @transform_5(%arg0: i32, %arg1: i32) -> (i32, i32) {
    %c0_i32 = arith.constant 0 : i32
    %c0_i32_0 = arith.constant 0 : i32
    %c0_i32_1 = arith.constant 0 : i32
    return %c0_i32, %c0_i32_0 : i32, i32
  }
  func.func @transform_6(%arg0: i32, %arg1: i32) -> (i32, i32) {
    %c0_i32 = arith.constant 0 : i32
    %c0_i32_0 = arith.constant 0 : i32
    %c0_i32_1 = arith.constant 0 : i32
    return %c0_i32, %c0_i32_0 : i32, i32
  }
  func.func @transform_7(%arg0: i32, %arg1: i32) -> (i32, i32) {
    %c0_i32 = arith.constant 0 : i32
    %c0_i32_0 = arith.constant 0 : i32
    %c0_i32_1 = arith.constant 0 : i32
    return %c0_i32, %c0_i32_0 : i32, i32
  }
  func.func @transform_8(%arg0: i32, %arg1: i32) -> (i32, i32) {
    %c0_i32 = arith.constant 0 : i32
    %c0_i32_0 = arith.constant 0 : i32
    return %arg1, %c0_i32 : i32, i32
  }
}

</mosaic_0001>

<sc_bundles>
// kernel: kernel.6.cloned.1.call-start
scs
__scs_entry_jumppad:
0x0: {  	(pc) =	sbr.rel $0x88, $3  }
0x1: {  	(tag) =	ssettag $0x0;
	lr =	simm.s32 $0x1  }
0x2: {  	[smem:$0x3F99] =	sst lr;
	_ =	strace $0xD0000000  }
0x3: {  	_ = 	snop  }
0x4: {  	_ = 	snop  }
0x5: {  	_ = 	snop  }
0x6: {  	_ = 	snop  }
0x7: {  	_ = 	snop  }
__scs_overlays_trampoline_lowered:
0x8: {  	[smem:$0x3FA8] =	sst s0  }
0x9: {  	[smem:$0x3FA9] =	sst s1  }
0xa: {  	[smem:$0x3FAA] =	sst s2  }
0xb: {  	[smem:$0x3FAB] =	sst s3  }
0xc: {  	[smem:$0x3FAC] =	sst s4  }
0xd: {  	[smem:$0x3FAD] =	sst s5  }
0xe: {  	[smem:$0x3FAE] =	sst s6  }
0xf: {  	[smem:$0x3FAF] =	sst s7  }
0x10: {  	[smem:$0x3FB0] =	sst s8  }
0x11: {  	[smem:$0x3FB1] =	sst s9;
	s0 =	simm.s32 @!p0 $0x0  }
0x12: {  	s1 =	sld [smem:$0x3F97];
	s0 =	simm.s32 @p0 $0x1  }
0x13: {  	[smem:$0x3FB2] =	sst s0;
	s0 =	simm.s32 @!p1 $0x0  }
0x14: {  	s2 =	sld [smem:$0x3F96];
	s0 =	simm.s32 @p1 $0x1  }
0x15: {  	[smem:$0x3FB3] =	sst s0;
	s0 =	simm.s32 @!p2 $0x0  }
0x16: {  	s3 =	sld [smem:$0x3FDB];
	s0 =	simm.s32 @p2 $0x1  }
0x17: {  	s4 =	simm.s32 $0x1BF5;
	[smem:$0x3FB5] =	sst s0  }
0x18: {  	s0 =	sld [smem:$0x3F98];
	_ =	swait.ge [sflag:s4], $0x0  }
0x19: {  	s7 =	sld [smem:$0x3F99]  }
0x1a: {  	s8 =	sadd.s32 $0xFFFFE003, lr  }
0x1b: {  	s9 =	sadd.s32 $0xFFFFFEF7, lr;
	s5 =	simm.s32 $0xFFFFFFFF;
	p2 =	slt.u32 s8, $0xFFFFF086  }
0x1c: {  	p1 =	slt.u32 s9, $0xF7A;
	s5 =	simm.s32 @!p2 $0x0  }
0x1d: {  	s5 =	simm.s32 @p1 $0x1;
	p0 =	seq.s32 s7, s2  }
0x1e: {  	s7 =	smul.u32 @!p0 $0xF7A, s2;
	p2 =	seq.s32 @!p0 s5, $0x0  }
0x1f: {  	s9 =	smul.u32 $0xF7A, s1;
	s8 =	simm.s32 @!p0 $0x1BF5;
	p2 =	por !p2, p0  }
0x20: {  	[sflag:s8] =	ssyncset.s32 @!p0 $0xFFFFF086;
	s6 =	sadd.s32 @!p0 s3, s7;
	s7 =	simm.s32 @!p0 $0x108  }
0x21: {  	s3 =	sadd.s32 s3, s9;
	s6 =	sadd.s32 @!p0 $0x88, s6;
	s7 =	simm.s32 @p2 $0x1082  }
0x22: {  	[simem:s7], [sflag:s8] =	dma.local @!p0 [hbm:s6], $0xF7A  }
0x23: {  	s9 =	sor.u32 $0xD0000000, s2;
	s6 =	simm.s32 $0x108;
	_ =	swait.ge @!p0 [sflag:s8], $0x0  }
0x24: {  	s3 =	sadd.s32 $0x88, s3;
	s6 =	simm.s32 @!p1 $0x1082;
	[sflag:s4] =	ssyncset.s32 $0xFFFFF086  }
0x25: {  	[simem:s6], [sflag:s4] =	dma.local [hbm:s3], $0xF7A  }
0x26: {  	[smem:$0x3F99] =	sst s1;
	(tag) =	ssettag s2;
	_ =	strace s9  }
0x27: {  	s1 =	sld [smem:$0x3FA9]  }
0x28: {  	s2 =	sld [smem:$0x3FAA]  }
0x29: {  	s4 =	sld [smem:$0x3FAC]  }
0x2a: {  	p0 =	seq.s32 s5, $0x0;
	s5 =	sld [smem:$0x3FAD]  }
0x2b: {  	s6 =	sld [smem:$0x3FAE]  }
0x2c: {  	s7 =	sld [smem:$0x3FAF]  }
0x2d: {  	s3 =	simm.s32 $0x108;
	s8 =	sld [smem:$0x3FB0]  }
0x2e: {  	s3 =	simm.s32 @!p0 $0x1082;
	s9 =	sld [smem:$0x3FB1]  }
0x2f: {  	lr =	sadd.s32 s0, s3;
	s0 =	sld [smem:$0x3FA8]  }
0x30: {  	s3 =	sld [smem:$0x3FAB]  }
0x31: {  	[smem:$0x3FB4] =	sst s10  }
0x32: {  	s10 =	sld [smem:$0x3FB2];
	_ =	sdelay $0x3  }
0x33: {  	p0 =	seq.s32 s10, $0x1;
	s10 =	sld [smem:$0x3FB4];
	_ =	sdelay $0x3  }
0x34: {  	[smem:$0x3FB4] =	sst s10  }
0x35: {  	s10 =	sld [smem:$0x3FB3];
	_ =	sdelay $0x3  }
0x36: {  	p1 =	seq.s32 s10, $0x1;
	s10 =	sld [smem:$0x3FB4];
	_ =	sdelay $0x3  }
0x37: {  	[smem:$0x3FB4] =	sst s10  }
0x38: {  	s10 =	sld [smem:$0x3FB5]  }
0x39: {  	_ = 	snop;
	(pc) =	sbr.ind lr, $3  }
0x3a: {  	_ = 	snop  }
0x3b: {  	_ = 	snop  }
0x3c: {  	p2 =	seq.s32 s10, $0x1;
	s10 =	sld [smem:$0x3FB4]  }
0x3d: {  	_ =	shalt  }
0x3e: {  	_ =	shalt  }
0x3f: {  	_ =	shalt  }
0x40: {  	_ =	shalt  }
0x41: {  	_ =	shalt  }
0x42: {  	_ =	shalt  }
0x43: {  	_ =	shalt  }
0x44: {  	_ =	shalt  }
0x45: {  	_ =	shalt  }
0x46: {  	_ =	shalt  }
0x47: {  	_ =	shalt  }
0x48: {  	_ =	shalt  }
0x49: {  	_ =	shalt  }
0x4a: {  	_ =	shalt  }
0x4b: {  	_ =	shalt  }
0x4c: {  	_ =	shalt  }
0x4d: {  	_ =	shalt  }
0x4e: {  	_ =	shalt  }
0x4f: {  	_ =	shalt  }
0x50: {  	_ =	shalt  }
0x51: {  	_ =	shalt  }
0x52: {  	_ =	shalt  }
0x53: {  	_ =	shalt  }
0x54: {  	_ =	shalt  }
0x55: {  	_ =	shalt  }
0x56: {  	_ =	shalt  }
0x57: {  	_ =	shalt  }
0x58: {  	_ =	shalt  }
0x59: {  	_ =	shalt  }
0x5a: {  	_ =	shalt  }
0x5b: {  	_ =	shalt  }
0x5c: {  	_ =	shalt  }
0x5d: {  	_ =	shalt  }
0x5e: {  	_ =	shalt  }
0x5f: {  	_ =	shalt  }
0x60: {  	_ =	shalt  }
0x61: {  	_ =	shalt  }
0x62: {  	_ =	shalt  }
0x63: {  	_ =	shalt  }
0x64: {  	_ =	shalt  }
0x65: {  	_ =	shalt  }
0x66: {  	_ =	shalt  }
0x67: {  	_ =	shalt  }
0x68: {  	_ =	shalt  }
0x69: {  	_ =	shalt  }
0x6a: {  	_ =	shalt  }
0x6b: {  	_ =	shalt  }
0x6c: {  	_ =	shalt  }
0x6d: {  	_ =	shalt  }
0x6e: {  	_ =	shalt  }
0x6f: {  	_ =	shalt  }
0x70: {  	_ =	shalt  }
0x71: {  	_ =	shalt  }
0x72: {  	_ =	shalt  }
0x73: {  	_ =	shalt  }
0x74: {  	_ =	shalt  }
0x75: {  	_ =	shalt  }
0x76: {  	_ =	shalt  }
0x77: {  	_ =	shalt  }
0x78: {  	_ =	shalt  }
0x79: {  	_ =	shalt  }
0x7a: {  	_ =	shalt  }
0x7b: {  	_ =	shalt  }
0x7c: {  	_ =	shalt  }
0x7d: {  	_ =	shalt  }
0x7e: {  	_ =	shalt  }
0x7f: {  	_ =	shalt  }
0x80: {  	_ =	shalt  }
0x81: {  	_ =	shalt  }
0x82: {  	_ =	shalt  }
0x83: {  	_ =	shalt  }
0x84: {  	_ =	shalt  }
0x85: {  	_ =	shalt  }
0x86: {  	_ =	shalt  }
0x87: {  	_ =	shalt  }
.Lfunc_end0:
.L_simem_size_0:
called_computation_lowered:
.L_overlay_start_0:
0x88: {  	s2 =	sld [smem:$0x3FD9]  }
0x89: {  	s3 =	sld [smem:$0x3FFE];
	_ =	sdelay $0x1  }
0x8a: {  	s1 =	srdreg.scid  }
0x8b: {  	s0 =	sand.u32 $0x1, s1  }
0x8c: {  	s17 =	sshll.u32 s0, $0xA;
	s2 =	sadd.s32 s3, s2  }
0x8d: {  	s2 =	sadd.s32 s2, s17  }
0x8e: {  	[smem:$0x3FC0] =	sst s2  }
0x8f: {  	_ = 	snop  }
0x90: {  	s2 =	sld [smem:$0x3FD0];
	(tm) =	ssettm $0x1  }
0x91: {  	s18 =	sld [smem:$0x3FFB];
	_ =	sdelay $0x3  }
0x92: {  	_ =	strace s18  }
0x93: {  	s3 =	sld [smem:$0x3FFC];
	_ =	sdelay $0x3  }
0x94: {  	_ =	strace s3  }
0x95: {  	s3 =	sld [smem:$0x3FFD];
	_ =	sdelay $0x3  }
0x96: {  	_ =	strace s3  }
0x97: {  	_ =	strace $0x8FFFFFFF  }
0x98: {  	s19 =	sld [smem:$0x3FDB];
	_ =	sdelay $0x1  }
0x99: {  	s4 =	simm.s32 $_scs_section_size  }
0x9a: {  	s5 =	simm.s32 $_size__tile_overlayer_lowered;
	s6 =	simm.s32 $_tile_overlayer_lowered  }
0x9b: {  	s22 =	simm.s32 $0x1BFF;
	s21 =	sshll.u32 s6, $0x1;
	s3 =	sadd.s32 s4, s19  }
0x9c: {  	s7 =	simm.s32 $0x0;
	s20 =	sshll.u32 s5, $0x1;
	s5 =	sadd.s32 s21, s3  }
0x9d: {  	[timem:s7], [sflag:s22] =	dma.local [hbm:s5], s20  }
0x9e: {  	_ =	swait.ge [sflag:s22], s20  }
0x9f: {  	s4 =	ssub.s32 $0x0, s20;
	[sflag:s22] =	ssyncset.done $0x0  }
0xa0: {  	[sflag:s22] =	ssyncadd.s32 s4;
	_ =	sdelay $0x1  }
0xa1: {  	s23 =	simm.s32 $0x1B8B  }
0xa2: {  	_ =	swait.ge [sflag:s23], $0x1  }
0xa3: {  	[sflag:s23] =	ssyncset.done $0x0  }
0xa4: {  	s25 =	simm.s32 $0x1B8E;
	s24 =	sld [smem:$0x3FFE];
	[sflag:s23] =	ssyncadd.s32 $0xFFFFFFFF  }
0xa5: {  	s26 =	simm.s32 $execute0_lowered;
	[smem:$0x3FD2] =	sst s25  }
0xa6: {  	s5 =	sshll.u32 s26, $0x1;
	_ =	strace $0x80000046;
	[dreg:$0x1] =	wrdreg $0xFFFFFFFF  }
0xa7: {  	s28 =	simm.s32 $_size_execute0_lowered;
	s3 =	sadd.s32 s3, s5;
	[dreg:$0x0] =	wrdreg $0x0  }
0xa8: {  	s5 =	sshll.u32 s28, $0x1;
	[dreg:$0x2] =	wrdreg s3  }
0xa9: {  	[dreg:$0x3] =	wrdreg s5  }
0xaa: {  	[dreg:$0x4] =	wrdreg $0xC0  }
0xab: {  	_ =	task [dreg:s7], $0x5FFFF  }
0xac: {  	[dreg:$0x1] =	wrdreg $0xFFFFFFFF  }
0xad: {  	[dreg:$0x0] =	wrdreg $0x60  }
0xae: {  	[dreg:$0x2] =	wrdreg s24  }
0xaf: {  	[dreg:$0x3] =	wrdreg s2  }
0xb0: {  	[dreg:$0x4] =	wrdreg $0x9  }
0xb1: {  	_ =	task.clear_ibuf [dreg:s7], $0x5FFFF;
	_ =	strace $0x90000046  }
0xb2: {  	s29 =	simm.s32 $0x9;
	_ =	strace $0x80000048  }
0xb3: {  	_ =	swait.ge [sflag:s29], $0x1  }
0xb4: {  	[sflag:s29] =	ssyncadd.s32 $0xFFFFFFFF  }
0xb5: {  	_ =	strace $0x90000048  }
0xb6: {  	_ =	sfence  }
0xb7: {  	s30 =	sld [smem:$0x0];
	_ =	sdelay $0x2  }
0xb8: {  	s31 =	sshll.u32 s1, $0xD;
	s1 =	sshrl.u32 s1, $0x2  }
0xb9: {  	s3 =	sand.u32 $0x4000, s31;
	s1 =	sadd.s32 s1, s30  }
0xba: {  	s0 =	sor.u32 s3, s0;
	s1 =	sshll.u32 s1, $0x11  }
0xbb: {  	s0 =	sor.u32 s1, s0  }
0xbc: {  	s0 =	sadd.s32 $0x8F2B, s0  }
0xbd: {  	[sflag:s0] =	ssyncadd.remote.s32 $0x1  }
0xbe: {  	_ =	sfence.sel $0xFFFF  }
0xbf: {  	[dreg:$0x0] =	wrdreg $0xFFFFFFFF;
	(pc) =	sbr.abs _section_cstart, $3  }
0xc0: {  	[dreg:$0x1] =	wrdreg $0xFFFFFFFF  }
0xc1: {  	_ =	task.clear_ibuf [dreg:s7], $0x2FFFF;
	_ =	strace $0x9FFFFFFF  }
0xc2: {  	(tm) =	ssettm $0x7FFFFFFF  }
0xc3: {  	_ =	shalt  }
tec
execute0_lowered:
.L_overlay_start_1:
0x0: {  	(tag) =	ssettag $0x1  }
0x1: {  	s0 =	srdreg.scid;
	s4 =	rddreg [dreg:$0x0]  }
0x2: {  	s6 =	rddreg [dreg:$0x1];
	s1 =	stileid.u32;
	s3 =	sand.u32 $0x1, s0  }
0x3: {  	s2 =	simm.s32 $0x0;
	s11 =	simm.s32 $0x7700;
	s5 =	sshll.u32 s3, $0x4  }
0x4: {  	s12 =	simm.s32 $0x2780;
	s13 =	simm.s32 $0x0;
	s5 =	sor.u32 s1, s5  }
0x5: {  	s0 =	rddreg [dreg:$0x2];
	s31 =	ssub.s32 $0x2, s3;
	s7 =	smul.u32 $0x4E2, s5  }
0x6: {  	[smem:$0x7FF] =	sst s2;
	s9 =	sshrl.u32 s31, $0x1;
	s8 =	smul.u32 $0x500, s5  }
0x7: {  	_ =	strace $0x80000047;
	s3 =	sadd.s32 $0x14C00, s4;
	s9 =	ssub.s32 s31, s9  }
0x8: {  	s7 =	sadd.s32 s7, s4;
	s10 =	sadd.s32 s8, s4;
	s6 =	sadd.s32 s6, s8  }
0x9: {  	s8 =	smax.u32 s9, $0x1;
	s9 =	simm.s32 $0x4F00;
	s4 =	sadd.s32 $0xAE00, s7  }
0xa: {  	v0 =	vimm.f32 $1.000000000e+00;
	s5 =	sadd.s32 $0x1000, s7;
	s7 =	sadd.s32 $0x15200, s10;
	s10 =	simm.s32 $0x1  }
.LBB2_1:
0xb: {  	[tilespmem:s9], [sflag:$0x1] =	stream.linear.gather [hbm4b:s3+s2], $0x2800, $0x38;
	[tilespmem:$0x9F00] =	vst v63  }
0xc: {  	_ =	swait.ge [sflag:s10], $0x2800  }
0xd: {  	[sflag:s10] =	ssyncset.done $0x0  }
0xe: {  	[sflag:s10] =	ssyncadd.s32 $0xFFFFD800  }
0xf: {  	[tilespmem:s11], [sflag:$0x1] =	stream.linear.gather [hbm4b:s3+s2], $0x2800, $0x38;
	[tilespmem:$0x9F00] =	vst v63  }
0x10: {  	_ =	swait.ge [sflag:s10], $0x2800  }
0x11: {  	[sflag:s10] =	ssyncset.done $0x0  }
0x12: {  	[sflag:s10] =	ssyncadd.s32 $0xFFFFD800  }
0x13: {  	[tilespmem:s2], [sflag:$0x1] =	stream.linear.gather [hbm4b:s4+s2], $0x2710, $0x38;
	[tilespmem:$0x9F00] =	vst v63  }
0x14: {  	_ =	swait.ge [sflag:s10], $0x2710  }
0x15: {  	[sflag:s10] =	ssyncset.done $0x0  }
0x16: {  	[sflag:s10] =	ssyncadd.s32 $0xFFFFD8F0  }
0x17: {  	[tilespmem:s12], [sflag:$0x1] =	stream.linear.gather [hbm4b:s5+s2], $0x2710, $0x38;
	[tilespmem:$0x9F00] =	vst v63  }
0x18: {  	_ =	swait.ge [sflag:s10], $0x2710  }
0x19: {  	s14 =	simm.s32 $0x2840;
	[sflag:s10] =	ssyncset.done $0x0  }
0x1a: {  	s15 =	simm.s32 $0xC0;
	s16 =	simm.s32 $0x0;
	[sflag:s10] =	ssyncadd.s32 $0xFFFFD8F0  }
.LBB2_2:
0x1b: {  	v1 =	vld [tilespmem:s15+$0xFFFFFF40];
	_ =	sdelay $0x7  }
0x1c: {  	[tilespmem:v1+s9+$0x0] =	vst.idx.add.f32.msk $0xffff, v0  }
0x1d: {  	v1 =	vld [tilespmem:s14+$0xFFFFFF40];
	_ =	sdelay $0x7  }
0x1e: {  	[tilespmem:v1+s11+$0x0] =	vst.idx.add.f32.msk $0xffff, v0  }
0x1f: {  	v1 =	vld [tilespmem:s15+$0xFFFFFF50];
	_ =	sdelay $0x7  }
0x20: {  	[tilespmem:v1+s9+$0x0] =	vst.idx.add.f32.msk $0xffff, v0  }
0x21: {  	v1 =	vld [tilespmem:s14+$0xFFFFFF50];
	_ =	sdelay $0x7  }
0x22: {  	[tilespmem:v1+s11+$0x0] =	vst.idx.add.f32.msk $0xffff, v0  }
0x23: {  	v1 =	vld [tilespmem:s15+$0xFFFFFF60];
	_ =	sdelay $0x7  }
0x24: {  	[tilespmem:v1+s9+$0x0] =	vst.idx.add.f32.msk $0xffff, v0  }
0x25: {  	v1 =	vld [tilespmem:s14+$0xFFFFFF60];
	_ =	sdelay $0x7  }
0x26: {  	[tilespmem:v1+s11+$0x0] =	vst.idx.add.f32.msk $0xffff, v0  }
0x27: {  	v1 =	vld [tilespmem:s15+$0xFFFFFF70];
	_ =	sdelay $0x7  }
0x28: {  	[tilespmem:v1+s9+$0x0] =	vst.idx.add.f32.msk $0xffff, v0  }
0x29: {  	v1 =	vld [tilespmem:s14+$0xFFFFFF70];
	_ =	sdelay $0x7  }
0x2a: {  	[tilespmem:v1+s11+$0x0] =	vst.idx.add.f32.msk $0xffff, v0  }
0x2b: {  	v1 =	vld [tilespmem:s15+$0xFFFFFF80];
	_ =	sdelay $0x7  }
0x2c: {  	[tilespmem:v1+s9+$0x0] =	vst.idx.add.f32.msk $0xffff, v0  }
0x2d: {  	v1 =	vld [tilespmem:s14+$0xFFFFFF80];
	_ =	sdelay $0x7  }
0x2e: {  	[tilespmem:v1+s11+$0x0] =	vst.idx.add.f32.msk $0xffff, v0  }
0x2f: {  	v1 =	vld [tilespmem:s15+$0xFFFFFF90];
	_ =	sdelay $0x7  }
0x30: {  	[tilespmem:v1+s9+$0x0] =	vst.idx.add.f32.msk $0xffff, v0  }
0x31: {  	v1 =	vld [tilespmem:s14+$0xFFFFFF90];
	_ =	sdelay $0x7  }
0x32: {  	[tilespmem:v1+s11+$0x0] =	vst.idx.add.f32.msk $0xffff, v0  }
0x33: {  	v1 =	vld [tilespmem:s15+$0xFFFFFFA0];
	_ =	sdelay $0x7  }
0x34: {  	[tilespmem:v1+s9+$0x0] =	vst.idx.add.f32.msk $0xffff, v0  }
0x35: {  	v1 =	vld [tilespmem:s14+$0xFFFFFFA0];
	_ =	sdelay $0x7  }
0x36: {  	[tilespmem:v1+s11+$0x0] =	vst.idx.add.f32.msk $0xffff, v0  }
0x37: {  	v1 =	vld [tilespmem:s15+$0xFFFFFFB0];
	_ =	sdelay $0x7  }
0x38: {  	[tilespmem:v1+s9+$0x0] =	vst.idx.add.f32.msk $0xffff, v0  }
0x39: {  	v1 =	vld [tilespmem:s14+$0xFFFFFFB0];
	_ =	sdelay $0x7  }
0x3a: {  	s17 =	sand.u32 $0x3FF0, s16;
	[tilespmem:v1+s11+$0x0] =	vst.idx.add.f32.msk $0xffff, v0  }
0x3b: {  	v1 =	vld [tilespmem:s17+$0x80];
	_ =	sdelay $0x7  }
0x3c: {  	[tilespmem:v1+s9+$0x0] =	vst.idx.add.f32.msk $0xffff, v0  }
0x3d: {  	v1 =	vld [tilespmem:s17+$0x2800];
	_ =	sdelay $0x7  }
0x3e: {  	[tilespmem:v1+s11+$0x0] =	vst.idx.add.f32.msk $0xffff, v0  }
0x3f: {  	v1 =	vld [tilespmem:s15+$0xFFFFFFD0];
	_ =	sdelay $0x7  }
0x40: {  	[tilespmem:v1+s9+$0x0] =	vst.idx.add.f32.msk $0xffff, v0  }
0x41: {  	v1 =	vld [tilespmem:s14+$0xFFFFFFD0];
	_ =	sdelay $0x7  }
0x42: {  	[tilespmem:v1+s11+$0x0] =	vst.idx.add.f32.msk $0xffff, v0  }
0x43: {  	v1 =	vld [tilespmem:s15+$0xFFFFFFE0];
	_ =	sdelay $0x7  }
0x44: {  	[tilespmem:v1+s9+$0x0] =	vst.idx.add.f32.msk $0xffff, v0  }
0x45: {  	v1 =	vld [tilespmem:s14+$0xFFFFFFE0];
	_ =	sdelay $0x7  }
0x46: {  	[tilespmem:v1+s11+$0x0] =	vst.idx.add.f32.msk $0xffff, v0  }
0x47: {  	v1 =	vld [tilespmem:s15+$0xFFFFFFF0];
	_ =	sdelay $0x7  }
0x48: {  	[tilespmem:v1+s9+$0x0] =	vst.idx.add.f32.msk $0xffff, v0  }
0x49: {  	v1 =	vld [tilespmem:s14+$0xFFFFFFF0];
	_ =	sdelay $0x7  }
0x4a: {  	[tilespmem:v1+s11+$0x0] =	vst.idx.add.f32.msk $0xffff, v0  }
0x4b: {  	v1 =	vld [tilespmem:s15+$0x0];
	_ =	sdelay $0x7  }
0x4c: {  	[tilespmem:v1+s9+$0x0] =	vst.idx.add.f32.msk $0xffff, v0  }
0x4d: {  	v1 =	vld [tilespmem:s14+$0x0];
	_ =	sdelay $0x7  }
0x4e: {  	[tilespmem:v1+s11+$0x0] =	vst.idx.add.f32.msk $0xffff, v0  }
0x4f: {  	v1 =	vld [tilespmem:s15+$0x10];
	_ =	sdelay $0x7  }
0x50: {  	[tilespmem:v1+s9+$0x0] =	vst.idx.add.f32.msk $0xffff, v0  }
0x51: {  	v1 =	vld [tilespmem:s14+$0x10];
	_ =	sdelay $0x7  }
0x52: {  	[tilespmem:v1+s11+$0x0] =	vst.idx.add.f32.msk $0xffff, v0  }
0x53: {  	v1 =	vld [tilespmem:s15+$0x20];
	_ =	sdelay $0x7  }
0x54: {  	[tilespmem:v1+s9+$0x0] =	vst.idx.add.f32.msk $0xffff, v0  }
0x55: {  	v1 =	vld [tilespmem:s14+$0x20];
	_ =	sdelay $0x7  }
0x56: {  	[tilespmem:v1+s11+$0x0] =	vst.idx.add.f32.msk $0xffff, v0  }
0x57: {  	v1 =	vld [tilespmem:s15+$0x30];
	_ =	sdelay $0x7  }
0x58: {  	[tilespmem:v1+s9+$0x0] =	vst.idx.add.f32.msk $0xffff, v0  }
0x59: {  	v1 =	vld [tilespmem:s14+$0x30];
	_ =	sdelay $0x7  }
0x5a: {  	[tilespmem:v1+s11+$0x0] =	vst.idx.add.f32.msk $0xffff, v0  }
0x5b: {  	v1 =	vld [tilespmem:s17+$0x100];
	_ =	sdelay $0x7  }
0x5c: {  	[tilespmem:v1+s9+$0x0] =	vst.idx.add.f32.msk $0xffff, v0  }
0x5d: {  	v1 =	vld [tilespmem:s17+$0x2880];
	_ =	sdelay $0x7  }
0x5e: {  	[tilespmem:v1+s11+$0x0] =	vst.idx.add.f32.msk $0xffff, v0  }
0x5f: {  	v1 =	vld [tilespmem:s15+$0x50];
	_ =	sdelay $0x7  }
0x60: {  	[tilespmem:v1+s9+$0x0] =	vst.idx.add.f32.msk $0xffff, v0  }
0x61: {  	v1 =	vld [tilespmem:s14+$0x50];
	_ =	sdelay $0x7  }
0x62: {  	[tilespmem:v1+s11+$0x0] =	vst.idx.add.f32.msk $0xffff, v0  }
0x63: {  	v1 =	vld [tilespmem:s15+$0x60];
	_ =	sdelay $0x7  }
0x64: {  	[tilespmem:v1+s9+$0x0] =	vst.idx.add.f32.msk $0xffff, v0  }
0x65: {  	v1 =	vld [tilespmem:s14+$0x60];
	_ =	sdelay $0x7  }
0x66: {  	[tilespmem:v1+s11+$0x0] =	vst.idx.add.f32.msk $0xffff, v0  }
0x67: {  	v1 =	vld [tilespmem:s15+$0x70];
	_ =	sdelay $0x7  }
0x68: {  	[tilespmem:v1+s9+$0x0] =	vst.idx.add.f32.msk $0xffff, v0  }
0x69: {  	v1 =	vld [tilespmem:s14+$0x70];
	_ =	sdelay $0x7  }
0x6a: {  	[tilespmem:v1+s11+$0x0] =	vst.idx.add.f32.msk $0xffff, v0  }
0x6b: {  	v1 =	vld [tilespmem:s15+$0x80];
	_ =	sdelay $0x7  }
0x6c: {  	[tilespmem:v1+s9+$0x0] =	vst.idx.add.f32.msk $0xffff, v0  }
0x6d: {  	v1 =	vld [tilespmem:s14+$0x80];
	_ =	sdelay $0x7  }
0x6e: {  	[tilespmem:v1+s11+$0x0] =	vst.idx.add.f32.msk $0xffff, v0  }
0x6f: {  	v1 =	vld [tilespmem:s15+$0x90];
	_ =	sdelay $0x7  }
0x70: {  	[tilespmem:v1+s9+$0x0] =	vst.idx.add.f32.msk $0xffff, v0  }
0x71: {  	v1 =	vld [tilespmem:s14+$0x90];
	_ =	sdelay $0x7  }
0x72: {  	[tilespmem:v1+s11+$0x0] =	vst.idx.add.f32.msk $0xffff, v0  }
0x73: {  	v1 =	vld [tilespmem:s15+$0xA0];
	_ =	sdelay $0x7  }
0x74: {  	[tilespmem:v1+s9+$0x0] =	vst.idx.add.f32.msk $0xffff, v0  }
0x75: {  	v1 =	vld [tilespmem:s14+$0xA0];
	_ =	sdelay $0x7  }
0x76: {  	[tilespmem:v1+s11+$0x0] =	vst.idx.add.f32.msk $0xffff, v0  }
0x77: {  	v1 =	vld [tilespmem:s15+$0xB0];
	_ =	sdelay $0x7  }
0x78: {  	[tilespmem:v1+s9+$0x0] =	vst.idx.add.f32.msk $0xffff, v0  }
0x79: {  	v1 =	vld [tilespmem:s14+$0xB0];
	_ =	sdelay $0x7  }
0x7a: {  	[tilespmem:v1+s11+$0x0] =	vst.idx.add.f32.msk $0xffff, v0  }
0x7b: {  	v1 =	vld [tilespmem:s17+$0x180];
	_ =	sdelay $0x7  }
0x7c: {  	[tilespmem:v1+s9+$0x0] =	vst.idx.add.f32.msk $0xffff, v0  }
0x7d: {  	v1 =	vld [tilespmem:s17+$0x2900];
	_ =	sdelay $0x2  }
0x7e: {  	p0 =	sne.s32 s16, $0x2580  }
.Ltmp0:
0x7f: {  	_ = 	snop;
	(pc) =	sbr.rel @p0 .LBB2_2-.Ltmp0, $2  }
0x80: {  	_ =	sdelay $0x2  }
0x81: {  	s16 =	sadd.s32 $0x190, s16;
	s15 =	sadd.s32 $0x190, s15;
	s14 =	sadd.s32 $0x190, s14;
	[tilespmem:v1+s11+$0x0] =	vst.idx.add.f32.msk $0xffff, v0  }
0x82: {  	[hbm4b:s6+s2] =	stream.linear.scatter [tilespmem:s9], [sflag:$0x1], $0x2800, $0x38;
	[tilespmem:$0x9F00] =	vst v63  }
0x83: {  	s13 =	sadd.s32 $0x1, s13;
	_ =	swait.ge [sflag:s10], $0x2800  }
0x84: {  	p0 =	sne.s32 s13, s8;
	[sflag:s10] =	ssyncset.done $0x0  }
.Ltmp1:
0x85: {  	[sflag:s10] =	ssyncadd.s32 $0xFFFFD800;
	(pc) =	sbr.rel @p0 .LBB2_1-.Ltmp1, $4  }
0x86: {  	[hbm4b:s7+s2] =	stream.linear.scatter [tilespmem:s11], [sflag:$0x1], $0x2800, $0x38;
	[tilespmem:$0x9F00] =	vst v63  }
0x87: {  	_ =	swait.ge [sflag:s10], $0x2800  }
0x88: {  	[sflag:s10] =	ssyncset.done $0x0  }
0x89: {  	[sflag:s10] =	ssyncadd.s32 $0xFFFFD800  }
0x8a: {  	_ =	sfence.sel $0x180000  }
0x8b: {  	[bflag:$0x0] =	sbarrier.arrive $0xFFFF  }
0x8c: {  	p0 =	sne.s32 s1, $0x0;
	_ =	strace $0x90000047  }
0x8d: {  	s0 =	sadd.s32 @!p0 $0x100000, s0;
	[bflag:$0x2] =	sbarrier.arrive $0xFFFF  }
0x8e: {  	[sflag:s0] =	ssyncadd.tile.s32 @!p0 $0x1;
	_ =	shalt  }
.Lfunc_end2:
_tile_overlayer_lowered:
.L_overlay_start_2:
0x8f: {  	(tag) =	ssettag $0x2  }
0x90: {  	s0 =	rddreg [dreg:$0x0];
	s2 =	stileid.u32  }
0x91: {  	s1 =	rddreg [dreg:$0x1];
	p0 =	sne.s32 s2, $0x0  }
0x92: {  	s3 =	rddreg [dreg:$0x2];
	[bflag:$0x3] =	sbarrier.arrive $0xFFFF;
	s2 =	simm.s32 @!p0 $0x1C01  }
0x93: {  	[timem:s3], [sflag:s2] =	dma.local @!p0 [hbm:s0], s1  }
0x94: {  	s0 =	simm.s32 @!p0 $0x1  }
0x95: {  	_ =	swait.ge @!p0 [sflag:s0], s1  }
0x96: {  	s1 =	ssub.s32 @!p0 $0x0, s1;
	[sflag:s0] =	ssyncset.done @!p0 $0x0  }
0x97: {  	[sflag:s0] =	ssyncadd.s32 @!p0 s1  }
0x98: {  	[bflag:$0x3] =	sbarrier.arrive $0xFFFF  }
0x99: {  	_ =	shalt  }

// kernel: kernel.9.cloned.1.call-start
scs
__scs_entry_jumppad:
0x0: {  	(pc) =	sbr.rel $0x88, $3  }
0x1: {  	(tag) =	ssettag $0x0;
	lr =	simm.s32 $0x1  }
0x2: {  	[smem:$0x3F99] =	sst lr;
	_ =	strace $0xD0000000  }
0x3: {  	_ = 	snop  }
0x4: {  	_ = 	snop  }
0x5: {  	_ = 	snop  }
0x6: {  	_ = 	snop  }
0x7: {  	_ = 	snop  }
__scs_overlays_trampoline_lowered:
0x8: {  	[smem:$0x3FA8] =	sst s0  }
0x9: {  	[smem:$0x3FA9] =	sst s1  }
0xa: {  	[smem:$0x3FAA] =	sst s2  }
0xb: {  	[smem:$0x3FAB] =	sst s3  }
0xc: {  	[smem:$0x3FAC] =	sst s4  }
0xd: {  	[smem:$0x3FAD] =	sst s5  }
0xe: {  	[smem:$0x3FAE] =	sst s6  }
0xf: {  	[smem:$0x3FAF] =	sst s7  }
0x10: {  	[smem:$0x3FB0] =	sst s8  }
0x11: {  	[smem:$0x3FB1] =	sst s9;
	s0 =	simm.s32 @!p0 $0x0  }
0x12: {  	s1 =	sld [smem:$0x3F97];
	s0 =	simm.s32 @p0 $0x1  }
0x13: {  	[smem:$0x3FB2] =	sst s0;
	s0 =	simm.s32 @!p1 $0x0  }
0x14: {  	s2 =	sld [smem:$0x3F96];
	s0 =	simm.s32 @p1 $0x1  }
0x15: {  	[smem:$0x3FB3] =	sst s0;
	s0 =	simm.s32 @!p2 $0x0  }
0x16: {  	s3 =	sld [smem:$0x3FDB];
	s0 =	simm.s32 @p2 $0x1  }
0x17: {  	s4 =	simm.s32 $0x1BF5;
	[smem:$0x3FB5] =	sst s0  }
0x18: {  	s0 =	sld [smem:$0x3F98];
	_ =	swait.ge [sflag:s4], $0x0  }
0x19: {  	s7 =	sld [smem:$0x3F99]  }
0x1a: {  	s8 =	sadd.s32 $0xFFFFE003, lr  }
0x1b: {  	s9 =	sadd.s32 $0xFFFFFEF7, lr;
	s5 =	simm.s32 $0xFFFFFFFF;
	p2 =	slt.u32 s8, $0xFFFFF086  }
0x1c: {  	p1 =	slt.u32 s9, $0xF7A;
	s5 =	simm.s32 @!p2 $0x0  }
0x1d: {  	s5 =	simm.s32 @p1 $0x1;
	p0 =	seq.s32 s7, s2  }
0x1e: {  	s7 =	smul.u32 @!p0 $0xF7A, s2;
	p2 =	seq.s32 @!p0 s5, $0x0  }
0x1f: {  	s9 =	smul.u32 $0xF7A, s1;
	s8 =	simm.s32 @!p0 $0x1BF5;
	p2 =	por !p2, p0  }
0x20: {  	[sflag:s8] =	ssyncset.s32 @!p0 $0xFFFFF086;
	s6 =	sadd.s32 @!p0 s3, s7;
	s7 =	simm.s32 @!p0 $0x108  }
0x21: {  	s3 =	sadd.s32 s3, s9;
	s6 =	sadd.s32 @!p0 $0x88, s6;
	s7 =	simm.s32 @p2 $0x1082  }
0x22: {  	[simem:s7], [sflag:s8] =	dma.local @!p0 [hbm:s6], $0xF7A  }
0x23: {  	s9 =	sor.u32 $0xD0000000, s2;
	s6 =	simm.s32 $0x108;
	_ =	swait.ge @!p0 [sflag:s8], $0x0  }
0x24: {  	s3 =	sadd.s32 $0x88, s3;
	s6 =	simm.s32 @!p1 $0x1082;
	[sflag:s4] =	ssyncset.s32 $0xFFFFF086  }
0x25: {  	[simem:s6], [sflag:s4] =	dma.local [hbm:s3], $0xF7A  }
0x26: {  	[smem:$0x3F99] =	sst s1;
	(tag) =	ssettag s2;
	_ =	strace s9  }
0x27: {  	s1 =	sld [smem:$0x3FA9]  }
0x28: {  	s2 =	sld [smem:$0x3FAA]  }
0x29: {  	s4 =	sld [smem:$0x3FAC]  }
0x2a: {  	p0 =	seq.s32 s5, $0x0;
	s5 =	sld [smem:$0x3FAD]  }
0x2b: {  	s6 =	sld [smem:$0x3FAE]  }
0x2c: {  	s7 =	sld [smem:$0x3FAF]  }
0x2d: {  	s3 =	simm.s32 $0x108;
	s8 =	sld [smem:$0x3FB0]  }
0x2e: {  	s3 =	simm.s32 @!p0 $0x1082;
	s9 =	sld [smem:$0x3FB1]  }
0x2f: {  	lr =	sadd.s32 s0, s3;
	s0 =	sld [smem:$0x3FA8]  }
0x30: {  	s3 =	sld [smem:$0x3FAB]  }
0x31: {  	[smem:$0x3FB4] =	sst s10  }
0x32: {  	s10 =	sld [smem:$0x3FB2];
	_ =	sdelay $0x3  }
0x33: {  	p0 =	seq.s32 s10, $0x1;
	s10 =	sld [smem:$0x3FB4];
	_ =	sdelay $0x3  }
0x34: {  	[smem:$0x3FB4] =	sst s10  }
0x35: {  	s10 =	sld [smem:$0x3FB3];
	_ =	sdelay $0x3  }
0x36: {  	p1 =	seq.s32 s10, $0x1;
	s10 =	sld [smem:$0x3FB4];
	_ =	sdelay $0x3  }
0x37: {  	[smem:$0x3FB4] =	sst s10  }
0x38: {  	s10 =	sld [smem:$0x3FB5]  }
0x39: {  	_ = 	snop;
	(pc) =	sbr.ind lr, $3  }
0x3a: {  	_ = 	snop  }
0x3b: {  	_ = 	snop  }
0x3c: {  	p2 =	seq.s32 s10, $0x1;
	s10 =	sld [smem:$0x3FB4]  }
0x3d: {  	_ =	shalt  }
0x3e: {  	_ =	shalt  }
0x3f: {  	_ =	shalt  }
0x40: {  	_ =	shalt  }
0x41: {  	_ =	shalt  }
0x42: {  	_ =	shalt  }
0x43: {  	_ =	shalt  }
0x44: {  	_ =	shalt  }
0x45: {  	_ =	shalt  }
0x46: {  	_ =	shalt  }
0x47: {  	_ =	shalt  }
0x48: {  	_ =	shalt  }
0x49: {  	_ =	shalt  }
0x4a: {  	_ =	shalt  }
0x4b: {  	_ =	shalt  }
0x4c: {  	_ =	shalt  }
0x4d: {  	_ =	shalt  }
0x4e: {  	_ =	shalt  }
0x4f: {  	_ =	shalt  }
0x50: {  	_ =	shalt  }
0x51: {  	_ =	shalt  }
0x52: {  	_ =	shalt  }
0x53: {  	_ =	shalt  }
0x54: {  	_ =	shalt  }
0x55: {  	_ =	shalt  }
0x56: {  	_ =	shalt  }
0x57: {  	_ =	shalt  }
0x58: {  	_ =	shalt  }
0x59: {  	_ =	shalt  }
0x5a: {  	_ =	shalt  }
0x5b: {  	_ =	shalt  }
0x5c: {  	_ =	shalt  }
0x5d: {  	_ =	shalt  }
0x5e: {  	_ =	shalt  }
0x5f: {  	_ =	shalt  }
0x60: {  	_ =	shalt  }
0x61: {  	_ =	shalt  }
0x62: {  	_ =	shalt  }
0x63: {  	_ =	shalt  }
0x64: {  	_ =	shalt  }
0x65: {  	_ =	shalt  }
0x66: {  	_ =	shalt  }
0x67: {  	_ =	shalt  }
0x68: {  	_ =	shalt  }
0x69: {  	_ =	shalt  }
0x6a: {  	_ =	shalt  }
0x6b: {  	_ =	shalt  }
0x6c: {  	_ =	shalt  }
0x6d: {  	_ =	shalt  }
0x6e: {  	_ =	shalt  }
0x6f: {  	_ =	shalt  }
0x70: {  	_ =	shalt  }
0x71: {  	_ =	shalt  }
0x72: {  	_ =	shalt  }
0x73: {  	_ =	shalt  }
0x74: {  	_ =	shalt  }
0x75: {  	_ =	shalt  }
0x76: {  	_ =	shalt  }
0x77: {  	_ =	shalt  }
0x78: {  	_ =	shalt  }
0x79: {  	_ =	shalt  }
0x7a: {  	_ =	shalt  }
0x7b: {  	_ =	shalt  }
0x7c: {  	_ =	shalt  }
0x7d: {  	_ =	shalt  }
0x7e: {  	_ =	shalt  }
0x7f: {  	_ =	shalt  }
0x80: {  	_ =	shalt  }
0x81: {  	_ =	shalt  }
0x82: {  	_ =	shalt  }
0x83: {  	_ =	shalt  }
0x84: {  	_ =	shalt  }
0x85: {  	_ =	shalt  }
0x86: {  	_ =	shalt  }
0x87: {  	_ =	shalt  }
.Lfunc_end0:
.L_simem_size_0:
called_computation.1_lowered:
.L_overlay_start_0:
0x88: {  	s2 =	sld [smem:$0x3FD9]  }
0x89: {  	s3 =	sld [smem:$0x3FFE];
	_ =	sdelay $0x1  }
0x8a: {  	s1 =	srdreg.scid  }
0x8b: {  	s0 =	sand.u32 $0x1, s1  }
0x8c: {  	s17 =	sshll.u32 s0, $0xA;
	s2 =	sadd.s32 s3, s2  }
0x8d: {  	s2 =	sadd.s32 s2, s17  }
0x8e: {  	[smem:$0x3FC0] =	sst s2  }
0x8f: {  	_ = 	snop  }
0x90: {  	s2 =	sld [smem:$0x3FD0];
	(tm) =	ssettm $0x1  }
0x91: {  	s18 =	sld [smem:$0x3FFB];
	_ =	sdelay $0x3  }
0x92: {  	_ =	strace s18  }
0x93: {  	s3 =	sld [smem:$0x3FFC];
	_ =	sdelay $0x3  }
0x94: {  	_ =	strace s3  }
0x95: {  	s3 =	sld [smem:$0x3FFD];
	_ =	sdelay $0x3  }
0x96: {  	_ =	strace s3  }
0x97: {  	_ =	strace $0x8FFFFFFF  }
0x98: {  	s19 =	sld [smem:$0x3FDB];
	_ =	sdelay $0x1  }
0x99: {  	s4 =	simm.s32 $_scs_section_size  }
0x9a: {  	s5 =	simm.s32 $_size__tile_overlayer_lowered;
	s6 =	simm.s32 $_tile_overlayer_lowered  }
0x9b: {  	s22 =	simm.s32 $0x1BFF;
	s21 =	sshll.u32 s6, $0x1;
	s3 =	sadd.s32 s4, s19  }
0x9c: {  	s7 =	simm.s32 $0x0;
	s20 =	sshll.u32 s5, $0x1;
	s5 =	sadd.s32 s21, s3  }
0x9d: {  	[timem:s7], [sflag:s22] =	dma.local [hbm:s5], s20  }
0x9e: {  	_ =	swait.ge [sflag:s22], s20  }
0x9f: {  	s4 =	ssub.s32 $0x0, s20;
	[sflag:s22] =	ssyncset.done $0x0  }
0xa0: {  	[sflag:s22] =	ssyncadd.s32 s4;
	_ =	sdelay $0x1  }
0xa1: {  	s23 =	simm.s32 $0x1B8B  }
0xa2: {  	_ =	swait.ge [sflag:s23], $0x1  }
0xa3: {  	[sflag:s23] =	ssyncset.done $0x0  }
0xa4: {  	s25 =	simm.s32 $0x1B8E;
	s24 =	sld [smem:$0x3FFE];
	[sflag:s23] =	ssyncadd.s32 $0xFFFFFFFF  }
0xa5: {  	s26 =	simm.s32 $execute0_lowered;
	[smem:$0x3FD2] =	sst s25  }
0xa6: {  	s5 =	sshll.u32 s26, $0x1;
	_ =	strace $0x80000049;
	[dreg:$0x1] =	wrdreg $0xFFFFFFFF  }
0xa7: {  	s28 =	simm.s32 $_size_execute0_lowered;
	s3 =	sadd.s32 s3, s5;
	[dreg:$0x0] =	wrdreg $0x0  }
0xa8: {  	s5 =	sshll.u32 s28, $0x1;
	[dreg:$0x2] =	wrdreg s3  }
0xa9: {  	[dreg:$0x3] =	wrdreg s5  }
0xaa: {  	[dreg:$0x4] =	wrdreg $0xC0  }
0xab: {  	_ =	task [dreg:s7], $0x5FFFF  }
0xac: {  	[dreg:$0x1] =	wrdreg $0xFFFFFFFF  }
0xad: {  	[dreg:$0x0] =	wrdreg $0x60  }
0xae: {  	[dreg:$0x2] =	wrdreg s2  }
0xaf: {  	[dreg:$0x3] =	wrdreg s24  }
0xb0: {  	[dreg:$0x4] =	wrdreg $0xBC000  }
0xb1: {  	[dreg:$0x5] =	wrdreg $0x9  }
0xb2: {  	_ =	task.clear_ibuf [dreg:s7], $0x6FFFF;
	_ =	strace $0x90000049  }
0xb3: {  	s29 =	simm.s32 $0x9;
	_ =	strace $0x8000004B  }
0xb4: {  	_ =	swait.ge [sflag:s29], $0x1  }
0xb5: {  	[sflag:s29] =	ssyncadd.s32 $0xFFFFFFFF  }
0xb6: {  	_ =	strace $0x9000004B  }
0xb7: {  	_ =	sfence  }
0xb8: {  	s30 =	sld [smem:$0x0];
	_ =	sdelay $0x2  }
0xb9: {  	s31 =	sshll.u32 s1, $0xD;
	s1 =	sshrl.u32 s1, $0x2  }
0xba: {  	s3 =	sand.u32 $0x4000, s31;
	s1 =	sadd.s32 s1, s30  }
0xbb: {  	s0 =	sor.u32 s3, s0;
	s1 =	sshll.u32 s1, $0x11  }
0xbc: {  	s0 =	sor.u32 s1, s0  }
0xbd: {  	s0 =	sadd.s32 $0x8F2B, s0  }
0xbe: {  	[sflag:s0] =	ssyncadd.remote.s32 $0x1  }
0xbf: {  	_ =	sfence.sel $0xFFFF  }
0xc0: {  	[dreg:$0x0] =	wrdreg $0xFFFFFFFF;
	(pc) =	sbr.abs _section_cstart, $3  }
0xc1: {  	[dreg:$0x1] =	wrdreg $0xFFFFFFFF  }
0xc2: {  	_ =	task.clear_ibuf [dreg:s7], $0x2FFFF;
	_ =	strace $0x9FFFFFFF  }
0xc3: {  	(tm) =	ssettm $0x7FFFFFFF  }
tec
execute0_lowered:
.L_overlay_start_1:
0x0: {  	(tag) =	ssettag $0x1  }
0x1: {  	s1 =	rddreg [dreg:$0x0]  }
0x2: {  	s0 =	rddreg [dreg:$0x1]  }
0x3: {  	s2 =	rddreg [dreg:$0x2];
	s4 =	simm.s32 $0x0  }
0x4: {  	[smem:$0x7FF] =	sst s4;
	s26 =	sadd.s32 $0x1000, s0  }
0x5: {  	s11 =	simm.s32 $0x80;
	_ =	strace $0x8000004A;
	[smem:$0x7E5] =	sst s26  }
0x6: {  	s12 =	simm.s32 $0x100;
	[dreg:$0x6] =	wrdreg s11  }
0x7: {  	s13 =	simm.s32 $0x180;
	[dreg:$0x7] =	wrdreg s12  }
0x8: {  	s15 =	simm.s32 $0x1080;
	[dreg:$0x8] =	wrdreg s13  }
0x9: {  	s17 =	simm.s32 $0x200;
	[dreg:$0x9] =	wrdreg s15  }
0xa: {  	s18 =	simm.s32 $0x1100;
	[dreg:$0xa] =	wrdreg s17  }
0xb: {  	s20 =	simm.s32 $0x280;
	[dreg:$0xb] =	wrdreg s18  }
0xc: {  	s9 =	stileid.u32;
	s21 =	simm.s32 $0x1180;
	[dreg:$0xc] =	wrdreg s20  }
0xd: {  	s22 =	sshll.u32 s9, $0x6;
	[dreg:$0xd] =	wrdreg s21  }
0xe: {  	s23 =	simm.s32 $0x300;
	[smem:$0x7E6] =	sst s22  }
0xf: {  	s24 =	simm.s32 $0x1200;
	[dreg:$0xe] =	wrdreg s23  }
0x10: {  	[dreg:$0xf] =	wrdreg s24;
	s26 =	simm.s32 $0x380  }
0x11: {  	s12 =	simm.s32 $0x1280;
	[dreg:$0x10] =	wrdreg s26  }
0x12: {  	s13 =	simm.s32 $0x400;
	[dreg:$0x11] =	wrdreg s12  }
0x13: {  	s3 =	srdreg.scid;
	s15 =	simm.s32 $0x480;
	[dreg:$0x12] =	wrdreg s13  }
0x14: {  	s3 =	sand.u32 $0x1, s3;
	s17 =	simm.s32 $0x500;
	[dreg:$0x14] =	wrdreg s15  }
0x15: {  	s7 =	sshll.u32 s9, $0xB;
	s18 =	simm.s32 $0x1400;
	[dreg:$0x16] =	wrdreg s17  }
0x16: {  	s8 =	smul.u32 $0x14000, s9;
	s20 =	simm.s32 $0x1480;
	[dreg:$0x17] =	wrdreg s18  }
0x17: {  	s16 =	smul.u32 $0x50000, s9;
	s21 =	simm.s32 $0x600;
	[dreg:$0x19] =	wrdreg s20  }
0x18: {  	s5 =	sshll.u32 s3, $0xF;
	s24 =	simm.s32 $0x680;
	[dreg:$0x1a] =	wrdreg s21  }
0x19: {  	s19 =	sshrl.u32 s16, $0x2;
	s16 =	simm.s32 $0x1380;
	[dreg:$0x1c] =	wrdreg s24  }
0x1a: {  	s6 =	smul.u32 $0x140000, s3;
	s26 =	simm.s32 $0x1580;
	[dreg:$0x15] =	wrdreg s16  }
0x1b: {  	s3 =	ssub.s32 $0x2, s3;
	s18 =	simm.s32 $0x1700;
	[dreg:$0x1d] =	wrdreg s26  }
0x1c: {  	s5 =	sadd.s32 s5, s0;
	s21 =	simm.s32 $0x880;
	[smem:$0x7F6] =	sst s18  }
0x1d: {  	s14 =	sshrl.u32 s3, $0x1;
	s24 =	simm.s32 $0x1800;
	[smem:$0x7F7] =	sst s21  }
0x1e: {  	s5 =	sadd.s32 s7, s5;
	s7 =	sor.u32 $0x1C01, s22;
	[smem:$0x7FA] =	sst s24  }
0x1f: {  	s3 =	ssub.s32 s3, s14;
	s14 =	simm.s32 $0x1300;
	[smem:$0x7E7] =	sst s7  }
0x20: {  	s22 =	simm.s32 $0x1500;
	[dreg:$0x13] =	wrdreg s14  }
0x21: {  	s6 =	sadd.s32 s8, s6;
	s8 =	simm.s32 $0x1600;
	[dreg:$0x1b] =	wrdreg s22  }
0x22: {  	s28 =	simm.s32 $0x4;
	s26 =	simm.s32 $0x1880;
	[dreg:$0x1f] =	wrdreg s8  }
0x23: {  	s10 =	sadd.s32 $0x2F200, s5;
	s5 =	sadd.s32 $0x1F200, s5;
	[smem:$0x7FC] =	sst s26  }
0x24: {  	s6 =	sshrl.u32 s6, $0x3;
	s3 =	smax.u32 s3, $0x1;
	[dreg:$0x4] =	wrdreg s10  }
0x25: {  	s22 =	simm.s32 $0x1780;
	[dreg:$0x5] =	wrdreg s5;
	s0 =	sadd.s32 s6, s0  }
0x26: {  	s6 =	sadd.s32 s19, s2;
	s19 =	simm.s32 $0x580;
	[smem:$0x7E9] =	sst s3  }
0x27: {  	[smem:$0x7F8] =	sst s22;
	s25 =	sadd.s32 $0x2000, s6;
	s7 =	sadd.s32 $0x4000, s6  }
0x28: {  	s10 =	sadd.s32 $0x6000, s6;
	s11 =	sadd.s32 $0x8000, s6;
	s12 =	sadd.s32 $0xA000, s6  }
0x29: {  	s13 =	sadd.s32 $0xC000, s6;
	s14 =	sadd.s32 $0xE000, s6;
	s15 =	sadd.s32 $0x10000, s6  }
0x2a: {  	s16 =	sadd.s32 $0x12000, s6;
	s0 =	sadd.s32 $0x66400, s0;
	[dreg:$0x18] =	wrdreg s19  }
0x2b: {  	s19 =	sshrl.u32 s6, $0x3;
	s6 =	simm.s32 $0x700;
	[smem:$0x7E8] =	sst s0  }
0x2c: {  	s29 =	simm.s32 $0x2;
	s30 =	simm.s32 $0x5;
	[dreg:$0x1e] =	wrdreg s6  }
0x2d: {  	s31 =	simm.s32 $0x3;
	s23 =	sshrl.u32 s25, $0x3;
	[smem:$0x7FD] =	sst s19  }
0x2e: {  	s21 =	simm.s32 $0x7;
	s25 =	sshrl.u32 s7, $0x3;
	[smem:$0x7EA] =	sst s23  }
0x2f: {  	s24 =	simm.s32 $0x2000;
	s5 =	sshrl.u32 s10, $0x3;
	[smem:$0x7EB] =	sst s25  }
0x30: {  	s18 =	simm.s32 $0x1C00;
	s7 =	sshrl.u32 s11, $0x3;
	[smem:$0x7EC] =	sst s5  }
0x31: {  	s26 =	simm.s32 $0x8800;
	s9 =	sshrl.u32 s12, $0x3;
	[smem:$0x7ED] =	sst s7  }
0x32: {  	s8 =	simm.s32 $0x1900;
	s11 =	sshrl.u32 s13, $0x3;
	[smem:$0x7EE] =	sst s9  }
0x33: {  	s22 =	simm.s32 $0x1000;
	s10 =	simm.s32 $0x780;
	[smem:$0x7EF] =	sst s11  }
0x34: {  	s3 =	simm.s32 $0xA00;
	s13 =	sshrl.u32 s14, $0x3;
	[smem:$0x7F0] =	sst s10  }
0x35: {  	s12 =	simm.s32 $0x1680;
	s14 =	simm.s32 $0x800;
	[smem:$0x7F1] =	sst s13  }
0x36: {  	s17 =	sshrl.u32 s15, $0x3;
	s20 =	sshrl.u32 s16, $0x3;
	[smem:$0x7F2] =	sst s12  }
0x37: {  	s0 =	simm.s32 $0x6;
	s6 =	simm.s32 $0xA80;
	[smem:$0x7F3] =	sst s17  }
0x38: {  	s15 =	simm.s32 $0xC00;
	s16 =	simm.s32 $0x1B00;
	[smem:$0x7F4] =	sst s14  }
0x39: {  	[smem:$0x7F5] =	sst s20;
	s20 =	simm.s32 $0x1;
	s23 =	simm.s32 $0x900  }
0x3a: {  	s25 =	simm.s32 $0x980;
	s9 =	simm.s32 $0x1980;
	s11 =	simm.s32 $0xB00  }
0x3b: {  	s12 =	simm.s32 $0x1A00;
	s13 =	simm.s32 $0xB80;
	s14 =	simm.s32 $0x1A80  }
0x3c: {  	s17 =	simm.s32 $0x1B80;
	s7 =	simm.s32 $0x0;
	[smem:$0x7F9] =	sst s23  }
0x3d: {  	s23 =	simm.s32 $0x64;
	[smem:$0x7FB] =	sst s25;
	s25 =	simm.s32 $0x5400  }
.LBB2_1:
0x3e: {  	[smem:$0x7E4] =	sst s7  }
0x3f: {  	s5 =	sld [smem:$0x7E5]  }
0x40: {  	s7 =	sld [smem:$0x7E7];
	_ =	sdelay $0x2  }
0x41: {  	[spmem:s19], [sflag:s7] =	dma.local [hbm:s5], $0x400  }
0x42: {  	s10 =	sld [smem:$0x7EA];
	_ =	sdelay $0x2  }
0x43: {  	[spmem:s10], [sflag:s7] =	dma.local [hbm:s5], $0x400  }
0x44: {  	s10 =	sld [smem:$0x7EB];
	_ =	sdelay $0x2  }
0x45: {  	[spmem:s10], [sflag:s7] =	dma.local [hbm:s5], $0x400  }
0x46: {  	s10 =	sld [smem:$0x7EC];
	_ =	sdelay $0x2  }
0x47: {  	[spmem:s10], [sflag:s7] =	dma.local [hbm:s5], $0x400  }
0x48: {  	s10 =	sld [smem:$0x7ED];
	_ =	sdelay $0x2  }
0x49: {  	[spmem:s10], [sflag:s7] =	dma.local [hbm:s5], $0x400  }
0x4a: {  	s10 =	sld [smem:$0x7EE];
	_ =	sdelay $0x2  }
0x4b: {  	[spmem:s10], [sflag:s7] =	dma.local [hbm:s5], $0x400  }
0x4c: {  	s10 =	sld [smem:$0x7EF];
	_ =	sdelay $0x2  }
0x4d: {  	[spmem:s10], [sflag:s7] =	dma.local [hbm:s5], $0x400  }
0x4e: {  	s10 =	sld [smem:$0x7F1];
	_ =	sdelay $0x2  }
0x4f: {  	[spmem:s10], [sflag:s7] =	dma.local [hbm:s5], $0x400  }
0x50: {  	s10 =	sld [smem:$0x7F3];
	_ =	sdelay $0x2  }
0x51: {  	[spmem:s10], [sflag:s7] =	dma.local [hbm:s5], $0x400  }
0x52: {  	s10 =	sld [smem:$0x7F5];
	_ =	sdelay $0x2  }
0x53: {  	[spmem:s10], [sflag:s7] =	dma.local [hbm:s5], $0x400  }
0x54: {  	_ =	swait.ge [sflag:s20], $0x400  }
0x55: {  	[sflag:s20] =	ssyncset.done $0x0  }
0x56: {  	[sflag:s20] =	ssyncadd.s32 $0xFFFFFC00  }
0x57: {  	_ =	swait.ge [sflag:s20], $0x400  }
0x58: {  	[sflag:s20] =	ssyncset.done $0x0  }
0x59: {  	[sflag:s20] =	ssyncadd.s32 $0xFFFFFC00  }
0x5a: {  	_ =	swait.ge [sflag:s20], $0x400  }
0x5b: {  	[sflag:s20] =	ssyncset.done $0x0  }
0x5c: {  	[sflag:s20] =	ssyncadd.s32 $0xFFFFFC00  }
0x5d: {  	_ =	swait.ge [sflag:s20], $0x400  }
0x5e: {  	[sflag:s20] =	ssyncset.done $0x0  }
0x5f: {  	[sflag:s20] =	ssyncadd.s32 $0xFFFFFC00  }
0x60: {  	_ =	swait.ge [sflag:s20], $0x400  }
0x61: {  	[sflag:s20] =	ssyncset.done $0x0  }
0x62: {  	[sflag:s20] =	ssyncadd.s32 $0xFFFFFC00  }
0x63: {  	_ =	swait.ge [sflag:s20], $0x400  }
0x64: {  	[sflag:s20] =	ssyncset.done $0x0  }
0x65: {  	[sflag:s20] =	ssyncadd.s32 $0xFFFFFC00  }
0x66: {  	_ =	swait.ge [sflag:s20], $0x400  }
0x67: {  	[sflag:s20] =	ssyncset.done $0x0  }
0x68: {  	[sflag:s20] =	ssyncadd.s32 $0xFFFFFC00  }
0x69: {  	_ =	swait.ge [sflag:s20], $0x400  }
0x6a: {  	[sflag:s20] =	ssyncset.done $0x0  }
0x6b: {  	[sflag:s20] =	ssyncadd.s32 $0xFFFFFC00  }
0x6c: {  	_ =	swait.ge [sflag:s20], $0x400  }
0x6d: {  	[sflag:s20] =	ssyncset.done $0x0  }
0x6e: {  	[sflag:s20] =	ssyncadd.s32 $0xFFFFFC00  }
0x6f: {  	_ =	swait.ge [sflag:s20], $0x400  }
0x70: {  	[sflag:s20] =	ssyncset.done $0x0  }
0x71: {  	[sflag:s20] =	ssyncadd.s32 $0xFFFFFC00  }
0x72: {  	[bflag:$0x0] =	sbarrier.arrive $0xFFFF  }
0x73: {  	s7 =	rddreg [dreg:$0x5]  }
0x74: {  	s5 =	sadd.s32 $0x0, s7  }
0x75: {  	[tilespmem:s4], [sflag:$0x7] =	stream.linear.gather [hbm4b:s5+s4], $0xC80, $0x38;
	[tilespmem:$0x1FC00] =	vst v63  }
0x76: {  	_ =	swait.ge [sflag:s21], $0xC80  }
0x77: {  	s10 =	rddreg [dreg:$0x4];
	[sflag:s21] =	ssyncset.done $0x0  }
0x78: {  	[sflag:s21] =	ssyncadd.s32 $0xFFFFF380;
	s5 =	sadd.s32 $0x0, s10  }
0x79: {  	[tilespmem:s22], [sflag:$0x7] =	stream.linear.gather [hbm4b:s5+s4], $0xC80, $0x38;
	[tilespmem:$0x1FC00] =	vst v63  }
0x7a: {  	_ =	swait.ge [sflag:s21], $0xC80  }
0x7b: {  	[sflag:s21] =	ssyncset.done $0x0  }
0x7c: {  	[sflag:s21] =	ssyncadd.s32 $0xFFFFF380  }
0x7d: {  	[tilespmem:s24], [sflag:$0x1] =	stream.indirect.gather [hbm4b:s1+s23], $0x80, s4, s23, $0xb8;
	[tilespmem:$0x1FC00] =	vst v63  }
0x7e: {  	s19 =	rddreg [dreg:$0x6]  }
0x7f: {  	[tilespmem:s25], [sflag:$0x2] =	stream.indirect.gather [hbm4b:s1+s23], $0x80, s19, s23, $0xb8;
	[tilespmem:$0x1FC00] =	vst v63  }
0x80: {  	s7 =	rddreg [dreg:$0x7]  }
0x81: {  	[tilespmem:s26], [sflag:$0x3] =	stream.indirect.gather [hbm4b:s1+s23], $0x80, s7, s23, $0xb8;
	[tilespmem:$0x1FC00] =	vst v63  }
0x82: {  	_ =	swait.ge [sflag:s20], $0x3200  }
0x83: {  	[sflag:s20] =	ssyncset.done $0x0  }
0x84: {  	[sflag:s20] =	ssyncadd.s32 $0xFFFFCE00  }
0x85: {  	[spmem:s2] =	stream.indirect.scatter.add.f32 [tilespmem:s24], [sflag:$0x4], $0x80, s22, s23, $0xb8;
	[tilespmem:$0x1FC00] =	vst v63  }
0x86: {  	_ =	swait.ge [sflag:s28], $0x3200  }
0x87: {  	[sflag:s28] =	ssyncset.done $0x0  }
0x88: {  	s19 =	rddreg [dreg:$0x8];
	[sflag:s28] =	ssyncadd.s32 $0xFFFFCE00  }
0x89: {  	[tilespmem:s24], [sflag:$0x1] =	stream.indirect.gather [hbm4b:s1+s23], $0x80, s19, s23, $0xb8;
	[tilespmem:$0x1FC00] =	vst v63  }
0x8a: {  	_ =	swait.ge [sflag:s29], $0x3200  }
0x8b: {  	[sflag:s29] =	ssyncset.done $0x0  }
0x8c: {  	s7 =	rddreg [dreg:$0x9];
	[sflag:s29] =	ssyncadd.s32 $0xFFFFCE00  }
0x8d: {  	[spmem:s2] =	stream.indirect.scatter.add.f32 [tilespmem:s25], [sflag:$0x5], $0x80, s7, s23, $0xb8;
	[tilespmem:$0x1FC00] =	vst v63  }
0x8e: {  	_ =	swait.ge [sflag:s30], $0x3200  }
0x8f: {  	[sflag:s30] =	ssyncset.done $0x0  }
0x90: {  	s10 =	rddreg [dreg:$0xa];
	[sflag:s30] =	ssyncadd.s32 $0xFFFFCE00  }
0x91: {  	[tilespmem:s25], [sflag:$0x2] =	stream.indirect.gather [hbm4b:s1+s23], $0x80, s10, s23, $0xb8;
	[tilespmem:$0x1FC00] =	vst v63  }
0x92: {  	_ =	swait.ge [sflag:s31], $0x3200  }
0x93: {  	[sflag:s31] =	ssyncset.done $0x0  }
0x94: {  	s19 =	rddreg [dreg:$0xb];
	[sflag:s31] =	ssyncadd.s32 $0xFFFFCE00  }
0x95: {  	[spmem:s2] =	stream.indirect.scatter.add.f32 [tilespmem:s26], [sflag:$0x6], $0x80, s19, s23, $0xb8;
	[tilespmem:$0x1FC00] =	vst v63  }
0x96: {  	_ =	swait.ge [sflag:s0], $0x3200  }
0x97: {  	[sflag:s0] =	ssyncset.done $0x0  }
0x98: {  	s7 =	rddreg [dreg:$0xc];
	[sflag:s0] =	ssyncadd.s32 $0xFFFFCE00  }
0x99: {  	[tilespmem:s26], [sflag:$0x3] =	stream.indirect.gather [hbm4b:s1+s23], $0x80, s7, s23, $0xb8;
	[tilespmem:$0x1FC00] =	vst v63  }
0x9a: {  	_ =	swait.ge [sflag:s20], $0x3200  }
0x9b: {  	[sflag:s20] =	ssyncset.done $0x0  }
0x9c: {  	s10 =	rddreg [dreg:$0xd];
	[sflag:s20] =	ssyncadd.s32 $0xFFFFCE00  }
0x9d: {  	[spmem:s2] =	stream.indirect.scatter.add.f32 [tilespmem:s24], [sflag:$0x4], $0x80, s10, s23, $0xb8;
	[tilespmem:$0x1FC00] =	vst v63  }
0x9e: {  	_ =	swait.ge [sflag:s28], $0x3200  }
0x9f: {  	[sflag:s28] =	ssyncset.done $0x0  }
0xa0: {  	s19 =	rddreg [dreg:$0xe];
	[sflag:s28] =	ssyncadd.s32 $0xFFFFCE00  }
0xa1: {  	[tilespmem:s24], [sflag:$0x1] =	stream.indirect.gather [hbm4b:s1+s23], $0x80, s19, s23, $0xb8;
	[tilespmem:$0x1FC00] =	vst v63  }
0xa2: {  	_ =	swait.ge [sflag:s29], $0x3200  }
0xa3: {  	[sflag:s29] =	ssyncset.done $0x0  }
0xa4: {  	s7 =	rddreg [dreg:$0xf];
	[sflag:s29] =	ssyncadd.s32 $0xFFFFCE00  }
0xa5: {  	[spmem:s2] =	stream.indirect.scatter.add.f32 [tilespmem:s25], [sflag:$0x5], $0x80, s7, s23, $0xb8;
	[tilespmem:$0x1FC00] =	vst v63  }
0xa6: {  	_ =	swait.ge [sflag:s30], $0x3200  }
0xa7: {  	[sflag:s30] =	ssyncset.done $0x0  }
0xa8: {  	s10 =	rddreg [dreg:$0x10];
	[sflag:s30] =	ssyncadd.s32 $0xFFFFCE00  }
0xa9: {  	[tilespmem:s25], [sflag:$0x2] =	stream.indirect.gather [hbm4b:s1+s23], $0x80, s10, s23, $0xb8;
	[tilespmem:$0x1FC00] =	vst v63  }
0xaa: {  	_ =	swait.ge [sflag:s31], $0x3200  }
0xab: {  	[sflag:s31] =	ssyncset.done $0x0  }
0xac: {  	s19 =	rddreg [dreg:$0x11];
	[sflag:s31] =	ssyncadd.s32 $0xFFFFCE00  }
0xad: {  	[spmem:s2] =	stream.indirect.scatter.add.f32 [tilespmem:s26], [sflag:$0x6], $0x80, s19, s23, $0xb8;
	[tilespmem:$0x1FC00] =	vst v63  }
0xae: {  	_ =	swait.ge [sflag:s0], $0x3200  }
0xaf: {  	[sflag:s0] =	ssyncset.done $0x0  }
0xb0: {  	s7 =	rddreg [dreg:$0x12];
	[sflag:s0] =	ssyncadd.s32 $0xFFFFCE00  }
0xb1: {  	[tilespmem:s26], [sflag:$0x3] =	stream.indirect.gather [hbm4b:s1+s23], $0x80, s7, s23, $0xb8;
	[tilespmem:$0x1FC00] =	vst v63  }
0xb2: {  	_ =	swait.ge [sflag:s20], $0x3200  }
0xb3: {  	[sflag:s20] =	ssyncset.done $0x0  }
0xb4: {  	s10 =	rddreg [dreg:$0x13];
	[sflag:s20] =	ssyncadd.s32 $0xFFFFCE00  }
0xb5: {  	[spmem:s2] =	stream.indirect.scatter.add.f32 [tilespmem:s24], [sflag:$0x4], $0x80, s10, s23, $0xb8;
	[tilespmem:$0x1FC00] =	vst v63  }
0xb6: {  	_ =	swait.ge [sflag:s28], $0x3200  }
0xb7: {  	[sflag:s28] =	ssyncset.done $0x0  }
0xb8: {  	s19 =	rddreg [dreg:$0x14];
	[sflag:s28] =	ssyncadd.s32 $0xFFFFCE00  }
0xb9: {  	[tilespmem:s24], [sflag:$0x1] =	stream.indirect.gather [hbm4b:s1+s23], $0x80, s19, s23, $0xb8;
	[tilespmem:$0x1FC00] =	vst v63  }
0xba: {  	_ =	swait.ge [sflag:s29], $0x3200  }
0xbb: {  	[sflag:s29] =	ssyncset.done $0x0  }
0xbc: {  	s7 =	rddreg [dreg:$0x15];
	[sflag:s29] =	ssyncadd.s32 $0xFFFFCE00  }
0xbd: {  	[spmem:s2] =	stream.indirect.scatter.add.f32 [tilespmem:s25], [sflag:$0x5], $0x80, s7, s23, $0xb8;
	[tilespmem:$0x1FC00] =	vst v63  }
0xbe: {  	_ =	swait.ge [sflag:s30], $0x3200  }
0xbf: {  	[sflag:s30] =	ssyncset.done $0x0  }
0xc0: {  	s10 =	rddreg [dreg:$0x16];
	[sflag:s30] =	ssyncadd.s32 $0xFFFFCE00  }
0xc1: {  	[tilespmem:s25], [sflag:$0x2] =	stream.indirect.gather [hbm4b:s1+s23], $0x80, s10, s23, $0xb8;
	[tilespmem:$0x1FC00] =	vst v63  }
0xc2: {  	_ =	swait.ge [sflag:s31], $0x3200  }
0xc3: {  	[sflag:s31] =	ssyncset.done $0x0  }
0xc4: {  	s19 =	rddreg [dreg:$0x17];
	[sflag:s31] =	ssyncadd.s32 $0xFFFFCE00  }
0xc5: {  	[spmem:s2] =	stream.indirect.scatter.add.f32 [tilespmem:s26], [sflag:$0x6], $0x80, s19, s23, $0xb8;
	[tilespmem:$0x1FC00] =	vst v63  }
0xc6: {  	_ =	swait.ge [sflag:s0], $0x3200  }
0xc7: {  	[sflag:s0] =	ssyncset.done $0x0  }
0xc8: {  	s7 =	rddreg [dreg:$0x18];
	[sflag:s0] =	ssyncadd.s32 $0xFFFFCE00  }
0xc9: {  	[tilespmem:s26], [sflag:$0x3] =	stream.indirect.gather [hbm4b:s1+s23], $0x80, s7, s23, $0xb8;
	[tilespmem:$0x1FC00] =	vst v63  }
0xca: {  	_ =	swait.ge [sflag:s20], $0x3200  }
0xcb: {  	[sflag:s20] =	ssyncset.done $0x0  }
0xcc: {  	s10 =	rddreg [dreg:$0x19];
	[sflag:s20] =	ssyncadd.s32 $0xFFFFCE00  }
0xcd: {  	[spmem:s2] =	stream.indirect.scatter.add.f32 [tilespmem:s24], [sflag:$0x4], $0x80, s10, s23, $0xb8;
	[tilespmem:$0x1FC00] =	vst v63  }
0xce: {  	_ =	swait.ge [sflag:s28], $0x3200  }
0xcf: {  	[sflag:s28] =	ssyncset.done $0x0  }
0xd0: {  	s19 =	rddreg [dreg:$0x1a];
	[sflag:s28] =	ssyncadd.s32 $0xFFFFCE00  }
0xd1: {  	[tilespmem:s24], [sflag:$0x1] =	stream.indirect.gather [hbm4b:s1+s23], $0x80, s19, s23, $0xb8;
	[tilespmem:$0x1FC00] =	vst v63  }
0xd2: {  	_ =	swait.ge [sflag:s29], $0x3200  }
0xd3: {  	[sflag:s29] =	ssyncset.done $0x0  }
0xd4: {  	s7 =	rddreg [dreg:$0x1b];
	[sflag:s29] =	ssyncadd.s32 $0xFFFFCE00  }
0xd5: {  	[spmem:s2] =	stream.indirect.scatter.add.f32 [tilespmem:s25], [sflag:$0x5], $0x80, s7, s23, $0xb8;
	[tilespmem:$0x1FC00] =	vst v63  }
0xd6: {  	_ =	swait.ge [sflag:s30], $0x3200  }
0xd7: {  	[sflag:s30] =	ssyncset.done $0x0  }
0xd8: {  	s10 =	rddreg [dreg:$0x1c];
	[sflag:s30] =	ssyncadd.s32 $0xFFFFCE00  }
0xd9: {  	[tilespmem:s25], [sflag:$0x2] =	stream.indirect.gather [hbm4b:s1+s23], $0x80, s10, s23, $0xb8;
	[tilespmem:$0x1FC00] =	vst v63  }
0xda: {  	_ =	swait.ge [sflag:s31], $0x3200  }
0xdb: {  	[sflag:s31] =	ssyncset.done $0x0  }
0xdc: {  	s19 =	rddreg [dreg:$0x1d];
	[sflag:s31] =	ssyncadd.s32 $0xFFFFCE00  }
0xdd: {  	[spmem:s2] =	stream.indirect.scatter.add.f32 [tilespmem:s26], [sflag:$0x6], $0x80, s19, s23, $0xb8;
	[tilespmem:$0x1FC00] =	vst v63  }
0xde: {  	_ =	swait.ge [sflag:s0], $0x3200  }
0xdf: {  	[sflag:s0] =	ssyncset.done $0x0  }
0xe0: {  	s7 =	rddreg [dreg:$0x1e];
	[sflag:s0] =	ssyncadd.s32 $0xFFFFCE00  }
0xe1: {  	[tilespmem:s26], [sflag:$0x3] =	stream.indirect.gather [hbm4b:s1+s23], $0x80, s7, s23, $0xb8;
	[tilespmem:$0x1FC00] =	vst v63  }
0xe2: {  	_ =	swait.ge [sflag:s20], $0x3200  }
0xe3: {  	[sflag:s20] =	ssyncset.done $0x0  }
0xe4: {  	s10 =	rddreg [dreg:$0x1f];
	[sflag:s20] =	ssyncadd.s32 $0xFFFFCE00  }
0xe5: {  	[spmem:s2] =	stream.indirect.scatter.add.f32 [tilespmem:s24], [sflag:$0x4], $0x80, s10, s23, $0xb8;
	[tilespmem:$0x1FC00] =	vst v63  }
0xe6: {  	_ =	swait.ge [sflag:s28], $0x3200  }
0xe7: {  	s19 =	sld [smem:$0x7F0]  }
0xe8: {  	[sflag:s28] =	ssyncset.done $0x0  }
0xe9: {  	[sflag:s28] =	ssyncadd.s32 $0xFFFFCE00  }
0xea: {  	[tilespmem:s24], [sflag:$0x1] =	stream.indirect.gather [hbm4b:s1+s23], $0x80, s19, s23, $0xb8;
	[tilespmem:$0x1FC00] =	vst v63  }
0xeb: {  	_ =	swait.ge [sflag:s29], $0x3200  }
0xec: {  	s7 =	sld [smem:$0x7F2]  }
0xed: {  	[sflag:s29] =	ssyncset.done $0x0  }
0xee: {  	[sflag:s29] =	ssyncadd.s32 $0xFFFFCE00  }
0xef: {  	[spmem:s2] =	stream.indirect.scatter.add.f32 [tilespmem:s25], [sflag:$0x5], $0x80, s7, s23, $0xb8;
	[tilespmem:$0x1FC00] =	vst v63  }
0xf0: {  	_ =	swait.ge [sflag:s30], $0x3200  }
0xf1: {  	s10 =	sld [smem:$0x7F4]  }
0xf2: {  	[sflag:s30] =	ssyncset.done $0x0  }
0xf3: {  	[sflag:s30] =	ssyncadd.s32 $0xFFFFCE00  }
0xf4: {  	[tilespmem:s25], [sflag:$0x2] =	stream.indirect.gather [hbm4b:s1+s23], $0x80, s10, s23, $0xb8;
	[tilespmem:$0x1FC00] =	vst v63  }
0xf5: {  	_ =	swait.ge [sflag:s31], $0x3200  }
0xf6: {  	s19 =	sld [smem:$0x7F6]  }
0xf7: {  	[sflag:s31] =	ssyncset.done $0x0  }
0xf8: {  	[sflag:s31] =	ssyncadd.s32 $0xFFFFCE00  }
0xf9: {  	[spmem:s2] =	stream.indirect.scatter.add.f32 [tilespmem:s26], [sflag:$0x6], $0x80, s19, s23, $0xb8;
	[tilespmem:$0x1FC00] =	vst v63  }
0xfa: {  	_ =	swait.ge [sflag:s0], $0x3200  }
0xfb: {  	s7 =	sld [smem:$0x7F7]  }
0xfc: {  	[sflag:s0] =	ssyncset.done $0x0  }
0xfd: {  	[sflag:s0] =	ssyncadd.s32 $0xFFFFCE00  }
0xfe: {  	[tilespmem:s26], [sflag:$0x3] =	stream.indirect.gather [hbm4b:s1+s23], $0x80, s7, s23, $0xb8;
	[tilespmem:$0x1FC00] =	vst v63  }
0xff: {  	_ =	swait.ge [sflag:s20], $0x3200  }
0x100: {  	s10 =	sld [smem:$0x7F8]  }
0x101: {  	[sflag:s20] =	ssyncset.done $0x0  }
0x102: {  	[sflag:s20] =	ssyncadd.s32 $0xFFFFCE00  }
0x103: {  	[spmem:s2] =	stream.indirect.scatter.add.f32 [tilespmem:s24], [sflag:$0x4], $0x80, s10, s23, $0xb8;
	[tilespmem:$0x1FC00] =	vst v63  }
0x104: {  	_ =	swait.ge [sflag:s28], $0x3200  }
0x105: {  	s19 =	sld [smem:$0x7F9]  }
0x106: {  	[sflag:s28] =	ssyncset.done $0x0  }
0x107: {  	[sflag:s28] =	ssyncadd.s32 $0xFFFFCE00  }
0x108: {  	[tilespmem:s24], [sflag:$0x1] =	stream.indirect.gather [hbm4b:s1+s23], $0x80, s19, s23, $0xb8;
	[tilespmem:$0x1FC00] =	vst v63  }
0x109: {  	_ =	swait.ge [sflag:s29], $0x3200  }
0x10a: {  	s7 =	sld [smem:$0x7FA]  }
0x10b: {  	[sflag:s29] =	ssyncset.done $0x0  }
0x10c: {  	[sflag:s29] =	ssyncadd.s32 $0xFFFFCE00  }
0x10d: {  	[spmem:s2] =	stream.indirect.scatter.add.f32 [tilespmem:s25], [sflag:$0x5], $0x80, s7, s23, $0xb8;
	[tilespmem:$0x1FC00] =	vst v63  }
0x10e: {  	_ =	swait.ge [sflag:s30], $0x3200  }
0x10f: {  	s10 =	sld [smem:$0x7FB]  }
0x110: {  	[sflag:s30] =	ssyncset.done $0x0  }
0x111: {  	[sflag:s30] =	ssyncadd.s32 $0xFFFFCE00  }
0x112: {  	[tilespmem:s25], [sflag:$0x2] =	stream.indirect.gather [hbm4b:s1+s23], $0x80, s10, s23, $0xb8;
	[tilespmem:$0x1FC00] =	vst v63  }
0x113: {  	_ =	swait.ge [sflag:s31], $0x3200  }
0x114: {  	s19 =	sld [smem:$0x7FC]  }
0x115: {  	[sflag:s31] =	ssyncset.done $0x0  }
0x116: {  	[sflag:s31] =	ssyncadd.s32 $0xFFFFCE00  }
0x117: {  	[spmem:s2] =	stream.indirect.scatter.add.f32 [tilespmem:s26], [sflag:$0x6], $0x80, s19, s23, $0xb8;
	[tilespmem:$0x1FC00] =	vst v63  }
0x118: {  	_ =	swait.ge [sflag:s0], $0x3200  }
0x119: {  	[sflag:s0] =	ssyncset.done $0x0  }
0x11a: {  	[sflag:s0] =	ssyncadd.s32 $0xFFFFCE00  }
0x11b: {  	[tilespmem:s26], [sflag:$0x3] =	stream.indirect.gather [hbm4b:s1+s23], $0x80, s3, s23, $0xb8;
	[tilespmem:$0x1FC00] =	vst v63  }
0x11c: {  	_ =	swait.ge [sflag:s20], $0x3200  }
0x11d: {  	[sflag:s20] =	ssyncset.done $0x0  }
0x11e: {  	[sflag:s20] =	ssyncadd.s32 $0xFFFFCE00  }
0x11f: {  	[spmem:s2] =	stream.indirect.scatter.add.f32 [tilespmem:s24], [sflag:$0x4], $0x80, s8, s23, $0xb8;
	[tilespmem:$0x1FC00] =	vst v63  }
0x120: {  	_ =	swait.ge [sflag:s28], $0x3200  }
0x121: {  	[sflag:s28] =	ssyncset.done $0x0  }
0x122: {  	[sflag:s28] =	ssyncadd.s32 $0xFFFFCE00  }
0x123: {  	[tilespmem:s24], [sflag:$0x1] =	stream.indirect.gather [hbm4b:s1+s23], $0x80, s6, s23, $0xb8;
	[tilespmem:$0x1FC00] =	vst v63  }
0x124: {  	_ =	swait.ge [sflag:s29], $0x3200  }
0x125: {  	[sflag:s29] =	ssyncset.done $0x0  }
0x126: {  	[sflag:s29] =	ssyncadd.s32 $0xFFFFCE00  }
0x127: {  	[spmem:s2] =	stream.indirect.scatter.add.f32 [tilespmem:s25], [sflag:$0x5], $0x80, s9, s23, $0xb8;
	[tilespmem:$0x1FC00] =	vst v63  }
0x128: {  	_ =	swait.ge [sflag:s30], $0x3200  }
0x129: {  	[sflag:s30] =	ssyncset.done $0x0  }
0x12a: {  	[sflag:s30] =	ssyncadd.s32 $0xFFFFCE00  }
0x12b: {  	[tilespmem:s25], [sflag:$0x2] =	stream.indirect.gather [hbm4b:s1+s23], $0x80, s11, s23, $0xb8;
	[tilespmem:$0x1FC00] =	vst v63  }
0x12c: {  	_ =	swait.ge [sflag:s31], $0x3200  }
0x12d: {  	[sflag:s31] =	ssyncset.done $0x0  }
0x12e: {  	[sflag:s31] =	ssyncadd.s32 $0xFFFFCE00  }
0x12f: {  	[spmem:s2] =	stream.indirect.scatter.add.f32 [tilespmem:s26], [sflag:$0x6], $0x80, s12, s23, $0xb8;
	[tilespmem:$0x1FC00] =	vst v63  }
0x130: {  	_ =	swait.ge [sflag:s0], $0x3200  }
0x131: {  	[sflag:s0] =	ssyncset.done $0x0  }
0x132: {  	[sflag:s0] =	ssyncadd.s32 $0xFFFFCE00  }
0x133: {  	[tilespmem:s26], [sflag:$0x3] =	stream.indirect.gather [hbm4b:s1+s23], $0x80, s13, s23, $0xb8;
	[tilespmem:$0x1FC00] =	vst v63  }
0x134: {  	_ =	swait.ge [sflag:s20], $0x3200  }
0x135: {  	[sflag:s20] =	ssyncset.done $0x0  }
0x136: {  	[sflag:s20] =	ssyncadd.s32 $0xFFFFCE00  }
0x137: {  	[spmem:s2] =	stream.indirect.scatter.add.f32 [tilespmem:s24], [sflag:$0x4], $0x80, s14, s23, $0xb8;
	[tilespmem:$0x1FC00] =	vst v63  }
0x138: {  	_ =	swait.ge [sflag:s28], $0x3200  }
0x139: {  	[sflag:s28] =	ssyncset.done $0x0  }
0x13a: {  	[sflag:s28] =	ssyncadd.s32 $0xFFFFCE00  }
0x13b: {  	[tilespmem:s24], [sflag:$0x1] =	stream.indirect.gather [hbm4b:s1+s23], $0x80, s15, s23, $0xb8;
	[tilespmem:$0x1FC00] =	vst v63  }
0x13c: {  	_ =	swait.ge [sflag:s29], $0x3200  }
0x13d: {  	[sflag:s29] =	ssyncset.done $0x0  }
0x13e: {  	[sflag:s29] =	ssyncadd.s32 $0xFFFFCE00  }
0x13f: {  	[spmem:s2] =	stream.indirect.scatter.add.f32 [tilespmem:s25], [sflag:$0x5], $0x80, s16, s23, $0xb8;
	[tilespmem:$0x1FC00] =	vst v63  }
0x140: {  	_ =	swait.ge [sflag:s31], $0x3200  }
0x141: {  	[sflag:s31] =	ssyncset.done $0x0  }
0x142: {  	[sflag:s31] =	ssyncadd.s32 $0xFFFFCE00  }
0x143: {  	[spmem:s2] =	stream.indirect.scatter.add.f32 [tilespmem:s26], [sflag:$0x6], $0x80, s17, s23, $0xb8;
	[tilespmem:$0x1FC00] =	vst v63  }
0x144: {  	_ =	swait.ge [sflag:s20], $0x3200  }
0x145: {  	[sflag:s20] =	ssyncset.done $0x0  }
0x146: {  	[sflag:s20] =	ssyncadd.s32 $0xFFFFCE00  }
0x147: {  	[spmem:s2] =	stream.indirect.scatter.add.f32 [tilespmem:s24], [sflag:$0x4], $0x80, s18, s23, $0xb8;
	[tilespmem:$0x1FC00] =	vst v63  }
0x148: {  	_ =	swait.ge [sflag:s30], $0x3200  }
0x149: {  	[sflag:s30] =	ssyncset.done $0x0  }
0x14a: {  	[sflag:s30] =	ssyncadd.s32 $0xFFFFCE00  }
0x14b: {  	_ =	swait.ge [sflag:s0], $0x3200  }
0x14c: {  	[sflag:s0] =	ssyncset.done $0x0  }
0x14d: {  	[sflag:s0] =	ssyncadd.s32 $0xFFFFCE00  }
0x14e: {  	s10 =	simm.s32 $0x200;
	_ =	swait.ge [sflag:s28], $0x3200  }
0x14f: {  	s19 =	simm.s32 $0x400;
	s5 =	rddreg [dreg:$0x5];
	[sflag:s28] =	ssyncset.done $0x0  }
.LBB2_2:
0x150: {  	[sflag:s28] =	ssyncadd.s32 $0xFFFFCE00;
	s5 =	sadd.s32 s10, s5  }
0x151: {  	[tilespmem:s4], [sflag:$0x7] =	stream.linear.gather [hbm4b:s5+s4], $0xC80, $0x38;
	[tilespmem:$0x1FC00] =	vst v63  }
0x152: {  	_ =	swait.ge [sflag:s21], $0xC80  }
0x153: {  	s5 =	rddreg [dreg:$0x4];
	[sflag:s21] =	ssyncset.done $0x0  }
0x154: {  	[sflag:s21] =	ssyncadd.s32 $0xFFFFF380;
	s5 =	sadd.s32 s10, s5  }
0x155: {  	[tilespmem:s22], [sflag:$0x7] =	stream.linear.gather [hbm4b:s5+s4], $0xC80, $0x38;
	[tilespmem:$0x1FC00] =	vst v63  }
0x156: {  	_ =	swait.ge [sflag:s21], $0xC80  }
0x157: {  	[sflag:s21] =	ssyncset.done $0x0  }
0x158: {  	[sflag:s21] =	ssyncadd.s32 $0xFFFFF380  }
0x159: {  	[tilespmem:s24], [sflag:$0x1] =	stream.indirect.gather [hbm4b:s1+s23], $0x80, s4, s23, $0xb8;
	[tilespmem:$0x1FC00] =	vst v63  }
0x15a: {  	s7 =	smov.u32 s19;
	s5 =	rddreg [dreg:$0x6]  }
0x15b: {  	[tilespmem:s25], [sflag:$0x2] =	stream.indirect.gather [hbm4b:s1+s23], $0x80, s5, s23, $0xb8;
	[tilespmem:$0x1FC00] =	vst v63  }
0x15c: {  	s10 =	smov.u32 s7;
	s7 =	rddreg [dreg:$0x7]  }
0x15d: {  	[tilespmem:s26], [sflag:$0x3] =	stream.indirect.gather [hbm4b:s1+s23], $0x80, s7, s23, $0xb8;
	[tilespmem:$0x1FC00] =	vst v63  }
0x15e: {  	_ =	swait.ge [sflag:s20], $0x3200  }
0x15f: {  	[sflag:s20] =	ssyncset.done $0x0  }
0x160: {  	[sflag:s20] =	ssyncadd.s32 $0xFFFFCE00  }
0x161: {  	[spmem:s2] =	stream.indirect.scatter.add.f32 [tilespmem:s24], [sflag:$0x4], $0x80, s22, s23, $0xb8;
	[tilespmem:$0x1FC00] =	vst v63  }
0x162: {  	_ =	swait.ge [sflag:s28], $0x3200  }
0x163: {  	[sflag:s28] =	ssyncset.done $0x0  }
0x164: {  	s7 =	rddreg [dreg:$0x8];
	[sflag:s28] =	ssyncadd.s32 $0xFFFFCE00  }
0x165: {  	[tilespmem:s24], [sflag:$0x1] =	stream.indirect.gather [hbm4b:s1+s23], $0x80, s7, s23, $0xb8;
	[tilespmem:$0x1FC00] =	vst v63  }
0x166: {  	_ =	swait.ge [sflag:s29], $0x3200  }
0x167: {  	[sflag:s29] =	ssyncset.done $0x0  }
0x168: {  	s7 =	rddreg [dreg:$0x9];
	[sflag:s29] =	ssyncadd.s32 $0xFFFFCE00  }
0x169: {  	[spmem:s2] =	stream.indirect.scatter.add.f32 [tilespmem:s25], [sflag:$0x5], $0x80, s7, s23, $0xb8;
	[tilespmem:$0x1FC00] =	vst v63  }
0x16a: {  	_ =	swait.ge [sflag:s30], $0x3200  }
0x16b: {  	[sflag:s30] =	ssyncset.done $0x0  }
0x16c: {  	s7 =	rddreg [dreg:$0xa];
	[sflag:s30] =	ssyncadd.s32 $0xFFFFCE00  }
0x16d: {  	[tilespmem:s25], [sflag:$0x2] =	stream.indirect.gather [hbm4b:s1+s23], $0x80, s7, s23, $0xb8;
	[tilespmem:$0x1FC00] =	vst v63  }
0x16e: {  	_ =	swait.ge [sflag:s31], $0x3200  }
0x16f: {  	[sflag:s31] =	ssyncset.done $0x0  }
0x170: {  	s7 =	rddreg [dreg:$0xb];
	[sflag:s31] =	ssyncadd.s32 $0xFFFFCE00  }
0x171: {  	[spmem:s2] =	stream.indirect.scatter.add.f32 [tilespmem:s26], [sflag:$0x6], $0x80, s7, s23, $0xb8;
	[tilespmem:$0x1FC00] =	vst v63  }
0x172: {  	_ =	swait.ge [sflag:s0], $0x3200  }
0x173: {  	[sflag:s0] =	ssyncset.done $0x0  }
0x174: {  	s7 =	rddreg [dreg:$0xc];
	[sflag:s0] =	ssyncadd.s32 $0xFFFFCE00  }
0x175: {  	[tilespmem:s26], [sflag:$0x3] =	stream.indirect.gather [hbm4b:s1+s23], $0x80, s7, s23, $0xb8;
	[tilespmem:$0x1FC00] =	vst v63  }
0x176: {  	_ =	swait.ge [sflag:s20], $0x3200  }
0x177: {  	[sflag:s20] =	ssyncset.done $0x0  }
0x178: {  	s7 =	rddreg [dreg:$0xd];
	[sflag:s20] =	ssyncadd.s32 $0xFFFFCE00  }
0x179: {  	[spmem:s2] =	stream.indirect.scatter.add.f32 [tilespmem:s24], [sflag:$0x4], $0x80, s7, s23, $0xb8;
	[tilespmem:$0x1FC00] =	vst v63  }
0x17a: {  	_ =	swait.ge [sflag:s28], $0x3200  }
0x17b: {  	[sflag:s28] =	ssyncset.done $0x0  }
0x17c: {  	s7 =	rddreg [dreg:$0xe];
	[sflag:s28] =	ssyncadd.s32 $0xFFFFCE00  }
0x17d: {  	[tilespmem:s24], [sflag:$0x1] =	stream.indirect.gather [hbm4b:s1+s23], $0x80, s7, s23, $0xb8;
	[tilespmem:$0x1FC00] =	vst v63  }
0x17e: {  	_ =	swait.ge [sflag:s29], $0x3200  }
0x17f: {  	[sflag:s29] =	ssyncset.done $0x0  }
0x180: {  	s7 =	rddreg [dreg:$0xf];
	[sflag:s29] =	ssyncadd.s32 $0xFFFFCE00  }
0x181: {  	[spmem:s2] =	stream.indirect.scatter.add.f32 [tilespmem:s25], [sflag:$0x5], $0x80, s7, s23, $0xb8;
	[tilespmem:$0x1FC00] =	vst v63  }
0x182: {  	_ =	swait.ge [sflag:s30], $0x3200  }
0x183: {  	[sflag:s30] =	ssyncset.done $0x0  }
0x184: {  	s7 =	rddreg [dreg:$0x10];
	[sflag:s30] =	ssyncadd.s32 $0xFFFFCE00  }
0x185: {  	[tilespmem:s25], [sflag:$0x2] =	stream.indirect.gather [hbm4b:s1+s23], $0x80, s7, s23, $0xb8;
	[tilespmem:$0x1FC00] =	vst v63  }
0x186: {  	_ =	swait.ge [sflag:s31], $0x3200  }
0x187: {  	[sflag:s31] =	ssyncset.done $0x0  }
0x188: {  	s7 =	rddreg [dreg:$0x11];
	[sflag:s31] =	ssyncadd.s32 $0xFFFFCE00  }
0x189: {  	[spmem:s2] =	stream.indirect.scatter.add.f32 [tilespmem:s26], [sflag:$0x6], $0x80, s7, s23, $0xb8;
	[tilespmem:$0x1FC00] =	vst v63  }
0x18a: {  	_ =	swait.ge [sflag:s0], $0x3200  }
0x18b: {  	[sflag:s0] =	ssyncset.done $0x0  }
0x18c: {  	s7 =	rddreg [dreg:$0x12];
	[sflag:s0] =	ssyncadd.s32 $0xFFFFCE00  }
0x18d: {  	[tilespmem:s26], [sflag:$0x3] =	stream.indirect.gather [hbm4b:s1+s23], $0x80, s7, s23, $0xb8;
	[tilespmem:$0x1FC00] =	vst v63  }
0x18e: {  	_ =	swait.ge [sflag:s20], $0x3200  }
0x18f: {  	[sflag:s20] =	ssyncset.done $0x0  }
0x190: {  	s7 =	rddreg [dreg:$0x13];
	[sflag:s20] =	ssyncadd.s32 $0xFFFFCE00  }
0x191: {  	[spmem:s2] =	stream.indirect.scatter.add.f32 [tilespmem:s24], [sflag:$0x4], $0x80, s7, s23, $0xb8;
	[tilespmem:$0x1FC00] =	vst v63  }
0x192: {  	_ =	swait.ge [sflag:s28], $0x3200  }
0x193: {  	[sflag:s28] =	ssyncset.done $0x0  }
0x194: {  	s7 =	rddreg [dreg:$0x14];
	[sflag:s28] =	ssyncadd.s32 $0xFFFFCE00  }
0x195: {  	[tilespmem:s24], [sflag:$0x1] =	stream.indirect.gather [hbm4b:s1+s23], $0x80, s7, s23, $0xb8;
	[tilespmem:$0x1FC00] =	vst v63  }
0x196: {  	_ =	swait.ge [sflag:s29], $0x3200  }
0x197: {  	[sflag:s29] =	ssyncset.done $0x0  }
0x198: {  	s7 =	rddreg [dreg:$0x15];
	[sflag:s29] =	ssyncadd.s32 $0xFFFFCE00  }
0x199: {  	[spmem:s2] =	stream.indirect.scatter.add.f32 [tilespmem:s25], [sflag:$0x5], $0x80, s7, s23, $0xb8;
	[tilespmem:$0x1FC00] =	vst v63  }
0x19a: {  	_ =	swait.ge [sflag:s30], $0x3200  }
0x19b: {  	[sflag:s30] =	ssyncset.done $0x0  }
0x19c: {  	s7 =	rddreg [dreg:$0x16];
	[sflag:s30] =	ssyncadd.s32 $0xFFFFCE00  }
0x19d: {  	[tilespmem:s25], [sflag:$0x2] =	stream.indirect.gather [hbm4b:s1+s23], $0x80, s7, s23, $0xb8;
	[tilespmem:$0x1FC00] =	vst v63  }
0x19e: {  	_ =	swait.ge [sflag:s31], $0x3200  }
0x19f: {  	[sflag:s31] =	ssyncset.done $0x0  }
0x1a0: {  	s7 =	rddreg [dreg:$0x17];
	[sflag:s31] =	ssyncadd.s32 $0xFFFFCE00  }
0x1a1: {  	[spmem:s2] =	stream.indirect.scatter.add.f32 [tilespmem:s26], [sflag:$0x6], $0x80, s7, s23, $0xb8;
	[tilespmem:$0x1FC00] =	vst v63  }
0x1a2: {  	_ =	swait.ge [sflag:s0], $0x3200  }
0x1a3: {  	[sflag:s0] =	ssyncset.done $0x0  }
0x1a4: {  	s7 =	rddreg [dreg:$0x18];
	[sflag:s0] =	ssyncadd.s32 $0xFFFFCE00  }
0x1a5: {  	[tilespmem:s26], [sflag:$0x3] =	stream.indirect.gather [hbm4b:s1+s23], $0x80, s7, s23, $0xb8;
	[tilespmem:$0x1FC00] =	vst v63  }
0x1a6: {  	_ =	swait.ge [sflag:s20], $0x3200  }
0x1a7: {  	[sflag:s20] =	ssyncset.done $0x0  }
0x1a8: {  	s7 =	rddreg [dreg:$0x19];
	[sflag:s20] =	ssyncadd.s32 $0xFFFFCE00  }
0x1a9: {  	[spmem:s2] =	stream.indirect.scatter.add.f32 [tilespmem:s24], [sflag:$0x4], $0x80, s7, s23, $0xb8;
	[tilespmem:$0x1FC00] =	vst v63  }
0x1aa: {  	_ =	swait.ge [sflag:s28], $0x3200  }
0x1ab: {  	[sflag:s28] =	ssyncset.done $0x0  }
0x1ac: {  	s7 =	rddreg [dreg:$0x1a];
	[sflag:s28] =	ssyncadd.s32 $0xFFFFCE00  }
0x1ad: {  	[tilespmem:s24], [sflag:$0x1] =	stream.indirect.gather [hbm4b:s1+s23], $0x80, s7, s23, $0xb8;
	[tilespmem:$0x1FC00] =	vst v63  }
0x1ae: {  	_ =	swait.ge [sflag:s29], $0x3200  }
0x1af: {  	[sflag:s29] =	ssyncset.done $0x0  }
0x1b0: {  	s7 =	rddreg [dreg:$0x1b];
	[sflag:s29] =	ssyncadd.s32 $0xFFFFCE00  }
0x1b1: {  	[spmem:s2] =	stream.indirect.scatter.add.f32 [tilespmem:s25], [sflag:$0x5], $0x80, s7, s23, $0xb8;
	[tilespmem:$0x1FC00] =	vst v63  }
0x1b2: {  	_ =	swait.ge [sflag:s30], $0x3200  }
0x1b3: {  	[sflag:s30] =	ssyncset.done $0x0  }
0x1b4: {  	s7 =	rddreg [dreg:$0x1c];
	[sflag:s30] =	ssyncadd.s32 $0xFFFFCE00  }
0x1b5: {  	[tilespmem:s25], [sflag:$0x2] =	stream.indirect.gather [hbm4b:s1+s23], $0x80, s7, s23, $0xb8;
	[tilespmem:$0x1FC00] =	vst v63  }
0x1b6: {  	_ =	swait.ge [sflag:s31], $0x3200  }
0x1b7: {  	[sflag:s31] =	ssyncset.done $0x0  }
0x1b8: {  	s7 =	rddreg [dreg:$0x1d];
	[sflag:s31] =	ssyncadd.s32 $0xFFFFCE00  }
0x1b9: {  	[spmem:s2] =	stream.indirect.scatter.add.f32 [tilespmem:s26], [sflag:$0x6], $0x80, s7, s23, $0xb8;
	[tilespmem:$0x1FC00] =	vst v63  }
0x1ba: {  	_ =	swait.ge [sflag:s0], $0x3200  }
0x1bb: {  	[sflag:s0] =	ssyncset.done $0x0  }
0x1bc: {  	s7 =	rddreg [dreg:$0x1e];
	[sflag:s0] =	ssyncadd.s32 $0xFFFFCE00  }
0x1bd: {  	[tilespmem:s26], [sflag:$0x3] =	stream.indirect.gather [hbm4b:s1+s23], $0x80, s7, s23, $0xb8;
	[tilespmem:$0x1FC00] =	vst v63  }
0x1be: {  	_ =	swait.ge [sflag:s20], $0x3200  }
0x1bf: {  	[sflag:s20] =	ssyncset.done $0x0  }
0x1c0: {  	s7 =	rddreg [dreg:$0x1f];
	[sflag:s20] =	ssyncadd.s32 $0xFFFFCE00  }
0x1c1: {  	[spmem:s2] =	stream.indirect.scatter.add.f32 [tilespmem:s24], [sflag:$0x4], $0x80, s7, s23, $0xb8;
	[tilespmem:$0x1FC00] =	vst v63  }
0x1c2: {  	_ =	swait.ge [sflag:s28], $0x3200  }
0x1c3: {  	s7 =	sld [smem:$0x7F0]  }
0x1c4: {  	[sflag:s28] =	ssyncset.done $0x0  }
0x1c5: {  	[sflag:s28] =	ssyncadd.s32 $0xFFFFCE00  }
0x1c6: {  	[tilespmem:s24], [sflag:$0x1] =	stream.indirect.gather [hbm4b:s1+s23], $0x80, s7, s23, $0xb8;
	[tilespmem:$0x1FC00] =	vst v63  }
0x1c7: {  	_ =	swait.ge [sflag:s29], $0x3200  }
0x1c8: {  	s7 =	sld [smem:$0x7F2]  }
0x1c9: {  	[sflag:s29] =	ssyncset.done $0x0  }
0x1ca: {  	[sflag:s29] =	ssyncadd.s32 $0xFFFFCE00  }
0x1cb: {  	[spmem:s2] =	stream.indirect.scatter.add.f32 [tilespmem:s25], [sflag:$0x5], $0x80, s7, s23, $0xb8;
	[tilespmem:$0x1FC00] =	vst v63  }
0x1cc: {  	_ =	swait.ge [sflag:s30], $0x3200  }
0x1cd: {  	s7 =	sld [smem:$0x7F4]  }
0x1ce: {  	[sflag:s30] =	ssyncset.done $0x0  }
0x1cf: {  	[sflag:s30] =	ssyncadd.s32 $0xFFFFCE00  }
0x1d0: {  	[tilespmem:s25], [sflag:$0x2] =	stream.indirect.gather [hbm4b:s1+s23], $0x80, s7, s23, $0xb8;
	[tilespmem:$0x1FC00] =	vst v63  }
0x1d1: {  	_ =	swait.ge [sflag:s31], $0x3200  }
0x1d2: {  	s7 =	sld [smem:$0x7F6]  }
0x1d3: {  	[sflag:s31] =	ssyncset.done $0x0  }
0x1d4: {  	[sflag:s31] =	ssyncadd.s32 $0xFFFFCE00  }
0x1d5: {  	[spmem:s2] =	stream.indirect.scatter.add.f32 [tilespmem:s26], [sflag:$0x6], $0x80, s7, s23, $0xb8;
	[tilespmem:$0x1FC00] =	vst v63  }
0x1d6: {  	_ =	swait.ge [sflag:s0], $0x3200  }
0x1d7: {  	s7 =	sld [smem:$0x7F7]  }
0x1d8: {  	[sflag:s0] =	ssyncset.done $0x0  }
0x1d9: {  	[sflag:s0] =	ssyncadd.s32 $0xFFFFCE00  }
0x1da: {  	[tilespmem:s26], [sflag:$0x3] =	stream.indirect.gather [hbm4b:s1+s23], $0x80, s7, s23, $0xb8;
	[tilespmem:$0x1FC00] =	vst v63  }
0x1db: {  	_ =	swait.ge [sflag:s20], $0x3200  }
0x1dc: {  	s7 =	sld [smem:$0x7F8]  }
0x1dd: {  	[sflag:s20] =	ssyncset.done $0x0  }
0x1de: {  	[sflag:s20] =	ssyncadd.s32 $0xFFFFCE00  }
0x1df: {  	[spmem:s2] =	stream.indirect.scatter.add.f32 [tilespmem:s24], [sflag:$0x4], $0x80, s7, s23, $0xb8;
	[tilespmem:$0x1FC00] =	vst v63  }
0x1e0: {  	_ =	swait.ge [sflag:s28], $0x3200  }
0x1e1: {  	s7 =	sld [smem:$0x7F9]  }
0x1e2: {  	[sflag:s28] =	ssyncset.done $0x0  }
0x1e3: {  	[sflag:s28] =	ssyncadd.s32 $0xFFFFCE00  }
0x1e4: {  	[tilespmem:s24], [sflag:$0x1] =	stream.indirect.gather [hbm4b:s1+s23], $0x80, s7, s23, $0xb8;
	[tilespmem:$0x1FC00] =	vst v63  }
0x1e5: {  	_ =	swait.ge [sflag:s29], $0x3200  }
0x1e6: {  	s7 =	sld [smem:$0x7FA]  }
0x1e7: {  	[sflag:s29] =	ssyncset.done $0x0  }
0x1e8: {  	[sflag:s29] =	ssyncadd.s32 $0xFFFFCE00  }
0x1e9: {  	[spmem:s2] =	stream.indirect.scatter.add.f32 [tilespmem:s25], [sflag:$0x5], $0x80, s7, s23, $0xb8;
	[tilespmem:$0x1FC00] =	vst v63  }
0x1ea: {  	_ =	swait.ge [sflag:s30], $0x3200  }
0x1eb: {  	s7 =	sld [smem:$0x7FB]  }
0x1ec: {  	[sflag:s30] =	ssyncset.done $0x0  }
0x1ed: {  	[sflag:s30] =	ssyncadd.s32 $0xFFFFCE00  }
0x1ee: {  	[tilespmem:s25], [sflag:$0x2] =	stream.indirect.gather [hbm4b:s1+s23], $0x80, s7, s23, $0xb8;
	[tilespmem:$0x1FC00] =	vst v63  }
0x1ef: {  	_ =	swait.ge [sflag:s31], $0x3200  }
0x1f0: {  	s7 =	sld [smem:$0x7FC]  }
0x1f1: {  	[sflag:s31] =	ssyncset.done $0x0  }
0x1f2: {  	[sflag:s31] =	ssyncadd.s32 $0xFFFFCE00  }
0x1f3: {  	[spmem:s2] =	stream.indirect.scatter.add.f32 [tilespmem:s26], [sflag:$0x6], $0x80, s7, s23, $0xb8;
	[tilespmem:$0x1FC00] =	vst v63  }
0x1f4: {  	_ =	swait.ge [sflag:s0], $0x3200  }
0x1f5: {  	[sflag:s0] =	ssyncset.done $0x0  }
0x1f6: {  	[sflag:s0] =	ssyncadd.s32 $0xFFFFCE00  }
0x1f7: {  	[tilespmem:s26], [sflag:$0x3] =	stream.indirect.gather [hbm4b:s1+s23], $0x80, s3, s23, $0xb8;
	[tilespmem:$0x1FC00] =	vst v63  }
0x1f8: {  	_ =	swait.ge [sflag:s20], $0x3200  }
0x1f9: {  	[sflag:s20] =	ssyncset.done $0x0  }
0x1fa: {  	[sflag:s20] =	ssyncadd.s32 $0xFFFFCE00  }
0x1fb: {  	[spmem:s2] =	stream.indirect.scatter.add.f32 [tilespmem:s24], [sflag:$0x4], $0x80, s8, s23, $0xb8;
	[tilespmem:$0x1FC00] =	vst v63  }
0x1fc: {  	_ =	swait.ge [sflag:s28], $0x3200  }
0x1fd: {  	[sflag:s28] =	ssyncset.done $0x0  }
0x1fe: {  	[sflag:s28] =	ssyncadd.s32 $0xFFFFCE00  }
0x1ff: {  	[tilespmem:s24], [sflag:$0x1] =	stream.indirect.gather [hbm4b:s1+s23], $0x80, s6, s23, $0xb8;
	[tilespmem:$0x1FC00] =	vst v63  }
0x200: {  	_ =	swait.ge [sflag:s29], $0x3200  }
0x201: {  	[sflag:s29] =	ssyncset.done $0x0  }
0x202: {  	[sflag:s29] =	ssyncadd.s32 $0xFFFFCE00  }
0x203: {  	[spmem:s2] =	stream.indirect.scatter.add.f32 [tilespmem:s25], [sflag:$0x5], $0x80, s9, s23, $0xb8;
	[tilespmem:$0x1FC00] =	vst v63  }
0x204: {  	_ =	swait.ge [sflag:s30], $0x3200  }
0x205: {  	[sflag:s30] =	ssyncset.done $0x0  }
0x206: {  	[sflag:s30] =	ssyncadd.s32 $0xFFFFCE00  }
0x207: {  	[tilespmem:s25], [sflag:$0x2] =	stream.indirect.gather [hbm4b:s1+s23], $0x80, s11, s23, $0xb8;
	[tilespmem:$0x1FC00] =	vst v63  }
0x208: {  	_ =	swait.ge [sflag:s31], $0x3200  }
0x209: {  	[sflag:s31] =	ssyncset.done $0x0  }
0x20a: {  	[sflag:s31] =	ssyncadd.s32 $0xFFFFCE00  }
0x20b: {  	[spmem:s2] =	stream.indirect.scatter.add.f32 [tilespmem:s26], [sflag:$0x6], $0x80, s12, s23, $0xb8;
	[tilespmem:$0x1FC00] =	vst v63  }
0x20c: {  	_ =	swait.ge [sflag:s0], $0x3200  }
0x20d: {  	[sflag:s0] =	ssyncset.done $0x0  }
0x20e: {  	[sflag:s0] =	ssyncadd.s32 $0xFFFFCE00  }
0x20f: {  	[tilespmem:s26], [sflag:$0x3] =	stream.indirect.gather [hbm4b:s1+s23], $0x80, s13, s23, $0xb8;
	[tilespmem:$0x1FC00] =	vst v63  }
0x210: {  	_ =	swait.ge [sflag:s20], $0x3200  }
0x211: {  	[sflag:s20] =	ssyncset.done $0x0  }
0x212: {  	[sflag:s20] =	ssyncadd.s32 $0xFFFFCE00  }
0x213: {  	[spmem:s2] =	stream.indirect.scatter.add.f32 [tilespmem:s24], [sflag:$0x4], $0x80, s14, s23, $0xb8;
	[tilespmem:$0x1FC00] =	vst v63  }
0x214: {  	_ =	swait.ge [sflag:s28], $0x3200  }
0x215: {  	[sflag:s28] =	ssyncset.done $0x0  }
0x216: {  	[sflag:s28] =	ssyncadd.s32 $0xFFFFCE00  }
0x217: {  	[tilespmem:s24], [sflag:$0x1] =	stream.indirect.gather [hbm4b:s1+s23], $0x80, s15, s23, $0xb8;
	[tilespmem:$0x1FC00] =	vst v63  }
0x218: {  	_ =	swait.ge [sflag:s29], $0x3200  }
0x219: {  	[sflag:s29] =	ssyncset.done $0x0  }
0x21a: {  	[sflag:s29] =	ssyncadd.s32 $0xFFFFCE00  }
0x21b: {  	[spmem:s2] =	stream.indirect.scatter.add.f32 [tilespmem:s25], [sflag:$0x5], $0x80, s16, s23, $0xb8;
	[tilespmem:$0x1FC00] =	vst v63  }
0x21c: {  	_ =	swait.ge [sflag:s31], $0x3200  }
0x21d: {  	[sflag:s31] =	ssyncset.done $0x0  }
0x21e: {  	[sflag:s31] =	ssyncadd.s32 $0xFFFFCE00  }
0x21f: {  	[spmem:s2] =	stream.indirect.scatter.add.f32 [tilespmem:s26], [sflag:$0x6], $0x80, s17, s23, $0xb8;
	[tilespmem:$0x1FC00] =	vst v63  }
0x220: {  	_ =	swait.ge [sflag:s20], $0x3200  }
0x221: {  	[sflag:s20] =	ssyncset.done $0x0  }
0x222: {  	[sflag:s20] =	ssyncadd.s32 $0xFFFFCE00  }
0x223: {  	[spmem:s2] =	stream.indirect.scatter.add.f32 [tilespmem:s24], [sflag:$0x4], $0x80, s18, s23, $0xb8;
	[tilespmem:$0x1FC00] =	vst v63  }
0x224: {  	_ =	swait.ge [sflag:s30], $0x3200  }
0x225: {  	[sflag:s30] =	ssyncset.done $0x0  }
0x226: {  	p0 =	sne.s32 s19, $0x600;
	[sflag:s30] =	ssyncadd.s32 $0xFFFFCE00  }
.Ltmp0:
0x227: {  	_ =	swait.ge [sflag:s0], $0x3200;
	(pc) =	sbr.rel @p0 .LBB2_2-.Ltmp0, $4  }
0x228: {  	[sflag:s0] =	ssyncset.done $0x0  }
0x229: {  	[sflag:s0] =	ssyncadd.s32 $0xFFFFCE00  }
0x22a: {  	_ =	swait.ge [sflag:s28], $0x3200  }
0x22b: {  	s19 =	sadd.s32 $0x200, s19;
	s5 =	rddreg [dreg:$0x5];
	[sflag:s28] =	ssyncset.done $0x0  }
0x22c: {  	[sflag:s28] =	ssyncadd.s32 $0xFFFFCE00;
	s5 =	sadd.s32 s10, s5  }
0x22d: {  	[tilespmem:s4], [sflag:$0x7] =	stream.linear.gather [hbm4b:s5+s4], $0xC80, $0x38;
	[tilespmem:$0x1FC00] =	vst v63  }
0x22e: {  	_ =	swait.ge [sflag:s21], $0xC80  }
0x22f: {  	s7 =	rddreg [dreg:$0x4];
	[sflag:s21] =	ssyncset.done $0x0  }
0x230: {  	[sflag:s21] =	ssyncadd.s32 $0xFFFFF380;
	s5 =	sadd.s32 s10, s7  }
0x231: {  	[tilespmem:s22], [sflag:$0x7] =	stream.linear.gather [hbm4b:s5+s4], $0xC80, $0x38;
	[tilespmem:$0x1FC00] =	vst v63  }
0x232: {  	_ =	swait.ge [sflag:s21], $0xC80  }
0x233: {  	[sflag:s21] =	ssyncset.done $0x0  }
0x234: {  	[sflag:s21] =	ssyncadd.s32 $0xFFFFF380  }
0x235: {  	[tilespmem:s24], [sflag:$0x1] =	stream.indirect.gather [hbm4b:s1+s23], $0x80, s4, s23, $0xb8;
	[tilespmem:$0x1FC00] =	vst v63  }
0x236: {  	s10 =	rddreg [dreg:$0x6]  }
0x237: {  	[tilespmem:s25], [sflag:$0x2] =	stream.indirect.gather [hbm4b:s1+s23], $0x80, s10, s23, $0xb8;
	[tilespmem:$0x1FC00] =	vst v63  }
0x238: {  	s7 =	rddreg [dreg:$0x7]  }
0x239: {  	[tilespmem:s26], [sflag:$0x3] =	stream.indirect.gather [hbm4b:s1+s23], $0x80, s7, s23, $0xb8;
	[tilespmem:$0x1FC00] =	vst v63  }
0x23a: {  	_ =	swait.ge [sflag:s20], $0x3200  }
0x23b: {  	[sflag:s20] =	ssyncset.done $0x0  }
0x23c: {  	[sflag:s20] =	ssyncadd.s32 $0xFFFFCE00  }
0x23d: {  	[spmem:s2] =	stream.indirect.scatter.add.f32 [tilespmem:s24], [sflag:$0x4], $0x80, s22, s23, $0xb8;
	[tilespmem:$0x1FC00] =	vst v63  }
0x23e: {  	_ =	swait.ge [sflag:s28], $0x3200  }
0x23f: {  	[sflag:s28] =	ssyncset.done $0x0  }
0x240: {  	s19 =	rddreg [dreg:$0x8];
	[sflag:s28] =	ssyncadd.s32 $0xFFFFCE00  }
0x241: {  	[tilespmem:s24], [sflag:$0x1] =	stream.indirect.gather [hbm4b:s1+s23], $0x80, s19, s23, $0xb8;
	[tilespmem:$0x1FC00] =	vst v63  }
0x242: {  	_ =	swait.ge [sflag:s29], $0x3200  }
0x243: {  	[sflag:s29] =	ssyncset.done $0x0  }
0x244: {  	s7 =	rddreg [dreg:$0x9];
	[sflag:s29] =	ssyncadd.s32 $0xFFFFCE00  }
0x245: {  	[spmem:s2] =	stream.indirect.scatter.add.f32 [tilespmem:s25], [sflag:$0x5], $0x80, s7, s23, $0xb8;
	[tilespmem:$0x1FC00] =	vst v63  }
0x246: {  	_ =	swait.ge [sflag:s30], $0x3200  }
0x247: {  	[sflag:s30] =	ssyncset.done $0x0  }
0x248: {  	s10 =	rddreg [dreg:$0xa];
	[sflag:s30] =	ssyncadd.s32 $0xFFFFCE00  }
0x249: {  	[tilespmem:s25], [sflag:$0x2] =	stream.indirect.gather [hbm4b:s1+s23], $0x80, s10, s23, $0xb8;
	[tilespmem:$0x1FC00] =	vst v63  }
0x24a: {  	_ =	swait.ge [sflag:s31], $0x3200  }
0x24b: {  	[sflag:s31] =	ssyncset.done $0x0  }
0x24c: {  	s19 =	rddreg [dreg:$0xb];
	[sflag:s31] =	ssyncadd.s32 $0xFFFFCE00  }
0x24d: {  	[spmem:s2] =	stream.indirect.scatter.add.f32 [tilespmem:s26], [sflag:$0x6], $0x80, s19, s23, $0xb8;
	[tilespmem:$0x1FC00] =	vst v63  }
0x24e: {  	_ =	swait.ge [sflag:s0], $0x3200  }
0x24f: {  	[sflag:s0] =	ssyncset.done $0x0  }
0x250: {  	s7 =	rddreg [dreg:$0xc];
	[sflag:s0] =	ssyncadd.s32 $0xFFFFCE00  }
0x251: {  	[tilespmem:s26], [sflag:$0x3] =	stream.indirect.gather [hbm4b:s1+s23], $0x80, s7, s23, $0xb8;
	[tilespmem:$0x1FC00] =	vst v63  }
0x252: {  	_ =	swait.ge [sflag:s20], $0x3200  }
0x253: {  	[sflag:s20] =	ssyncset.done $0x0  }
0x254: {  	s10 =	rddreg [dreg:$0xd];
	[sflag:s20] =	ssyncadd.s32 $0xFFFFCE00  }
0x255: {  	[spmem:s2] =	stream.indirect.scatter.add.f32 [tilespmem:s24], [sflag:$0x4], $0x80, s10, s23, $0xb8;
	[tilespmem:$0x1FC00] =	vst v63  }
0x256: {  	_ =	swait.ge [sflag:s28], $0x3200  }
0x257: {  	[sflag:s28] =	ssyncset.done $0x0  }
0x258: {  	s19 =	rddreg [dreg:$0xe];
	[sflag:s28] =	ssyncadd.s32 $0xFFFFCE00  }
0x259: {  	[tilespmem:s24], [sflag:$0x1] =	stream.indirect.gather [hbm4b:s1+s23], $0x80, s19, s23, $0xb8;
	[tilespmem:$0x1FC00] =	vst v63  }
0x25a: {  	_ =	swait.ge [sflag:s29], $0x3200  }
0x25b: {  	[sflag:s29] =	ssyncset.done $0x0  }
0x25c: {  	s7 =	rddreg [dreg:$0xf];
	[sflag:s29] =	ssyncadd.s32 $0xFFFFCE00  }
0x25d: {  	[spmem:s2] =	stream.indirect.scatter.add.f32 [tilespmem:s25], [sflag:$0x5], $0x80, s7, s23, $0xb8;
	[tilespmem:$0x1FC00] =	vst v63  }
0x25e: {  	_ =	swait.ge [sflag:s30], $0x3200  }
0x25f: {  	[sflag:s30] =	ssyncset.done $0x0  }
0x260: {  	s10 =	rddreg [dreg:$0x10];
	[sflag:s30] =	ssyncadd.s32 $0xFFFFCE00  }
0x261: {  	[tilespmem:s25], [sflag:$0x2] =	stream.indirect.gather [hbm4b:s1+s23], $0x80, s10, s23, $0xb8;
	[tilespmem:$0x1FC00] =	vst v63  }
0x262: {  	_ =	swait.ge [sflag:s31], $0x3200  }
0x263: {  	[sflag:s31] =	ssyncset.done $0x0  }
0x264: {  	s19 =	rddreg [dreg:$0x11];
	[sflag:s31] =	ssyncadd.s32 $0xFFFFCE00  }
0x265: {  	[spmem:s2] =	stream.indirect.scatter.add.f32 [tilespmem:s26], [sflag:$0x6], $0x80, s19, s23, $0xb8;
	[tilespmem:$0x1FC00] =	vst v63  }
0x266: {  	_ =	swait.ge [sflag:s0], $0x3200  }
0x267: {  	[sflag:s0] =	ssyncset.done $0x0  }
0x268: {  	s7 =	rddreg [dreg:$0x12];
	[sflag:s0] =	ssyncadd.s32 $0xFFFFCE00  }
0x269: {  	[tilespmem:s26], [sflag:$0x3] =	stream.indirect.gather [hbm4b:s1+s23], $0x80, s7, s23, $0xb8;
	[tilespmem:$0x1FC00] =	vst v63  }
0x26a: {  	_ =	swait.ge [sflag:s20], $0x3200  }
0x26b: {  	[sflag:s20] =	ssyncset.done $0x0  }
0x26c: {  	s10 =	rddreg [dreg:$0x13];
	[sflag:s20] =	ssyncadd.s32 $0xFFFFCE00  }
0x26d: {  	[spmem:s2] =	stream.indirect.scatter.add.f32 [tilespmem:s24], [sflag:$0x4], $0x80, s10, s23, $0xb8;
	[tilespmem:$0x1FC00] =	vst v63  }
0x26e: {  	_ =	swait.ge [sflag:s28], $0x3200  }
0x26f: {  	[sflag:s28] =	ssyncset.done $0x0  }
0x270: {  	s19 =	rddreg [dreg:$0x14];
	[sflag:s28] =	ssyncadd.s32 $0xFFFFCE00  }
0x271: {  	[tilespmem:s24], [sflag:$0x1] =	stream.indirect.gather [hbm4b:s1+s23], $0x80, s19, s23, $0xb8;
	[tilespmem:$0x1FC00] =	vst v63  }
0x272: {  	_ =	swait.ge [sflag:s29], $0x3200  }
0x273: {  	[sflag:s29] =	ssyncset.done $0x0  }
0x274: {  	s7 =	rddreg [dreg:$0x15];
	[sflag:s29] =	ssyncadd.s32 $0xFFFFCE00  }
0x275: {  	[spmem:s2] =	stream.indirect.scatter.add.f32 [tilespmem:s25], [sflag:$0x5], $0x80, s7, s23, $0xb8;
	[tilespmem:$0x1FC00] =	vst v63  }
0x276: {  	_ =	swait.ge [sflag:s30], $0x3200  }
0x277: {  	[sflag:s30] =	ssyncset.done $0x0  }
0x278: {  	s10 =	rddreg [dreg:$0x16];
	[sflag:s30] =	ssyncadd.s32 $0xFFFFCE00  }
0x279: {  	[tilespmem:s25], [sflag:$0x2] =	stream.indirect.gather [hbm4b:s1+s23], $0x80, s10, s23, $0xb8;
	[tilespmem:$0x1FC00] =	vst v63  }
0x27a: {  	_ =	swait.ge [sflag:s31], $0x3200  }
0x27b: {  	[sflag:s31] =	ssyncset.done $0x0  }
0x27c: {  	s19 =	rddreg [dreg:$0x17];
	[sflag:s31] =	ssyncadd.s32 $0xFFFFCE00  }
0x27d: {  	[spmem:s2] =	stream.indirect.scatter.add.f32 [tilespmem:s26], [sflag:$0x6], $0x80, s19, s23, $0xb8;
	[tilespmem:$0x1FC00] =	vst v63  }
0x27e: {  	_ =	swait.ge [sflag:s0], $0x3200  }
0x27f: {  	[sflag:s0] =	ssyncset.done $0x0  }
0x280: {  	s7 =	rddreg [dreg:$0x18];
	[sflag:s0] =	ssyncadd.s32 $0xFFFFCE00  }
0x281: {  	[tilespmem:s26], [sflag:$0x3] =	stream.indirect.gather [hbm4b:s1+s23], $0x80, s7, s23, $0xb8;
	[tilespmem:$0x1FC00] =	vst v63  }
0x282: {  	_ =	swait.ge [sflag:s20], $0x3200  }
0x283: {  	[sflag:s20] =	ssyncset.done $0x0  }
0x284: {  	s10 =	rddreg [dreg:$0x19];
	[sflag:s20] =	ssyncadd.s32 $0xFFFFCE00  }
0x285: {  	[spmem:s2] =	stream.indirect.scatter.add.f32 [tilespmem:s24], [sflag:$0x4], $0x80, s10, s23, $0xb8;
	[tilespmem:$0x1FC00] =	vst v63  }
0x286: {  	_ =	swait.ge [sflag:s28], $0x3200  }
0x287: {  	[sflag:s28] =	ssyncset.done $0x0  }
0x288: {  	s19 =	rddreg [dreg:$0x1a];
	[sflag:s28] =	ssyncadd.s32 $0xFFFFCE00  }
0x289: {  	[tilespmem:s24], [sflag:$0x1] =	stream.indirect.gather [hbm4b:s1+s23], $0x80, s19, s23, $0xb8;
	[tilespmem:$0x1FC00] =	vst v63  }
0x28a: {  	_ =	swait.ge [sflag:s29], $0x3200  }
0x28b: {  	[sflag:s29] =	ssyncset.done $0x0  }
0x28c: {  	s7 =	rddreg [dreg:$0x1b];
	[sflag:s29] =	ssyncadd.s32 $0xFFFFCE00  }
0x28d: {  	[spmem:s2] =	stream.indirect.scatter.add.f32 [tilespmem:s25], [sflag:$0x5], $0x80, s7, s23, $0xb8;
	[tilespmem:$0x1FC00] =	vst v63  }
0x28e: {  	_ =	swait.ge [sflag:s30], $0x3200  }
0x28f: {  	[sflag:s30] =	ssyncset.done $0x0  }
0x290: {  	s10 =	rddreg [dreg:$0x1c];
	[sflag:s30] =	ssyncadd.s32 $0xFFFFCE00  }
0x291: {  	[tilespmem:s25], [sflag:$0x2] =	stream.indirect.gather [hbm4b:s1+s23], $0x80, s10, s23, $0xb8;
	[tilespmem:$0x1FC00] =	vst v63  }
0x292: {  	_ =	swait.ge [sflag:s31], $0x3200  }
0x293: {  	[sflag:s31] =	ssyncset.done $0x0  }
0x294: {  	s19 =	rddreg [dreg:$0x1d];
	[sflag:s31] =	ssyncadd.s32 $0xFFFFCE00  }
0x295: {  	[spmem:s2] =	stream.indirect.scatter.add.f32 [tilespmem:s26], [sflag:$0x6], $0x80, s19, s23, $0xb8;
	[tilespmem:$0x1FC00] =	vst v63  }
0x296: {  	_ =	swait.ge [sflag:s0], $0x3200  }
0x297: {  	[sflag:s0] =	ssyncset.done $0x0  }
0x298: {  	s7 =	rddreg [dreg:$0x1e];
	[sflag:s0] =	ssyncadd.s32 $0xFFFFCE00  }
0x299: {  	[tilespmem:s26], [sflag:$0x3] =	stream.indirect.gather [hbm4b:s1+s23], $0x80, s7, s23, $0xb8;
	[tilespmem:$0x1FC00] =	vst v63  }
0x29a: {  	_ =	swait.ge [sflag:s20], $0x3200  }
0x29b: {  	[sflag:s20] =	ssyncset.done $0x0  }
0x29c: {  	s10 =	rddreg [dreg:$0x1f];
	[sflag:s20] =	ssyncadd.s32 $0xFFFFCE00  }
0x29d: {  	[spmem:s2] =	stream.indirect.scatter.add.f32 [tilespmem:s24], [sflag:$0x4], $0x80, s10, s23, $0xb8;
	[tilespmem:$0x1FC00] =	vst v63  }
0x29e: {  	_ =	swait.ge [sflag:s28], $0x3200  }
0x29f: {  	s19 =	sld [smem:$0x7F0]  }
0x2a0: {  	[sflag:s28] =	ssyncset.done $0x0  }
0x2a1: {  	[sflag:s28] =	ssyncadd.s32 $0xFFFFCE00  }
0x2a2: {  	[tilespmem:s24], [sflag:$0x1] =	stream.indirect.gather [hbm4b:s1+s23], $0x80, s19, s23, $0xb8;
	[tilespmem:$0x1FC00] =	vst v63  }
0x2a3: {  	_ =	swait.ge [sflag:s29], $0x3200  }
0x2a4: {  	s7 =	sld [smem:$0x7F2]  }
0x2a5: {  	[sflag:s29] =	ssyncset.done $0x0  }
0x2a6: {  	[sflag:s29] =	ssyncadd.s32 $0xFFFFCE00  }
0x2a7: {  	[spmem:s2] =	stream.indirect.scatter.add.f32 [tilespmem:s25], [sflag:$0x5], $0x80, s7, s23, $0xb8;
	[tilespmem:$0x1FC00] =	vst v63  }
0x2a8: {  	_ =	swait.ge [sflag:s30], $0x3200  }
0x2a9: {  	s10 =	sld [smem:$0x7F4]  }
0x2aa: {  	[sflag:s30] =	ssyncset.done $0x0  }
0x2ab: {  	[sflag:s30] =	ssyncadd.s32 $0xFFFFCE00  }
0x2ac: {  	[tilespmem:s25], [sflag:$0x2] =	stream.indirect.gather [hbm4b:s1+s23], $0x80, s10, s23, $0xb8;
	[tilespmem:$0x1FC00] =	vst v63  }
0x2ad: {  	_ =	swait.ge [sflag:s31], $0x3200  }
0x2ae: {  	s19 =	sld [smem:$0x7F6]  }
0x2af: {  	[sflag:s31] =	ssyncset.done $0x0  }
0x2b0: {  	[sflag:s31] =	ssyncadd.s32 $0xFFFFCE00  }
0x2b1: {  	[spmem:s2] =	stream.indirect.scatter.add.f32 [tilespmem:s26], [sflag:$0x6], $0x80, s19, s23, $0xb8;
	[tilespmem:$0x1FC00] =	vst v63  }
0x2b2: {  	_ =	swait.ge [sflag:s0], $0x3200  }
0x2b3: {  	s7 =	sld [smem:$0x7F7]  }
0x2b4: {  	[sflag:s0] =	ssyncset.done $0x0  }
0x2b5: {  	[sflag:s0] =	ssyncadd.s32 $0xFFFFCE00  }
0x2b6: {  	[tilespmem:s26], [sflag:$0x3] =	stream.indirect.gather [hbm4b:s1+s23], $0x80, s7, s23, $0xb8;
	[tilespmem:$0x1FC00] =	vst v63  }
0x2b7: {  	_ =	swait.ge [sflag:s20], $0x3200  }
0x2b8: {  	s10 =	sld [smem:$0x7F8]  }
0x2b9: {  	[sflag:s20] =	ssyncset.done $0x0  }
0x2ba: {  	[sflag:s20] =	ssyncadd.s32 $0xFFFFCE00  }
0x2bb: {  	[spmem:s2] =	stream.indirect.scatter.add.f32 [tilespmem:s24], [sflag:$0x4], $0x80, s10, s23, $0xb8;
	[tilespmem:$0x1FC00] =	vst v63  }
0x2bc: {  	_ =	swait.ge [sflag:s28], $0x3200  }
0x2bd: {  	s19 =	sld [smem:$0x7F9]  }
0x2be: {  	[sflag:s28] =	ssyncset.done $0x0  }
0x2bf: {  	[sflag:s28] =	ssyncadd.s32 $0xFFFFCE00  }
0x2c0: {  	[tilespmem:s24], [sflag:$0x1] =	stream.indirect.gather [hbm4b:s1+s23], $0x80, s19, s23, $0xb8;
	[tilespmem:$0x1FC00] =	vst v63  }
0x2c1: {  	_ =	swait.ge [sflag:s29], $0x3200  }
0x2c2: {  	s7 =	sld [smem:$0x7FA]  }
0x2c3: {  	[sflag:s29] =	ssyncset.done $0x0  }
0x2c4: {  	[sflag:s29] =	ssyncadd.s32 $0xFFFFCE00  }
0x2c5: {  	[spmem:s2] =	stream.indirect.scatter.add.f32 [tilespmem:s25], [sflag:$0x5], $0x80, s7, s23, $0xb8;
	[tilespmem:$0x1FC00] =	vst v63  }
0x2c6: {  	_ =	swait.ge [sflag:s30], $0x3200  }
0x2c7: {  	s10 =	sld [smem:$0x7FB]  }
0x2c8: {  	[sflag:s30] =	ssyncset.done $0x0  }
0x2c9: {  	[sflag:s30] =	ssyncadd.s32 $0xFFFFCE00  }
0x2ca: {  	[tilespmem:s25], [sflag:$0x2] =	stream.indirect.gather [hbm4b:s1+s23], $0x80, s10, s23, $0xb8;
	[tilespmem:$0x1FC00] =	vst v63  }
0x2cb: {  	_ =	swait.ge [sflag:s31], $0x3200  }
0x2cc: {  	s19 =	sld [smem:$0x7FC]  }
0x2cd: {  	[sflag:s31] =	ssyncset.done $0x0  }
0x2ce: {  	[sflag:s31] =	ssyncadd.s32 $0xFFFFCE00  }
0x2cf: {  	[spmem:s2] =	stream.indirect.scatter.add.f32 [tilespmem:s26], [sflag:$0x6], $0x80, s19, s23, $0xb8;
	[tilespmem:$0x1FC00] =	vst v63  }
0x2d0: {  	_ =	swait.ge [sflag:s0], $0x3200  }
0x2d1: {  	[sflag:s0] =	ssyncset.done $0x0  }
0x2d2: {  	[sflag:s0] =	ssyncadd.s32 $0xFFFFCE00  }
0x2d3: {  	[tilespmem:s26], [sflag:$0x3] =	stream.indirect.gather [hbm4b:s1+s23], $0x80, s3, s23, $0xb8;
	[tilespmem:$0x1FC00] =	vst v63  }
0x2d4: {  	_ =	swait.ge [sflag:s20], $0x3200  }
0x2d5: {  	[sflag:s20] =	ssyncset.done $0x0  }
0x2d6: {  	[sflag:s20] =	ssyncadd.s32 $0xFFFFCE00  }
0x2d7: {  	[spmem:s2] =	stream.indirect.scatter.add.f32 [tilespmem:s24], [sflag:$0x4], $0x80, s8, s23, $0xb8;
	[tilespmem:$0x1FC00] =	vst v63  }
0x2d8: {  	_ =	swait.ge [sflag:s28], $0x3200  }
0x2d9: {  	[sflag:s28] =	ssyncset.done $0x0  }
0x2da: {  	[sflag:s28] =	ssyncadd.s32 $0xFFFFCE00  }
0x2db: {  	[tilespmem:s24], [sflag:$0x1] =	stream.indirect.gather [hbm4b:s1+s23], $0x80, s6, s23, $0xb8;
	[tilespmem:$0x1FC00] =	vst v63  }
0x2dc: {  	_ =	swait.ge [sflag:s29], $0x3200  }
0x2dd: {  	[sflag:s29] =	ssyncset.done $0x0  }
0x2de: {  	[sflag:s29] =	ssyncadd.s32 $0xFFFFCE00  }
0x2df: {  	[spmem:s2] =	stream.indirect.scatter.add.f32 [tilespmem:s25], [sflag:$0x5], $0x80, s9, s23, $0xb8;
	[tilespmem:$0x1FC00] =	vst v63  }
0x2e0: {  	_ =	swait.ge [sflag:s30], $0x3200  }
0x2e1: {  	[sflag:s30] =	ssyncset.done $0x0  }
0x2e2: {  	[sflag:s30] =	ssyncadd.s32 $0xFFFFCE00  }
0x2e3: {  	[tilespmem:s25], [sflag:$0x2] =	stream.indirect.gather [hbm4b:s1+s23], $0x80, s11, s23, $0xb8;
	[tilespmem:$0x1FC00] =	vst v63  }
0x2e4: {  	_ =	swait.ge [sflag:s31], $0x3200  }
0x2e5: {  	[sflag:s31] =	ssyncset.done $0x0  }
0x2e6: {  	[sflag:s31] =	ssyncadd.s32 $0xFFFFCE00  }
0x2e7: {  	[spmem:s2] =	stream.indirect.scatter.add.f32 [tilespmem:s26], [sflag:$0x6], $0x80, s12, s23, $0xb8;
	[tilespmem:$0x1FC00] =	vst v63  }
0x2e8: {  	_ =	swait.ge [sflag:s0], $0x3200  }
0x2e9: {  	[sflag:s0] =	ssyncset.done $0x0  }
0x2ea: {  	[sflag:s0] =	ssyncadd.s32 $0xFFFFCE00  }
0x2eb: {  	[tilespmem:s26], [sflag:$0x3] =	stream.indirect.gather [hbm4b:s1+s23], $0x80, s13, s23, $0xb8;
	[tilespmem:$0x1FC00] =	vst v63  }
0x2ec: {  	_ =	swait.ge [sflag:s20], $0x3200  }
0x2ed: {  	[sflag:s20] =	ssyncset.done $0x0  }
0x2ee: {  	[sflag:s20] =	ssyncadd.s32 $0xFFFFCE00  }
0x2ef: {  	[spmem:s2] =	stream.indirect.scatter.add.f32 [tilespmem:s24], [sflag:$0x4], $0x80, s14, s23, $0xb8;
	[tilespmem:$0x1FC00] =	vst v63  }
0x2f0: {  	_ =	swait.ge [sflag:s28], $0x3200  }
0x2f1: {  	[sflag:s28] =	ssyncset.done $0x0  }
0x2f2: {  	[sflag:s28] =	ssyncadd.s32 $0xFFFFCE00  }
0x2f3: {  	[tilespmem:s24], [sflag:$0x1] =	stream.indirect.gather [hbm4b:s1+s23], $0x80, s15, s23, $0xb8;
	[tilespmem:$0x1FC00] =	vst v63  }
0x2f4: {  	_ =	swait.ge [sflag:s29], $0x3200  }
0x2f5: {  	[sflag:s29] =	ssyncset.done $0x0  }
0x2f6: {  	[sflag:s29] =	ssyncadd.s32 $0xFFFFCE00  }
0x2f7: {  	[spmem:s2] =	stream.indirect.scatter.add.f32 [tilespmem:s25], [sflag:$0x5], $0x80, s16, s23, $0xb8;
	[tilespmem:$0x1FC00] =	vst v63  }
0x2f8: {  	_ =	swait.ge [sflag:s31], $0x3200  }
0x2f9: {  	[sflag:s31] =	ssyncset.done $0x0  }
0x2fa: {  	[sflag:s31] =	ssyncadd.s32 $0xFFFFCE00  }
0x2fb: {  	[spmem:s2] =	stream.indirect.scatter.add.f32 [tilespmem:s26], [sflag:$0x6], $0x80, s17, s23, $0xb8;
	[tilespmem:$0x1FC00] =	vst v63  }
0x2fc: {  	_ =	swait.ge [sflag:s20], $0x3200  }
0x2fd: {  	[sflag:s20] =	ssyncset.done $0x0  }
0x2fe: {  	[sflag:s20] =	ssyncadd.s32 $0xFFFFCE00  }
0x2ff: {  	[spmem:s2] =	stream.indirect.scatter.add.f32 [tilespmem:s24], [sflag:$0x4], $0x80, s18, s23, $0xb8;
	[tilespmem:$0x1FC00] =	vst v63  }
0x300: {  	_ =	swait.ge [sflag:s30], $0x3200  }
0x301: {  	[sflag:s30] =	ssyncset.done $0x0  }
0x302: {  	[sflag:s30] =	ssyncadd.s32 $0xFFFFCE00  }
0x303: {  	_ =	swait.ge [sflag:s0], $0x3200  }
0x304: {  	[sflag:s0] =	ssyncset.done $0x0  }
0x305: {  	[sflag:s0] =	ssyncadd.s32 $0xFFFFCE00  }
0x306: {  	_ =	swait.ge [sflag:s28], $0x3200  }
0x307: {  	[sflag:s28] =	ssyncset.done $0x0  }
0x308: {  	[sflag:s28] =	ssyncadd.s32 $0xFFFFCE00  }
0x309: {  	[bflag:$0x0] =	sbarrier.arrive $0xFFFF  }
0x30a: {  	s7 =	sld [smem:$0x7E6]  }
0x30b: {  	s10 =	sld [smem:$0x7E8]  }
0x30c: {  	s19 =	sld [smem:$0x7FD];
	_ =	sdelay $0x1  }
0x30d: {  	s5 =	sor.u32 $0x1C07, s7  }
0x30e: {  	[hbm:s10], [sflag:s5] =	dma.local [spmem:s19], $0x2800  }
0x30f: {  	_ =	swait.ge [sflag:s21], $0x2800  }
0x310: {  	s5 =	sld [smem:$0x7E4]  }
0x311: {  	s10 =	sld [smem:$0x7E9];
	_ =	sdelay $0x1  }
0x312: {  	s7 =	sadd.s32 $0x1, s5  }
0x313: {  	p0 =	sne.s32 s7, s10  }
.Ltmp1:
0x314: {  	_ = 	snop;
	(pc) =	sbr.rel @p0 .LBB2_1-.Ltmp1, $3  }
0x315: {  	_ =	sdelay $0x1  }
0x316: {  	[sflag:s21] =	ssyncset.done $0x0  }
0x317: {  	[sflag:s21] =	ssyncadd.s32 $0xFFFFD800  }
0x318: {  	_ =	sfence.sel $0x180000  }
0x319: {  	[bflag:$0x0] =	sbarrier.arrive $0xFFFF  }
0x31a: {  	_ =	strace $0x9000004A  }
0x31b: {  	s0 =	stileid.u32;
	[bflag:$0x2] =	sbarrier.arrive $0xFFFF  }
0x31c: {  	p0 =	sne.s32 s0, $0x0;
	s0 =	rddreg [dreg:$0x3]  }
0x31d: {  	s0 =	sadd.s32 @!p0 $0x100000, s0  }
0x31e: {  	[sflag:s0] =	ssyncadd.tile.s32 @!p0 $0x1;
	_ =	shalt  }
.Lfunc_end2:
_tile_overlayer_lowered:
.L_overlay_start_2:
0x31f: {  	(tag) =	ssettag $0x2  }
0x320: {  	s0 =	rddreg [dreg:$0x0];
	s2 =	stileid.u32  }
0x321: {  	s1 =	rddreg [dreg:$0x1];
	p0 =	sne.s32 s2, $0x0  }
0x322: {  	s3 =	rddreg [dreg:$0x2];
	[bflag:$0x3] =	sbarrier.arrive $0xFFFF;
	s2 =	simm.s32 @!p0 $0x1C07  }
0x323: {  	[timem:s3], [sflag:s2] =	dma.local @!p0 [hbm:s0], s1  }
0x324: {  	s0 =	simm.s32 @!p0 $0x7  }
0x325: {  	_ =	swait.ge @!p0 [sflag:s0], s1  }
0x326: {  	s1 =	ssub.s32 @!p0 $0x0, s1;
	[sflag:s0] =	ssyncset.done @!p0 $0x0  }
0x327: {  	[sflag:s0] =	ssyncadd.s32 @!p0 s1  }
0x328: {  	[bflag:$0x3] =	sbarrier.arrive $0xFFFF  }
0x329: {  	_ =	shalt  }

</sc_bundles>
